<compile_context>
chip_gen: v7x
topology: tpu7x:2x2x1
jax: 0.10.2.dev20260603
libtpu: 0.0.44.dev20260713+nightly
codegen_flags: <defaults>
</compile_context>

<pallas_src>
import functools

import jax
import jax.numpy as jnp
from jax import lax
from jax.experimental import pallas as pl
from jax.experimental.pallas import tpu as pltpu
from jax.experimental.pallas import tpu_sc as plsc

RESO = 128
NPTS = 2_000_000
BLK = 3200
NTILE = NPTS // 128
QB = BLK // 128
NBLK = NPTS // BLK
NWORKERS = 32
NT = (NBLK + NWORKERS - 1) // NWORKERS
CHUNKS = BLK // 16

_F32 = jnp.float32
_I32 = jnp.int32


def _rsqrt(s):
    i = lax.bitcast_convert_type(s, _I32)
    i = jnp.int32(0x5F3759DF) - lax.shift_right_arithmetic(i, 1)
    y = lax.bitcast_convert_type(i, _F32)
    for _ in range(3):
        y = y * (1.5 - 0.5 * s * y * y)
    return y


def _make_body(is_sdf):
    mult = 1 if is_sdf else 3

    def _body(*args):
        (pts_h, idx_h, xl_h, yl_h, zl_h, off_h), rest = args[:6], args[6:]
        out_h, rest = rest[0], rest[1:]
        (xl_v, yl_v, zl_v, off_v) = rest[:4]
        idx_b = rest[4:6]
        pts_b = rest[6:8]
        out_b = rest[8:10]
        isem0, isem1, osem0, osem1 = rest[10:]

        w = lax.axis_index("s") * 2 + lax.axis_index("c")
        pltpu.sync_copy(xl_h, xl_v)
        pltpu.sync_copy(yl_h, yl_v)
        pltpu.sync_copy(zl_h, zl_v)
        pltpu.sync_copy(off_h, off_v)

        isem = (isem0, isem1)
        osem = (osem0, osem1)
        d = off_v[0]
        e = off_v[1]
        f = off_v[2]
        g = off_v[3]

        nblk_w = (NBLK - 1 - w) // NWORKERS + 1

        def hbase(k):
            return (w + k * NWORKERS) * BLK

        def in_start(k, sl):
            base = hbase(k)
            sem = isem[sl]
            pltpu.async_copy(idx_h.at[pl.ds(base, BLK)], idx_b[sl], sem)
            pltpu.async_copy(pts_h.at[pl.ds(3 * base, 3 * BLK)], pts_b[sl], sem)

        def in_wait(sl):
            sem = isem[sl]
            pltpu.make_async_copy(idx_h.at[pl.ds(0, BLK)], idx_b[sl], sem).wait()
            pltpu.make_async_copy(pts_h.at[pl.ds(0, 3 * BLK)], pts_b[sl],
                                  sem).wait()

        def out_start(k, sl):
            base = hbase(k)
            pltpu.async_copy(out_b[sl], out_h.at[pl.ds(mult * base, mult * BLK)],
                             osem[sl])

        def out_wait(sl):
            pltpu.make_async_copy(out_b[sl], out_h.at[pl.ds(0, mult * BLK)],
                                  osem[sl]).wait()

        def decode(sl, i):
            s = i * 16
            off = (lax.shift_right_logical(i, 3) * 384
                   + lax.bitwise_and(i, 7) * 16)
            idx = idx_b[sl][pl.ds(s, 16)]
            iz = lax.bitwise_and(idx, 127)
            iy = lax.bitwise_and(lax.shift_right_logical(idx, 7), 127)
            ix = lax.shift_right_logical(idx, 14)
            a = plsc.load_gather(xl_v, [ix])
            b = plsc.load_gather(yl_v, [iy])
            c = plsc.load_gather(zl_v, [iz])
            px = pts_b[sl][pl.ds(off, 16)] + ix.astype(_F32)
            py = pts_b[sl][pl.ds(off + 128, 16)] + iy.astype(_F32)
            pz = pts_b[sl][pl.ds(off + 256, 16)] + iz.astype(_F32)
            return a, b, c, px, py, pz, off

        def compute(sl):
            if is_sdf:
                @plsc.parallel_loop(0, CHUNKS, 1, unroll=8)
                def _(i):
                    a, b, c, px, py, pz, _ = decode(sl, i)
                    val = (px * (a * px + d) + py * (b * py + e)
                           + pz * (c * pz + f) + g)
                    out_b[sl][pl.ds(i * 16, 16)] = val
            else:
                @plsc.parallel_loop(0, CHUNKS, 1, unroll=8)
                def _(i):
                    a, b, c, px, py, pz, off = decode(sl, i)
                    gx = 2.0 * a * px + d
                    gy = 2.0 * b * py + e
                    gz = 2.0 * c * pz + f
                    s2 = gx * gx + gy * gy + gz * gz
                    norm = s2 * _rsqrt(s2)
                    inv = 1.0 / (norm + 1e-8)
                    out_b[sl][pl.ds(off, 16)] = gx * inv
                    out_b[sl][pl.ds(off + 128, 16)] = gy * inv
                    out_b[sl][pl.ds(off + 256, 16)] = gz * inv

        @pl.when(nblk_w > 0)
        def _():
            in_start(0, 0)

        def pair(k2, carry):
            for b2 in (0, 1):
                k = 2 * k2 + b2

                @pl.when(k + 1 < nblk_w)
                def _():
                    in_start(k + 1, 1 - b2)

                @pl.when(k < nblk_w)
                def _():
                    in_wait(b2)

                    @pl.when(k >= 2)
                    def _():
                        out_wait(b2)

                    compute(b2)
                    out_start(k, b2)
            return carry

        lax.fori_loop(0, (NT + 1) // 2, pair, 0)
        out_wait(0)

        @pl.when(nblk_w >= 2)
        def _():
            out_wait(1)

    return _body


def _make_call(is_sdf):
    mult = 1 if is_sdf else 3
    return functools.partial(
        pl.kernel,
        out_type=[jax.ShapeDtypeStruct((mult * NPTS,), _F32)],
        mesh=plsc.VectorSubcoreMesh(core_axis_name="c", subcore_axis_name="s"),
        compiler_params=pltpu.CompilerParams(
            needs_layout_passes=False, use_tc_tiling_on_sc=False),
        scratch_types=[
            pltpu.VMEM((RESO,), _F32),
            pltpu.VMEM((RESO,), _F32),
            pltpu.VMEM((RESO,), _F32),
            pltpu.VMEM((4, 16), _F32),
        ] + [pltpu.VMEM((BLK,), _I32)] * 2
        + [pltpu.VMEM((3 * BLK,), _F32)] * 2
        + [pltpu.VMEM((mult * BLK,), _F32)] * 2
        + [
            pltpu.SemaphoreType.DMA,
            pltpu.SemaphoreType.DMA,
            pltpu.SemaphoreType.DMA,
            pltpu.SemaphoreType.DMA,
        ],
    )(_make_body(is_sdf))


_sdf_call = _make_call(True)
_nrm_call = _make_call(False)


def kernel(renderPointList, renderIndexList, sdfPointList, sdfIndexList,
           xLayer, yLayer, zLayer, offset):
    off16 = jnp.broadcast_to(offset[:, None], (4, 16))
    spts = sdfPointList.reshape(NTILE, 128, 3).transpose(0, 2, 1).reshape(-1)
    rpts = renderPointList.reshape(NTILE, 128, 3).transpose(0, 2, 1).reshape(-1)
    sdf, = _sdf_call(
        spts, sdfIndexList, xLayer, yLayer, zLayer, off16)
    nout, = _nrm_call(
        rpts, renderIndexList, xLayer, yLayer, zLayer, off16)
    nrm = nout.reshape(NTILE, 3, 128).transpose(0, 2, 1).reshape(NPTS, 3)
    return (sdf, nrm)

# --- scband reference (transcript-rebuilt; emitter-appended) ---
"""Pipeline reference for scband-quadric-grid-52295521796844 (READ-ONLY COPY).

The authoritative reference and input builder live on the scoring server;
editing this copy changes nothing except your own understanding.
"""

import jax, jax.numpy as jnp
import numpy as np

RESO = 128
NPTS = 2000000


def _layer_to_grid(xLayer, yLayer, zLayer, offset):
    reso = xLayer.shape[0]
    a = jnp.broadcast_to(xLayer[:, None, None], (reso, reso, reso))
    b = jnp.broadcast_to(yLayer[None, :, None], (reso, reso, reso))
    c = jnp.broadcast_to(zLayer[None, None, :], (reso, reso, reso))
    abc = jnp.stack([a, b, c], axis=-1)
    off = jnp.broadcast_to(offset[None, None, None, :], (reso, reso, reso, 4))
    return jnp.concatenate([abc, off], axis=-1)  # (reso, reso, reso, 7)


def _gather_coef(grid, idx):
    reso = grid.shape[0]
    flat = grid.reshape(reso * reso * reso, 7)
    coef = jnp.take(flat, idx, axis=0)  # (P, 7) gather
    iz = idx % reso
    iy = (idx // reso) % reso
    ix = idx // (reso * reso)
    base = jnp.stack([ix, iy, iz], axis=-1).astype(jnp.float32)
    return coef, base


def _sample_sdf(grid, points, idx):
    coef, base = _gather_coef(grid, idx)
    p = base + points
    a, b, c = coef[:, 0], coef[:, 1], coef[:, 2]
    d, e, f, g = coef[:, 3], coef[:, 4], coef[:, 5], coef[:, 6]
    px, py, pz = p[:, 0], p[:, 1], p[:, 2]
    return a * px * px + b * py * py + c * pz * pz + d * px + e * py + f * pz + g


def _sample_normal(grid, points, idx):
    coef, base = _gather_coef(grid, idx)
    p = base + points
    a, b, c = coef[:, 0], coef[:, 1], coef[:, 2]
    d, e, f = coef[:, 3], coef[:, 4], coef[:, 5]
    px, py, pz = p[:, 0], p[:, 1], p[:, 2]
    gx = 2.0 * a * px + d
    gy = 2.0 * b * py + e
    gz = 2.0 * c * pz + f
    n = jnp.stack([gx, gy, gz], axis=-1)
    norm = jnp.sqrt(jnp.sum(n * n, axis=-1, keepdims=True))
    return n / (norm + 1e-8)


def setup_inputs(seed: int = 0):
    reso = RESO
    key = jax.random.key(seed)
    k1, k2, k3, k4 = jax.random.split(key, 4)
    renderPointList = jax.random.uniform(k1, (NPTS, 3), dtype=jnp.float32)
    renderIndexList = jax.random.randint(k2, (NPTS,), 0, reso * reso * reso, dtype=jnp.int32)
    sdfPointList = jax.random.uniform(k3, (NPTS, 3), dtype=jnp.float32)
    sdfIndexList = jax.random.randint(k4, (NPTS,), 0, reso * reso * reso, dtype=jnp.int32)
    xLayer = jnp.ones((reso,), dtype=jnp.float32)
    yLayer = jnp.ones((reso,), dtype=jnp.float32)
    zLayer = jnp.ones((reso,), dtype=jnp.float32)
    cc = 1.0 - reso
    radius = float(reso)
    offset = jnp.array([2.0 * cc, 2.0 * cc, 2.0 * cc, 3.0 * cc * cc - radius * radius], dtype=jnp.float32)
    return {
        'renderPointList': renderPointList,
        'renderIndexList': renderIndexList,
        'sdfPointList': sdfPointList,
        'sdfIndexList': sdfIndexList,
        'xLayer': xLayer,
        'yLayer': yLayer,
        'zLayer': zLayer,
        'offset': offset,
    }


def reference(renderPointList, renderIndexList, sdfPointList, sdfIndexList, xLayer, yLayer, zLayer, offset):
    sdfGrid = _layer_to_grid(xLayer, yLayer, zLayer, offset)
    sdfList = _sample_sdf(sdfGrid, sdfPointList, sdfIndexList)
    normalList = _sample_normal(sdfGrid, renderPointList, renderIndexList)
    return (sdfList, normalList)

if __name__ == "__main__":
    import jax
    _d = setup_inputs()
    print(jax.jit(kernel)(*tuple(_d.values())))

</pallas_src>

<mosaic_0001>
#map = affine_map<(d0, d1) -> (0)>
#map1 = affine_map<(d0, d1) -> (0, 0)>
module attributes {stable_mosaic.version = 14 : i64} {
  func.func @_body(%arg0: i32, %arg1: i32, %arg2: memref<6000000xf32, #tpu.memory_space<hbm>>, %arg3: memref<2000000xi32, #tpu.memory_space<hbm>>, %arg4: memref<128xf32, #tpu.memory_space<hbm>>, %arg5: memref<128xf32, #tpu.memory_space<hbm>>, %arg6: memref<128xf32, #tpu.memory_space<hbm>>, %arg7: memref<4x16xf32, #tpu.memory_space<hbm>>, %arg8: memref<6000000xf32, #tpu.memory_space<hbm>>, %arg9: memref<128xf32, #tpu.memory_space<vmem>>, %arg10: memref<128xf32, #tpu.memory_space<vmem>>, %arg11: memref<128xf32, #tpu.memory_space<vmem>>, %arg12: memref<4x16xf32, #tpu.memory_space<vmem>>, %arg13: memref<3200xi32, #tpu.memory_space<vmem>>, %arg14: memref<3200xi32, #tpu.memory_space<vmem>>, %arg15: memref<9600xf32, #tpu.memory_space<vmem>>, %arg16: memref<9600xf32, #tpu.memory_space<vmem>>, %arg17: memref<9600xf32, #tpu.memory_space<vmem>>, %arg18: memref<9600xf32, #tpu.memory_space<vmem>>, %arg19: memref<!tpu.dma_semaphore, #tpu.memory_space<semaphore_mem>>, %arg20: memref<!tpu.dma_semaphore, #tpu.memory_space<semaphore_mem>>, %arg21: memref<!tpu.dma_semaphore, #tpu.memory_space<semaphore_mem>>, %arg22: memref<!tpu.dma_semaphore, #tpu.memory_space<semaphore_mem>>) attributes {dimension_semantics = [#tpu.dimension_semantics<core_parallel>, #tpu.dimension_semantics<subcore_parallel>], iteration_bounds = array<i64: 2, 16>, scalar_prefetch = 0 : i64, scratch_operands = 14 : i64, tpu.core_type = #tpu.core_type<sc_vector_subcore>, window_params = [{transform_indices = #map}, {transform_indices = #map}, {transform_indices = #map}, {transform_indices = #map}, {transform_indices = #map}, {transform_indices = #map1}, {transform_indices = #map}]} {
    %mul3A = arith.constant 2 : i32
    %mul3A_0 = arith.muli %arg1, %mul3A : i32
    %add3A = arith.addi %mul3A_0, %arg0 : i32
    "tpu.region"() ({
      %run_scoped3A = tpu.sem_alloc : memref<!tpu.dma_semaphore, #tpu.memory_space<semaphore_mem>>
      tpu.enqueue_dma source(%arg4 : memref<128xf32, #tpu.memory_space<hbm>>) target(%arg9 : memref<128xf32, #tpu.memory_space<vmem>>) target_semaphore(%run_scoped3A : memref<!tpu.dma_semaphore, #tpu.memory_space<semaphore_mem>>)
      tpu.wait_dma2 semaphore(%run_scoped3A : memref<!tpu.dma_semaphore, #tpu.memory_space<semaphore_mem>>) src(%arg4 : memref<128xf32, #tpu.memory_space<hbm>>) dst(%arg9 : memref<128xf32, #tpu.memory_space<vmem>>)
      tpu.yield
    }) : () -> ()
    "tpu.region"() ({
      %run_scoped3A = tpu.sem_alloc : memref<!tpu.dma_semaphore, #tpu.memory_space<semaphore_mem>>
      tpu.enqueue_dma source(%arg5 : memref<128xf32, #tpu.memory_space<hbm>>) target(%arg10 : memref<128xf32, #tpu.memory_space<vmem>>) target_semaphore(%run_scoped3A : memref<!tpu.dma_semaphore, #tpu.memory_space<semaphore_mem>>)
      tpu.wait_dma2 semaphore(%run_scoped3A : memref<!tpu.dma_semaphore, #tpu.memory_space<semaphore_mem>>) src(%arg5 : memref<128xf32, #tpu.memory_space<hbm>>) dst(%arg10 : memref<128xf32, #tpu.memory_space<vmem>>)
      tpu.yield
    }) : () -> ()
    "tpu.region"() ({
      %run_scoped3A = tpu.sem_alloc : memref<!tpu.dma_semaphore, #tpu.memory_space<semaphore_mem>>
      tpu.enqueue_dma source(%arg6 : memref<128xf32, #tpu.memory_space<hbm>>) target(%arg11 : memref<128xf32, #tpu.memory_space<vmem>>) target_semaphore(%run_scoped3A : memref<!tpu.dma_semaphore, #tpu.memory_space<semaphore_mem>>)
      tpu.wait_dma2 semaphore(%run_scoped3A : memref<!tpu.dma_semaphore, #tpu.memory_space<semaphore_mem>>) src(%arg6 : memref<128xf32, #tpu.memory_space<hbm>>) dst(%arg11 : memref<128xf32, #tpu.memory_space<vmem>>)
      tpu.yield
    }) : () -> ()
    "tpu.region"() ({
      %run_scoped3A = tpu.sem_alloc : memref<!tpu.dma_semaphore, #tpu.memory_space<semaphore_mem>>
      tpu.enqueue_dma source(%arg7 : memref<4x16xf32, #tpu.memory_space<hbm>>) target(%arg12 : memref<4x16xf32, #tpu.memory_space<vmem>>) target_semaphore(%run_scoped3A : memref<!tpu.dma_semaphore, #tpu.memory_space<semaphore_mem>>)
      tpu.wait_dma2 semaphore(%run_scoped3A : memref<!tpu.dma_semaphore, #tpu.memory_space<semaphore_mem>>) src(%arg7 : memref<4x16xf32, #tpu.memory_space<hbm>>) dst(%arg12 : memref<4x16xf32, #tpu.memory_space<vmem>>)
      tpu.yield
    }) : () -> ()
    %get3A = arith.constant 0 : i32
    %get3A_1 = arith.index_cast %get3A : i32 to index
    %get3A_2 = arith.constant 0 : index
    %get3A_3 = tpu.vector_load %arg12[%get3A_1, %get3A_2] {strides = array<i32>} : memref<4x16xf32, #tpu.memory_space<vmem>>, vector<16xf32>,
    %get3A_4 = arith.constant 1 : i32
    %get3A_5 = arith.index_cast %get3A_4 : i32 to index
    %get3A_6 = arith.constant 0 : index
    %get3A_7 = tpu.vector_load %arg12[%get3A_5, %get3A_6] {strides = array<i32>} : memref<4x16xf32, #tpu.memory_space<vmem>>, vector<16xf32>,
    %get3A_8 = arith.constant 2 : i32
    %get3A_9 = arith.index_cast %get3A_8 : i32 to index
    %get3A_10 = arith.constant 0 : index
    %get3A_11 = tpu.vector_load %arg12[%get3A_9, %get3A_10] {strides = array<i32>} : memref<4x16xf32, #tpu.memory_space<vmem>>, vector<16xf32>,
    %get3A_12 = arith.constant 3 : i32
    %get3A_13 = arith.index_cast %get3A_12 : i32 to index
    %get3A_14 = arith.constant 0 : index
    %get3A_15 = tpu.vector_load %arg12[%get3A_13, %get3A_14] {strides = array<i32>} : memref<4x16xf32, #tpu.memory_space<vmem>>, vector<16xf32>,
    %sub3A = arith.constant 624 : i32
    %sub3A_16 = arith.subi %sub3A, %add3A : i32
    %jit3A = arith.constant 32 : i32
    %div3A = arith.divsi %sub3A_16, %jit3A : i32
    %sign3A = arith.constant 0 : i32
    %sign3A_17 = arith.cmpi sgt, %sub3A_16, %sign3A : i32
    %sign3A_18 = arith.extui %sign3A_17 : i1 to i32
    %sign3A_19 = arith.constant 0 : i32
    %sign3A_20 = arith.cmpi slt, %sub3A_16, %sign3A_19 : i32
    %sign3A_21 = arith.extui %sign3A_20 : i1 to i32
    %sign3A_22 = arith.subi %sign3A_18, %sign3A_21 : i32
    %sign3A_23 = arith.constant 0 : i32
    %sign3A_24 = arith.cmpi sgt, %jit3A, %sign3A_23 : i32
    %sign3A_25 = arith.extui %sign3A_24 : i1 to i32
    %sign3A_26 = arith.constant 0 : i32
    %sign3A_27 = arith.cmpi slt, %jit3A, %sign3A_26 : i32
    %sign3A_28 = arith.extui %sign3A_27 : i1 to i32
    %sign3A_29 = arith.subi %sign3A_25, %sign3A_28 : i32
    %ne3A = arith.cmpi ne, %sign3A_22, %sign3A_29 : i32
    %rem3A = arith.remsi %sub3A_16, %jit3A : i32
    %ne3A_30 = arith.constant 0 : i32
    %ne3A_31 = arith.cmpi ne, %rem3A, %ne3A_30 : i32
    %and3A = arith.andi %ne3A, %ne3A_31 : i1
    %sub3A_32 = arith.constant 1 : i32
    %sub3A_33 = arith.subi %div3A, %sub3A_32 : i32
    %select_n3A = arith.select %and3A, %sub3A_33, %div3A : i32
    %add3A_34 = arith.constant 1 : i32
    %add3A_35 = arith.addi %select_n3A, %add3A_34 : i32
    %gt3A = arith.constant 0 : i32
    %gt3A_36 = arith.cmpi sgt, %add3A_35, %gt3A : i32
    %convert_element_type3A = arith.extui %gt3A_36 : i1 to i32
    %cond3A = arith.constant 0 : i32
    %cond3A_37 = arith.cmpi ne, %convert_element_type3A, %cond3A : i32
    scf.if %cond3A_37 {
      %add3A_50 = arith.constant 0 : i32
      %add3A_51 = arith.addi %add3A, %add3A_50 : i32
      %mul3A_52 = arith.constant 3200 : i32
      %mul3A_53 = arith.muli %add3A_51, %mul3A_52 : i32
      %dma_start3A = tpu.memref_slice %arg3[%mul3A_53] : memref<2000000xi32, #tpu.memory_space<hbm>> -> memref<3200xi32, #tpu.memory_space<hbm>>
      %dma_start3A_54 = tpu.memref_slice %arg3[%mul3A_53] : memref<2000000xi32, #tpu.memory_space<hbm>> -> memref<3200xi32, #tpu.memory_space<hbm>>
      tpu.enqueue_dma source(%dma_start3A_54 : memref<3200xi32, #tpu.memory_space<hbm>>) target(%arg13 : memref<3200xi32, #tpu.memory_space<vmem>>) target_semaphore(%arg19 : memref<!tpu.dma_semaphore, #tpu.memory_space<semaphore_mem>>)
      %mul3A_55 = arith.constant 3 : i32
      %mul3A_56 = arith.muli %mul3A_55, %mul3A_53 : i32
      %dma_start3A_57 = tpu.memref_slice %arg2[%mul3A_56] : memref<6000000xf32, #tpu.memory_space<hbm>> -> memref<9600xf32, #tpu.memory_space<hbm>>
      %dma_start3A_58 = tpu.memref_slice %arg2[%mul3A_56] : memref<6000000xf32, #tpu.memory_space<hbm>> -> memref<9600xf32, #tpu.memory_space<hbm>>
      tpu.enqueue_dma source(%dma_start3A_58 : memref<9600xf32, #tpu.memory_space<hbm>>) target(%arg15 : memref<9600xf32, #tpu.memory_space<vmem>>) target_semaphore(%arg19 : memref<!tpu.dma_semaphore, #tpu.memory_space<semaphore_mem>>)
    } else {
    }
    %scan3A = arith.constant 0 : i32
    %scan3A_38 = arith.constant 0 : i32
    %scan3A_39 = arith.constant 10 : i32
    %scan3A_40 = arith.addi %scan3A_38, %scan3A_39 : i32
    %scan3A_41 = arith.constant 1 : i32
    scf.for %scan3A_50 = %scan3A_38 to %scan3A_40 step %scan3A_41  : i32 {
      %mul3A_51 = arith.constant 2 : i32
      %mul3A_52 = arith.muli %mul3A_51, %scan3A_50 : i32
      %add3A_53 = arith.constant 0 : i32
      %add3A_54 = arith.addi %mul3A_52, %add3A_53 : i32
      %add3A_55 = arith.constant 1 : i32
      %add3A_56 = arith.addi %add3A_54, %add3A_55 : i32
      %lt3A = arith.cmpi slt, %add3A_56, %add3A_35 : i32
      %convert_element_type3A_57 = arith.extui %lt3A : i1 to i32
      %cond3A_58 = arith.constant 0 : i32
      %cond3A_59 = arith.cmpi ne, %convert_element_type3A_57, %cond3A_58 : i32
      scf.if %cond3A_59 {
        %add3A_78 = arith.constant 1 : i32
        %add3A_79 = arith.addi %add3A_54, %add3A_78 : i32
        %mul3A_80 = arith.constant 32 : i32
        %mul3A_81 = arith.muli %add3A_79, %mul3A_80 : i32
        %add3A_82 = arith.addi %add3A, %mul3A_81 : i32
        %mul3A_83 = arith.constant 3200 : i32
        %mul3A_84 = arith.muli %add3A_82, %mul3A_83 : i32
        %dma_start3A = tpu.memref_slice %arg3[%mul3A_84] : memref<2000000xi32, #tpu.memory_space<hbm>> -> memref<3200xi32, #tpu.memory_space<hbm>>
        %dma_start3A_85 = tpu.memref_slice %arg3[%mul3A_84] : memref<2000000xi32, #tpu.memory_space<hbm>> -> memref<3200xi32, #tpu.memory_space<hbm>>
        tpu.enqueue_dma source(%dma_start3A_85 : memref<3200xi32, #tpu.memory_space<hbm>>) target(%arg14 : memref<3200xi32, #tpu.memory_space<vmem>>) target_semaphore(%arg20 : memref<!tpu.dma_semaphore, #tpu.memory_space<semaphore_mem>>)
        %mul3A_86 = arith.constant 3 : i32
        %mul3A_87 = arith.muli %mul3A_86, %mul3A_84 : i32
        %dma_start3A_88 = tpu.memref_slice %arg2[%mul3A_87] : memref<6000000xf32, #tpu.memory_space<hbm>> -> memref<9600xf32, #tpu.memory_space<hbm>>
        %dma_start3A_89 = tpu.memref_slice %arg2[%mul3A_87] : memref<6000000xf32, #tpu.memory_space<hbm>> -> memref<9600xf32, #tpu.memory_space<hbm>>
        tpu.enqueue_dma source(%dma_start3A_89 : memref<9600xf32, #tpu.memory_space<hbm>>) target(%arg16 : memref<9600xf32, #tpu.memory_space<vmem>>) target_semaphore(%arg20 : memref<!tpu.dma_semaphore, #tpu.memory_space<semaphore_mem>>)
      } else {
      }
      %lt3A_60 = arith.cmpi slt, %add3A_54, %add3A_35 : i32
      %convert_element_type3A_61 = arith.extui %lt3A_60 : i1 to i32
      %cond3A_62 = arith.constant 0 : i32
      %cond3A_63 = arith.cmpi ne, %convert_element_type3A_61, %cond3A_62 : i32
      scf.if %cond3A_63 {
        %dma_wait3A_78 = arith.constant 0 : i32
        %dma_wait3A_79 = tpu.memref_slice %arg3[%dma_wait3A_78] : memref<2000000xi32, #tpu.memory_space<hbm>> -> memref<3200xi32, #tpu.memory_space<hbm>>
        %dma_wait3A_80 = arith.constant 0 : i32
        %dma_wait3A_81 = tpu.memref_slice %arg3[%dma_wait3A_80] : memref<2000000xi32, #tpu.memory_space<hbm>> -> memref<3200xi32, #tpu.memory_space<hbm>>
        tpu.wait_dma2 semaphore(%arg19 : memref<!tpu.dma_semaphore, #tpu.memory_space<semaphore_mem>>) src(%dma_wait3A_81 : memref<3200xi32, #tpu.memory_space<hbm>>) dst(%arg13 : memref<3200xi32, #tpu.memory_space<vmem>>)
        %dma_wait3A_82 = arith.constant 0 : i32
        %dma_wait3A_83 = tpu.memref_slice %arg2[%dma_wait3A_82] : memref<6000000xf32, #tpu.memory_space<hbm>> -> memref<9600xf32, #tpu.memory_space<hbm>>
        %dma_wait3A_84 = arith.constant 0 : i32
        %dma_wait3A_85 = tpu.memref_slice %arg2[%dma_wait3A_84] : memref<6000000xf32, #tpu.memory_space<hbm>> -> memref<9600xf32, #tpu.memory_space<hbm>>
        tpu.wait_dma2 semaphore(%arg19 : memref<!tpu.dma_semaphore, #tpu.memory_space<semaphore_mem>>) src(%dma_wait3A_85 : memref<9600xf32, #tpu.memory_space<hbm>>) dst(%arg15 : memref<9600xf32, #tpu.memory_space<vmem>>)
        %ge3A_86 = arith.constant 2 : i32
        %ge3A_87 = arith.cmpi sge, %add3A_54, %ge3A_86 : i32
        %convert_element_type3A_88 = arith.extui %ge3A_87 : i1 to i32
        %cond3A_89 = arith.constant 0 : i32
        %cond3A_90 = arith.cmpi ne, %convert_element_type3A_88, %cond3A_89 : i32
        scf.if %cond3A_90 {
          %dma_wait3A_101 = arith.constant 0 : i32
          %dma_wait3A_102 = tpu.memref_slice %arg8[%dma_wait3A_101] : memref<6000000xf32, #tpu.memory_space<hbm>> -> memref<9600xf32, #tpu.memory_space<hbm>>
          %dma_wait3A_103 = arith.constant 0 : i32
          %dma_wait3A_104 = tpu.memref_slice %arg8[%dma_wait3A_103] : memref<6000000xf32, #tpu.memory_space<hbm>> -> memref<9600xf32, #tpu.memory_space<hbm>>
          tpu.wait_dma2 semaphore(%arg21 : memref<!tpu.dma_semaphore, #tpu.memory_space<semaphore_mem>>) src(%arg17 : memref<9600xf32, #tpu.memory_space<vmem>>) dst(%dma_wait3A_104 : memref<9600xf32, #tpu.memory_space<hbm>>)
        } else {
        }
        %parallel_loop3A = arith.constant 0 : i32
        %parallel_loop3A_91 = arith.constant 200 : i32
        %parallel_loop3A_92 = arith.constant 1 : i32
        scf.for %parallel_loop3A_101 = %parallel_loop3A to %parallel_loop3A_91 step %parallel_loop3A_92  : i32 {
          %parallel_loop3A_102 = arith.constant 16 : i32
          %parallel_loop3A_103 = arith.muli %parallel_loop3A_101, %parallel_loop3A_102 : i32
          %parallel_loop3A_104 = arith.constant 3 : i32
          %parallel_loop3A_105 = arith.shrui %parallel_loop3A_101, %parallel_loop3A_104 : i32
          %parallel_loop3A_106 = arith.constant 384 : i32
          %parallel_loop3A_107 = arith.muli %parallel_loop3A_105, %parallel_loop3A_106 : i32
          %parallel_loop3A_108 = arith.constant 7 : i32
          %parallel_loop3A_109 = arith.andi %parallel_loop3A_101, %parallel_loop3A_108 : i32
          %parallel_loop3A_110 = arith.constant 16 : i32
          %parallel_loop3A_111 = arith.muli %parallel_loop3A_109, %parallel_loop3A_110 : i32
          %parallel_loop3A_112 = arith.addi %parallel_loop3A_107, %parallel_loop3A_111 : i32
          %parallel_loop3A_113 = arith.index_cast %parallel_loop3A_103 : i32 to index
          %parallel_loop3A_114 = tpu.vector_load %arg13[%parallel_loop3A_113] {strides = array<i32>} : memref<3200xi32, #tpu.memory_space<vmem>>, vector<16xi32>,
          %parallel_loop3A_115 = arith.constant 127 : i32
          %parallel_loop3A_116 = vector.broadcast %parallel_loop3A_115 : i32 to vector<16xi32>
          %parallel_loop3A_117 = arith.andi %parallel_loop3A_114, %parallel_loop3A_116 : vector<16xi32>
          %parallel_loop3A_118 = arith.constant 7 : i32
          %parallel_loop3A_119 = vector.broadcast %parallel_loop3A_118 : i32 to vector<16xi32>
          %parallel_loop3A_120 = arith.shrui %parallel_loop3A_114, %parallel_loop3A_119 : vector<16xi32>
          %parallel_loop3A_121 = arith.constant 127 : i32
          %parallel_loop3A_122 = vector.broadcast %parallel_loop3A_121 : i32 to vector<16xi32>
          %parallel_loop3A_123 = arith.andi %parallel_loop3A_120, %parallel_loop3A_122 : vector<16xi32>
          %parallel_loop3A_124 = arith.constant 14 : i32
          %parallel_loop3A_125 = vector.broadcast %parallel_loop3A_124 : i32 to vector<16xi32>
          %parallel_loop3A_126 = arith.shrui %parallel_loop3A_114, %parallel_loop3A_125 : vector<16xi32>
          %parallel_loop3A_127 = tpu.vector_load_idx %arg9[%parallel_loop3A_126] : memref<128xf32, #tpu.memory_space<vmem>>[vector<16xi32>], vector<16xf32>,
          %parallel_loop3A_128 = tpu.vector_load_idx %arg10[%parallel_loop3A_123] : memref<128xf32, #tpu.memory_space<vmem>>[vector<16xi32>], vector<16xf32>,
          %parallel_loop3A_129 = tpu.vector_load_idx %arg11[%parallel_loop3A_117] : memref<128xf32, #tpu.memory_space<vmem>>[vector<16xi32>], vector<16xf32>,
          %parallel_loop3A_130 = arith.index_cast %parallel_loop3A_112 : i32 to index
          %parallel_loop3A_131 = tpu.vector_load %arg15[%parallel_loop3A_130] {strides = array<i32>} : memref<9600xf32, #tpu.memory_space<vmem>>, vector<16xf32>,
          %parallel_loop3A_132 = arith.sitofp %parallel_loop3A_126 : vector<16xi32> to vector<16xf32>
          %parallel_loop3A_133 = arith.addf %parallel_loop3A_131, %parallel_loop3A_132 : vector<16xf32>
          %parallel_loop3A_134 = arith.constant 128 : i32
          %parallel_loop3A_135 = arith.addi %parallel_loop3A_112, %parallel_loop3A_134 : i32
          %parallel_loop3A_136 = arith.index_cast %parallel_loop3A_135 : i32 to index
          %parallel_loop3A_137 = tpu.vector_load %arg15[%parallel_loop3A_136] {strides = array<i32>} : memref<9600xf32, #tpu.memory_space<vmem>>, vector<16xf32>,
          %parallel_loop3A_138 = arith.sitofp %parallel_loop3A_123 : vector<16xi32> to vector<16xf32>
          %parallel_loop3A_139 = arith.addf %parallel_loop3A_137, %parallel_loop3A_138 : vector<16xf32>
          %parallel_loop3A_140 = arith.constant 256 : i32
          %parallel_loop3A_141 = arith.addi %parallel_loop3A_112, %parallel_loop3A_140 : i32
          %parallel_loop3A_142 = arith.index_cast %parallel_loop3A_141 : i32 to index
          %parallel_loop3A_143 = tpu.vector_load %arg15[%parallel_loop3A_142] {strides = array<i32>} : memref<9600xf32, #tpu.memory_space<vmem>>, vector<16xf32>,
          %parallel_loop3A_144 = arith.sitofp %parallel_loop3A_117 : vector<16xi32> to vector<16xf32>
          %parallel_loop3A_145 = arith.addf %parallel_loop3A_143, %parallel_loop3A_144 : vector<16xf32>
          %parallel_loop3A_146 = arith.constant 2.000000e+00 : f32
          %parallel_loop3A_147 = vector.broadcast %parallel_loop3A_146 : f32 to vector<16xf32>
          %parallel_loop3A_148 = arith.mulf %parallel_loop3A_147, %parallel_loop3A_127 : vector<16xf32>
          %parallel_loop3A_149 = arith.mulf %parallel_loop3A_148, %parallel_loop3A_133 : vector<16xf32>
          %parallel_loop3A_150 = arith.addf %parallel_loop3A_149, %get3A_3 : vector<16xf32>
          %parallel_loop3A_151 = arith.constant 2.000000e+00 : f32
          %parallel_loop3A_152 = vector.broadcast %parallel_loop3A_151 : f32 to vector<16xf32>
          %parallel_loop3A_153 = arith.mulf %parallel_loop3A_152, %parallel_loop3A_128 : vector<16xf32>
          %parallel_loop3A_154 = arith.mulf %parallel_loop3A_153, %parallel_loop3A_139 : vector<16xf32>
          %parallel_loop3A_155 = arith.addf %parallel_loop3A_154, %get3A_7 : vector<16xf32>
          %parallel_loop3A_156 = arith.constant 2.000000e+00 : f32
          %parallel_loop3A_157 = vector.broadcast %parallel_loop3A_156 : f32 to vector<16xf32>
          %parallel_loop3A_158 = arith.mulf %parallel_loop3A_157, %parallel_loop3A_129 : vector<16xf32>
          %parallel_loop3A_159 = arith.mulf %parallel_loop3A_158, %parallel_loop3A_145 : vector<16xf32>
          %parallel_loop3A_160 = arith.addf %parallel_loop3A_159, %get3A_11 : vector<16xf32>
          %parallel_loop3A_161 = arith.mulf %parallel_loop3A_150, %parallel_loop3A_150 : vector<16xf32>
          %parallel_loop3A_162 = arith.mulf %parallel_loop3A_155, %parallel_loop3A_155 : vector<16xf32>
          %parallel_loop3A_163 = arith.addf %parallel_loop3A_161, %parallel_loop3A_162 : vector<16xf32>
          %parallel_loop3A_164 = arith.mulf %parallel_loop3A_160, %parallel_loop3A_160 : vector<16xf32>
          %parallel_loop3A_165 = arith.addf %parallel_loop3A_163, %parallel_loop3A_164 : vector<16xf32>
          %parallel_loop3A_166 = tpu.bitcast %parallel_loop3A_165 : vector<16xf32> -> vector<16xi32>
          %parallel_loop3A_167 = arith.constant 1 : i32
          %parallel_loop3A_168 = vector.broadcast %parallel_loop3A_167 : i32 to vector<16xi32>
          %parallel_loop3A_169 = arith.shrsi %parallel_loop3A_166, %parallel_loop3A_168 : vector<16xi32>
          %parallel_loop3A_170 = arith.constant 1597463007 : i32
          %parallel_loop3A_171 = vector.broadcast %parallel_loop3A_170 : i32 to vector<16xi32>
          %parallel_loop3A_172 = arith.subi %parallel_loop3A_171, %parallel_loop3A_169 : vector<16xi32>
          %parallel_loop3A_173 = tpu.bitcast %parallel_loop3A_172 : vector<16xi32> -> vector<16xf32>
          %parallel_loop3A_174 = arith.constant 5.000000e-01 : f32
          %parallel_loop3A_175 = vector.broadcast %parallel_loop3A_174 : f32 to vector<16xf32>
          %parallel_loop3A_176 = arith.mulf %parallel_loop3A_175, %parallel_loop3A_165 : vector<16xf32>
          %parallel_loop3A_177 = arith.mulf %parallel_loop3A_176, %parallel_loop3A_173 : vector<16xf32>
          %parallel_loop3A_178 = arith.mulf %parallel_loop3A_177, %parallel_loop3A_173 : vector<16xf32>
          %parallel_loop3A_179 = arith.constant 1.500000e+00 : f32
          %parallel_loop3A_180 = vector.broadcast %parallel_loop3A_179 : f32 to vector<16xf32>
          %parallel_loop3A_181 = arith.subf %parallel_loop3A_180, %parallel_loop3A_178 : vector<16xf32>
          %parallel_loop3A_182 = arith.mulf %parallel_loop3A_173, %parallel_loop3A_181 : vector<16xf32>
          %parallel_loop3A_183 = arith.constant 5.000000e-01 : f32
          %parallel_loop3A_184 = vector.broadcast %parallel_loop3A_183 : f32 to vector<16xf32>
          %parallel_loop3A_185 = arith.mulf %parallel_loop3A_184, %parallel_loop3A_165 : vector<16xf32>
          %parallel_loop3A_186 = arith.mulf %parallel_loop3A_185, %parallel_loop3A_182 : vector<16xf32>
          %parallel_loop3A_187 = arith.mulf %parallel_loop3A_186, %parallel_loop3A_182 : vector<16xf32>
          %parallel_loop3A_188 = arith.constant 1.500000e+00 : f32
          %parallel_loop3A_189 = vector.broadcast %parallel_loop3A_188 : f32 to vector<16xf32>
          %parallel_loop3A_190 = arith.subf %parallel_loop3A_189, %parallel_loop3A_187 : vector<16xf32>
          %parallel_loop3A_191 = arith.mulf %parallel_loop3A_182, %parallel_loop3A_190 : vector<16xf32>
          %parallel_loop3A_192 = arith.constant 5.000000e-01 : f32
          %parallel_loop3A_193 = vector.broadcast %parallel_loop3A_192 : f32 to vector<16xf32>
          %parallel_loop3A_194 = arith.mulf %parallel_loop3A_193, %parallel_loop3A_165 : vector<16xf32>
          %parallel_loop3A_195 = arith.mulf %parallel_loop3A_194, %parallel_loop3A_191 : vector<16xf32>
          %parallel_loop3A_196 = arith.mulf %parallel_loop3A_195, %parallel_loop3A_191 : vector<16xf32>
          %parallel_loop3A_197 = arith.constant 1.500000e+00 : f32
          %parallel_loop3A_198 = vector.broadcast %parallel_loop3A_197 : f32 to vector<16xf32>
          %parallel_loop3A_199 = arith.subf %parallel_loop3A_198, %parallel_loop3A_196 : vector<16xf32>
          %parallel_loop3A_200 = arith.mulf %parallel_loop3A_191, %parallel_loop3A_199 : vector<16xf32>
          %parallel_loop3A_201 = arith.mulf %parallel_loop3A_165, %parallel_loop3A_200 : vector<16xf32>
          %parallel_loop3A_202 = arith.constant 9.99999993E-9 : f32
          %parallel_loop3A_203 = vector.broadcast %parallel_loop3A_202 : f32 to vector<16xf32>
          %parallel_loop3A_204 = arith.addf %parallel_loop3A_201, %parallel_loop3A_203 : vector<16xf32>
          %parallel_loop3A_205 = arith.constant 1.000000e+00 : f32
          %parallel_loop3A_206 = vector.broadcast %parallel_loop3A_205 : f32 to vector<16xf32>
          %parallel_loop3A_207 = arith.divf %parallel_loop3A_206, %parallel_loop3A_204 : vector<16xf32>
          %parallel_loop3A_208 = arith.mulf %parallel_loop3A_150, %parallel_loop3A_207 : vector<16xf32>
          %parallel_loop3A_209 = arith.index_cast %parallel_loop3A_112 : i32 to index
          %parallel_loop3A_210 = tpu.vector_load %arg17[%parallel_loop3A_209] {strides = array<i32>} : memref<9600xf32, #tpu.memory_space<vmem>>, vector<16xf32>,
          tpu.vector_store %arg17[%parallel_loop3A_209], %parallel_loop3A_208 {strides = array<i32>} : memref<9600xf32, #tpu.memory_space<vmem>>, vector<16xf32>,
          %parallel_loop3A_211 = arith.mulf %parallel_loop3A_155, %parallel_loop3A_207 : vector<16xf32>
          %parallel_loop3A_212 = arith.constant 128 : i32
          %parallel_loop3A_213 = arith.addi %parallel_loop3A_112, %parallel_loop3A_212 : i32
          %parallel_loop3A_214 = arith.index_cast %parallel_loop3A_213 : i32 to index
          %parallel_loop3A_215 = tpu.vector_load %arg17[%parallel_loop3A_214] {strides = array<i32>} : memref<9600xf32, #tpu.memory_space<vmem>>, vector<16xf32>,
          tpu.vector_store %arg17[%parallel_loop3A_214], %parallel_loop3A_211 {strides = array<i32>} : memref<9600xf32, #tpu.memory_space<vmem>>, vector<16xf32>,
          %parallel_loop3A_216 = arith.mulf %parallel_loop3A_160, %parallel_loop3A_207 : vector<16xf32>
          %parallel_loop3A_217 = arith.constant 256 : i32
          %parallel_loop3A_218 = arith.addi %parallel_loop3A_112, %parallel_loop3A_217 : i32
          %parallel_loop3A_219 = arith.index_cast %parallel_loop3A_218 : i32 to index
          %parallel_loop3A_220 = tpu.vector_load %arg17[%parallel_loop3A_219] {strides = array<i32>} : memref<9600xf32, #tpu.memory_space<vmem>>, vector<16xf32>,
          tpu.vector_store %arg17[%parallel_loop3A_219], %parallel_loop3A_216 {strides = array<i32>} : memref<9600xf32, #tpu.memory_space<vmem>>, vector<16xf32>,
        } {sc.loop_unroll_factor = 8 : i64, sc.parallel_access}
        %mul3A_93 = arith.constant 32 : i32
        %mul3A_94 = arith.muli %add3A_54, %mul3A_93 : i32
        %add3A_95 = arith.addi %add3A, %mul3A_94 : i32
        %mul3A_96 = arith.constant 3200 : i32
        %mul3A_97 = arith.muli %add3A_95, %mul3A_96 : i32
        %mul3A_98 = arith.constant 3 : i32
        %mul3A_99 = arith.muli %mul3A_98, %mul3A_97 : i32
        %dma_start3A = tpu.memref_slice %arg8[%mul3A_99] : memref<6000000xf32, #tpu.memory_space<hbm>> -> memref<9600xf32, #tpu.memory_space<hbm>>
        %dma_start3A_100 = tpu.memref_slice %arg8[%mul3A_99] : memref<6000000xf32, #tpu.memory_space<hbm>> -> memref<9600xf32, #tpu.memory_space<hbm>>
        tpu.enqueue_dma source(%arg17 : memref<9600xf32, #tpu.memory_space<vmem>>) target(%dma_start3A_100 : memref<9600xf32, #tpu.memory_space<hbm>>) target_semaphore(%arg21 : memref<!tpu.dma_semaphore, #tpu.memory_space<semaphore_mem>>)
      } else {
      }
      %mul3A_64 = arith.constant 2 : i32
      %mul3A_65 = arith.muli %mul3A_64, %scan3A_50 : i32
      %add3A_66 = arith.constant 1 : i32
      %add3A_67 = arith.addi %mul3A_65, %add3A_66 : i32
      %add3A_68 = arith.constant 1 : i32
      %add3A_69 = arith.addi %add3A_67, %add3A_68 : i32
      %lt3A_70 = arith.cmpi slt, %add3A_69, %add3A_35 : i32
      %convert_element_type3A_71 = arith.extui %lt3A_70 : i1 to i32
      %cond3A_72 = arith.constant 0 : i32
      %cond3A_73 = arith.cmpi ne, %convert_element_type3A_71, %cond3A_72 : i32
      scf.if %cond3A_73 {
        %add3A_78 = arith.constant 1 : i32
        %add3A_79 = arith.addi %add3A_67, %add3A_78 : i32
        %mul3A_80 = arith.constant 32 : i32
        %mul3A_81 = arith.muli %add3A_79, %mul3A_80 : i32
        %add3A_82 = arith.addi %add3A, %mul3A_81 : i32
        %mul3A_83 = arith.constant 3200 : i32
        %mul3A_84 = arith.muli %add3A_82, %mul3A_83 : i32
        %dma_start3A = tpu.memref_slice %arg3[%mul3A_84] : memref<2000000xi32, #tpu.memory_space<hbm>> -> memref<3200xi32, #tpu.memory_space<hbm>>
        %dma_start3A_85 = tpu.memref_slice %arg3[%mul3A_84] : memref<2000000xi32, #tpu.memory_space<hbm>> -> memref<3200xi32, #tpu.memory_space<hbm>>
        tpu.enqueue_dma source(%dma_start3A_85 : memref<3200xi32, #tpu.memory_space<hbm>>) target(%arg13 : memref<3200xi32, #tpu.memory_space<vmem>>) target_semaphore(%arg19 : memref<!tpu.dma_semaphore, #tpu.memory_space<semaphore_mem>>)
        %mul3A_86 = arith.constant 3 : i32
        %mul3A_87 = arith.muli %mul3A_86, %mul3A_84 : i32
        %dma_start3A_88 = tpu.memref_slice %arg2[%mul3A_87] : memref<6000000xf32, #tpu.memory_space<hbm>> -> memref<9600xf32, #tpu.memory_space<hbm>>
        %dma_start3A_89 = tpu.memref_slice %arg2[%mul3A_87] : memref<6000000xf32, #tpu.memory_space<hbm>> -> memref<9600xf32, #tpu.memory_space<hbm>>
        tpu.enqueue_dma source(%dma_start3A_89 : memref<9600xf32, #tpu.memory_space<hbm>>) target(%arg15 : memref<9600xf32, #tpu.memory_space<vmem>>) target_semaphore(%arg19 : memref<!tpu.dma_semaphore, #tpu.memory_space<semaphore_mem>>)
      } else {
      }
      %lt3A_74 = arith.cmpi slt, %add3A_67, %add3A_35 : i32
      %convert_element_type3A_75 = arith.extui %lt3A_74 : i1 to i32
      %cond3A_76 = arith.constant 0 : i32
      %cond3A_77 = arith.cmpi ne, %convert_element_type3A_75, %cond3A_76 : i32
      scf.if %cond3A_77 {
        %dma_wait3A_78 = arith.constant 0 : i32
        %dma_wait3A_79 = tpu.memref_slice %arg3[%dma_wait3A_78] : memref<2000000xi32, #tpu.memory_space<hbm>> -> memref<3200xi32, #tpu.memory_space<hbm>>
        %dma_wait3A_80 = arith.constant 0 : i32
        %dma_wait3A_81 = tpu.memref_slice %arg3[%dma_wait3A_80] : memref<2000000xi32, #tpu.memory_space<hbm>> -> memref<3200xi32, #tpu.memory_space<hbm>>
        tpu.wait_dma2 semaphore(%arg20 : memref<!tpu.dma_semaphore, #tpu.memory_space<semaphore_mem>>) src(%dma_wait3A_81 : memref<3200xi32, #tpu.memory_space<hbm>>) dst(%arg14 : memref<3200xi32, #tpu.memory_space<vmem>>)
        %dma_wait3A_82 = arith.constant 0 : i32
        %dma_wait3A_83 = tpu.memref_slice %arg2[%dma_wait3A_82] : memref<6000000xf32, #tpu.memory_space<hbm>> -> memref<9600xf32, #tpu.memory_space<hbm>>
        %dma_wait3A_84 = arith.constant 0 : i32
        %dma_wait3A_85 = tpu.memref_slice %arg2[%dma_wait3A_84] : memref<6000000xf32, #tpu.memory_space<hbm>> -> memref<9600xf32, #tpu.memory_space<hbm>>
        tpu.wait_dma2 semaphore(%arg20 : memref<!tpu.dma_semaphore, #tpu.memory_space<semaphore_mem>>) src(%dma_wait3A_85 : memref<9600xf32, #tpu.memory_space<hbm>>) dst(%arg16 : memref<9600xf32, #tpu.memory_space<vmem>>)
        %ge3A_86 = arith.constant 2 : i32
        %ge3A_87 = arith.cmpi sge, %add3A_67, %ge3A_86 : i32
        %convert_element_type3A_88 = arith.extui %ge3A_87 : i1 to i32
        %cond3A_89 = arith.constant 0 : i32
        %cond3A_90 = arith.cmpi ne, %convert_element_type3A_88, %cond3A_89 : i32
        scf.if %cond3A_90 {
          %dma_wait3A_101 = arith.constant 0 : i32
          %dma_wait3A_102 = tpu.memref_slice %arg8[%dma_wait3A_101] : memref<6000000xf32, #tpu.memory_space<hbm>> -> memref<9600xf32, #tpu.memory_space<hbm>>
          %dma_wait3A_103 = arith.constant 0 : i32
          %dma_wait3A_104 = tpu.memref_slice %arg8[%dma_wait3A_103] : memref<6000000xf32, #tpu.memory_space<hbm>> -> memref<9600xf32, #tpu.memory_space<hbm>>
          tpu.wait_dma2 semaphore(%arg22 : memref<!tpu.dma_semaphore, #tpu.memory_space<semaphore_mem>>) src(%arg18 : memref<9600xf32, #tpu.memory_space<vmem>>) dst(%dma_wait3A_104 : memref<9600xf32, #tpu.memory_space<hbm>>)
        } else {
        }
        %parallel_loop3A = arith.constant 0 : i32
        %parallel_loop3A_91 = arith.constant 200 : i32
        %parallel_loop3A_92 = arith.constant 1 : i32
        scf.for %parallel_loop3A_101 = %parallel_loop3A to %parallel_loop3A_91 step %parallel_loop3A_92  : i32 {
          %parallel_loop3A_102 = arith.constant 16 : i32
          %parallel_loop3A_103 = arith.muli %parallel_loop3A_101, %parallel_loop3A_102 : i32
          %parallel_loop3A_104 = arith.constant 3 : i32
          %parallel_loop3A_105 = arith.shrui %parallel_loop3A_101, %parallel_loop3A_104 : i32
          %parallel_loop3A_106 = arith.constant 384 : i32
          %parallel_loop3A_107 = arith.muli %parallel_loop3A_105, %parallel_loop3A_106 : i32
          %parallel_loop3A_108 = arith.constant 7 : i32
          %parallel_loop3A_109 = arith.andi %parallel_loop3A_101, %parallel_loop3A_108 : i32
          %parallel_loop3A_110 = arith.constant 16 : i32
          %parallel_loop3A_111 = arith.muli %parallel_loop3A_109, %parallel_loop3A_110 : i32
          %parallel_loop3A_112 = arith.addi %parallel_loop3A_107, %parallel_loop3A_111 : i32
          %parallel_loop3A_113 = arith.index_cast %parallel_loop3A_103 : i32 to index
          %parallel_loop3A_114 = tpu.vector_load %arg14[%parallel_loop3A_113] {strides = array<i32>} : memref<3200xi32, #tpu.memory_space<vmem>>, vector<16xi32>,
          %parallel_loop3A_115 = arith.constant 127 : i32
          %parallel_loop3A_116 = vector.broadcast %parallel_loop3A_115 : i32 to vector<16xi32>
          %parallel_loop3A_117 = arith.andi %parallel_loop3A_114, %parallel_loop3A_116 : vector<16xi32>
          %parallel_loop3A_118 = arith.constant 7 : i32
          %parallel_loop3A_119 = vector.broadcast %parallel_loop3A_118 : i32 to vector<16xi32>
          %parallel_loop3A_120 = arith.shrui %parallel_loop3A_114, %parallel_loop3A_119 : vector<16xi32>
          %parallel_loop3A_121 = arith.constant 127 : i32
          %parallel_loop3A_122 = vector.broadcast %parallel_loop3A_121 : i32 to vector<16xi32>
          %parallel_loop3A_123 = arith.andi %parallel_loop3A_120, %parallel_loop3A_122 : vector<16xi32>
          %parallel_loop3A_124 = arith.constant 14 : i32
          %parallel_loop3A_125 = vector.broadcast %parallel_loop3A_124 : i32 to vector<16xi32>
          %parallel_loop3A_126 = arith.shrui %parallel_loop3A_114, %parallel_loop3A_125 : vector<16xi32>
          %parallel_loop3A_127 = tpu.vector_load_idx %arg9[%parallel_loop3A_126] : memref<128xf32, #tpu.memory_space<vmem>>[vector<16xi32>], vector<16xf32>,
          %parallel_loop3A_128 = tpu.vector_load_idx %arg10[%parallel_loop3A_123] : memref<128xf32, #tpu.memory_space<vmem>>[vector<16xi32>], vector<16xf32>,
          %parallel_loop3A_129 = tpu.vector_load_idx %arg11[%parallel_loop3A_117] : memref<128xf32, #tpu.memory_space<vmem>>[vector<16xi32>], vector<16xf32>,
          %parallel_loop3A_130 = arith.index_cast %parallel_loop3A_112 : i32 to index
          %parallel_loop3A_131 = tpu.vector_load %arg16[%parallel_loop3A_130] {strides = array<i32>} : memref<9600xf32, #tpu.memory_space<vmem>>, vector<16xf32>,
          %parallel_loop3A_132 = arith.sitofp %parallel_loop3A_126 : vector<16xi32> to vector<16xf32>
          %parallel_loop3A_133 = arith.addf %parallel_loop3A_131, %parallel_loop3A_132 : vector<16xf32>
          %parallel_loop3A_134 = arith.constant 128 : i32
          %parallel_loop3A_135 = arith.addi %parallel_loop3A_112, %parallel_loop3A_134 : i32
          %parallel_loop3A_136 = arith.index_cast %parallel_loop3A_135 : i32 to index
          %parallel_loop3A_137 = tpu.vector_load %arg16[%parallel_loop3A_136] {strides = array<i32>} : memref<9600xf32, #tpu.memory_space<vmem>>, vector<16xf32>,
          %parallel_loop3A_138 = arith.sitofp %parallel_loop3A_123 : vector<16xi32> to vector<16xf32>
          %parallel_loop3A_139 = arith.addf %parallel_loop3A_137, %parallel_loop3A_138 : vector<16xf32>
          %parallel_loop3A_140 = arith.constant 256 : i32
          %parallel_loop3A_141 = arith.addi %parallel_loop3A_112, %parallel_loop3A_140 : i32
          %parallel_loop3A_142 = arith.index_cast %parallel_loop3A_141 : i32 to index
          %parallel_loop3A_143 = tpu.vector_load %arg16[%parallel_loop3A_142] {strides = array<i32>} : memref<9600xf32, #tpu.memory_space<vmem>>, vector<16xf32>,
          %parallel_loop3A_144 = arith.sitofp %parallel_loop3A_117 : vector<16xi32> to vector<16xf32>
          %parallel_loop3A_145 = arith.addf %parallel_loop3A_143, %parallel_loop3A_144 : vector<16xf32>
          %parallel_loop3A_146 = arith.constant 2.000000e+00 : f32
          %parallel_loop3A_147 = vector.broadcast %parallel_loop3A_146 : f32 to vector<16xf32>
          %parallel_loop3A_148 = arith.mulf %parallel_loop3A_147, %parallel_loop3A_127 : vector<16xf32>
          %parallel_loop3A_149 = arith.mulf %parallel_loop3A_148, %parallel_loop3A_133 : vector<16xf32>
          %parallel_loop3A_150 = arith.addf %parallel_loop3A_149, %get3A_3 : vector<16xf32>
          %parallel_loop3A_151 = arith.constant 2.000000e+00 : f32
          %parallel_loop3A_152 = vector.broadcast %parallel_loop3A_151 : f32 to vector<16xf32>
          %parallel_loop3A_153 = arith.mulf %parallel_loop3A_152, %parallel_loop3A_128 : vector<16xf32>
          %parallel_loop3A_154 = arith.mulf %parallel_loop3A_153, %parallel_loop3A_139 : vector<16xf32>
          %parallel_loop3A_155 = arith.addf %parallel_loop3A_154, %get3A_7 : vector<16xf32>
          %parallel_loop3A_156 = arith.constant 2.000000e+00 : f32
          %parallel_loop3A_157 = vector.broadcast %parallel_loop3A_156 : f32 to vector<16xf32>
          %parallel_loop3A_158 = arith.mulf %parallel_loop3A_157, %parallel_loop3A_129 : vector<16xf32>
          %parallel_loop3A_159 = arith.mulf %parallel_loop3A_158, %parallel_loop3A_145 : vector<16xf32>
          %parallel_loop3A_160 = arith.addf %parallel_loop3A_159, %get3A_11 : vector<16xf32>
          %parallel_loop3A_161 = arith.mulf %parallel_loop3A_150, %parallel_loop3A_150 : vector<16xf32>
          %parallel_loop3A_162 = arith.mulf %parallel_loop3A_155, %parallel_loop3A_155 : vector<16xf32>
          %parallel_loop3A_163 = arith.addf %parallel_loop3A_161, %parallel_loop3A_162 : vector<16xf32>
          %parallel_loop3A_164 = arith.mulf %parallel_loop3A_160, %parallel_loop3A_160 : vector<16xf32>
          %parallel_loop3A_165 = arith.addf %parallel_loop3A_163, %parallel_loop3A_164 : vector<16xf32>
          %parallel_loop3A_166 = tpu.bitcast %parallel_loop3A_165 : vector<16xf32> -> vector<16xi32>
          %parallel_loop3A_167 = arith.constant 1 : i32
          %parallel_loop3A_168 = vector.broadcast %parallel_loop3A_167 : i32 to vector<16xi32>
          %parallel_loop3A_169 = arith.shrsi %parallel_loop3A_166, %parallel_loop3A_168 : vector<16xi32>
          %parallel_loop3A_170 = arith.constant 1597463007 : i32
          %parallel_loop3A_171 = vector.broadcast %parallel_loop3A_170 : i32 to vector<16xi32>
          %parallel_loop3A_172 = arith.subi %parallel_loop3A_171, %parallel_loop3A_169 : vector<16xi32>
          %parallel_loop3A_173 = tpu.bitcast %parallel_loop3A_172 : vector<16xi32> -> vector<16xf32>
          %parallel_loop3A_174 = arith.constant 5.000000e-01 : f32
          %parallel_loop3A_175 = vector.broadcast %parallel_loop3A_174 : f32 to vector<16xf32>
          %parallel_loop3A_176 = arith.mulf %parallel_loop3A_175, %parallel_loop3A_165 : vector<16xf32>
          %parallel_loop3A_177 = arith.mulf %parallel_loop3A_176, %parallel_loop3A_173 : vector<16xf32>
          %parallel_loop3A_178 = arith.mulf %parallel_loop3A_177, %parallel_loop3A_173 : vector<16xf32>
          %parallel_loop3A_179 = arith.constant 1.500000e+00 : f32
          %parallel_loop3A_180 = vector.broadcast %parallel_loop3A_179 : f32 to vector<16xf32>
          %parallel_loop3A_181 = arith.subf %parallel_loop3A_180, %parallel_loop3A_178 : vector<16xf32>
          %parallel_loop3A_182 = arith.mulf %parallel_loop3A_173, %parallel_loop3A_181 : vector<16xf32>
          %parallel_loop3A_183 = arith.constant 5.000000e-01 : f32
          %parallel_loop3A_184 = vector.broadcast %parallel_loop3A_183 : f32 to vector<16xf32>
          %parallel_loop3A_185 = arith.mulf %parallel_loop3A_184, %parallel_loop3A_165 : vector<16xf32>
          %parallel_loop3A_186 = arith.mulf %parallel_loop3A_185, %parallel_loop3A_182 : vector<16xf32>
          %parallel_loop3A_187 = arith.mulf %parallel_loop3A_186, %parallel_loop3A_182 : vector<16xf32>
          %parallel_loop3A_188 = arith.constant 1.500000e+00 : f32
          %parallel_loop3A_189 = vector.broadcast %parallel_loop3A_188 : f32 to vector<16xf32>
          %parallel_loop3A_190 = arith.subf %parallel_loop3A_189, %parallel_loop3A_187 : vector<16xf32>
          %parallel_loop3A_191 = arith.mulf %parallel_loop3A_182, %parallel_loop3A_190 : vector<16xf32>
          %parallel_loop3A_192 = arith.constant 5.000000e-01 : f32
          %parallel_loop3A_193 = vector.broadcast %parallel_loop3A_192 : f32 to vector<16xf32>
          %parallel_loop3A_194 = arith.mulf %parallel_loop3A_193, %parallel_loop3A_165 : vector<16xf32>
          %parallel_loop3A_195 = arith.mulf %parallel_loop3A_194, %parallel_loop3A_191 : vector<16xf32>
          %parallel_loop3A_196 = arith.mulf %parallel_loop3A_195, %parallel_loop3A_191 : vector<16xf32>
          %parallel_loop3A_197 = arith.constant 1.500000e+00 : f32
          %parallel_loop3A_198 = vector.broadcast %parallel_loop3A_197 : f32 to vector<16xf32>
          %parallel_loop3A_199 = arith.subf %parallel_loop3A_198, %parallel_loop3A_196 : vector<16xf32>
          %parallel_loop3A_200 = arith.mulf %parallel_loop3A_191, %parallel_loop3A_199 : vector<16xf32>
          %parallel_loop3A_201 = arith.mulf %parallel_loop3A_165, %parallel_loop3A_200 : vector<16xf32>
          %parallel_loop3A_202 = arith.constant 9.99999993E-9 : f32
          %parallel_loop3A_203 = vector.broadcast %parallel_loop3A_202 : f32 to vector<16xf32>
          %parallel_loop3A_204 = arith.addf %parallel_loop3A_201, %parallel_loop3A_203 : vector<16xf32>
          %parallel_loop3A_205 = arith.constant 1.000000e+00 : f32
          %parallel_loop3A_206 = vector.broadcast %parallel_loop3A_205 : f32 to vector<16xf32>
          %parallel_loop3A_207 = arith.divf %parallel_loop3A_206, %parallel_loop3A_204 : vector<16xf32>
          %parallel_loop3A_208 = arith.mulf %parallel_loop3A_150, %parallel_loop3A_207 : vector<16xf32>
          %parallel_loop3A_209 = arith.index_cast %parallel_loop3A_112 : i32 to index
          %parallel_loop3A_210 = tpu.vector_load %arg18[%parallel_loop3A_209] {strides = array<i32>} : memref<9600xf32, #tpu.memory_space<vmem>>, vector<16xf32>,
          tpu.vector_store %arg18[%parallel_loop3A_209], %parallel_loop3A_208 {strides = array<i32>} : memref<9600xf32, #tpu.memory_space<vmem>>, vector<16xf32>,
          %parallel_loop3A_211 = arith.mulf %parallel_loop3A_155, %parallel_loop3A_207 : vector<16xf32>
          %parallel_loop3A_212 = arith.constant 128 : i32
          %parallel_loop3A_213 = arith.addi %parallel_loop3A_112, %parallel_loop3A_212 : i32
          %parallel_loop3A_214 = arith.index_cast %parallel_loop3A_213 : i32 to index
          %parallel_loop3A_215 = tpu.vector_load %arg18[%parallel_loop3A_214] {strides = array<i32>} : memref<9600xf32, #tpu.memory_space<vmem>>, vector<16xf32>,
          tpu.vector_store %arg18[%parallel_loop3A_214], %parallel_loop3A_211 {strides = array<i32>} : memref<9600xf32, #tpu.memory_space<vmem>>, vector<16xf32>,
          %parallel_loop3A_216 = arith.mulf %parallel_loop3A_160, %parallel_loop3A_207 : vector<16xf32>
          %parallel_loop3A_217 = arith.constant 256 : i32
          %parallel_loop3A_218 = arith.addi %parallel_loop3A_112, %parallel_loop3A_217 : i32
          %parallel_loop3A_219 = arith.index_cast %parallel_loop3A_218 : i32 to index
          %parallel_loop3A_220 = tpu.vector_load %arg18[%parallel_loop3A_219] {strides = array<i32>} : memref<9600xf32, #tpu.memory_space<vmem>>, vector<16xf32>,
          tpu.vector_store %arg18[%parallel_loop3A_219], %parallel_loop3A_216 {strides = array<i32>} : memref<9600xf32, #tpu.memory_space<vmem>>, vector<16xf32>,
        } {sc.loop_unroll_factor = 8 : i64, sc.parallel_access}
        %mul3A_93 = arith.constant 32 : i32
        %mul3A_94 = arith.muli %add3A_67, %mul3A_93 : i32
        %add3A_95 = arith.addi %add3A, %mul3A_94 : i32
        %mul3A_96 = arith.constant 3200 : i32
        %mul3A_97 = arith.muli %add3A_95, %mul3A_96 : i32
        %mul3A_98 = arith.constant 3 : i32
        %mul3A_99 = arith.muli %mul3A_98, %mul3A_97 : i32
        %dma_start3A = tpu.memref_slice %arg8[%mul3A_99] : memref<6000000xf32, #tpu.memory_space<hbm>> -> memref<9600xf32, #tpu.memory_space<hbm>>
        %dma_start3A_100 = tpu.memref_slice %arg8[%mul3A_99] : memref<6000000xf32, #tpu.memory_space<hbm>> -> memref<9600xf32, #tpu.memory_space<hbm>>
        tpu.enqueue_dma source(%arg18 : memref<9600xf32, #tpu.memory_space<vmem>>) target(%dma_start3A_100 : memref<9600xf32, #tpu.memory_space<hbm>>) target_semaphore(%arg22 : memref<!tpu.dma_semaphore, #tpu.memory_space<semaphore_mem>>)
      } else {
      }
    }
    %scan3A_42 = arith.constant 10 : i32
    %dma_wait3A = arith.constant 0 : i32
    %dma_wait3A_43 = tpu.memref_slice %arg8[%dma_wait3A] : memref<6000000xf32, #tpu.memory_space<hbm>> -> memref<9600xf32, #tpu.memory_space<hbm>>
    %dma_wait3A_44 = arith.constant 0 : i32
    %dma_wait3A_45 = tpu.memref_slice %arg8[%dma_wait3A_44] : memref<6000000xf32, #tpu.memory_space<hbm>> -> memref<9600xf32, #tpu.memory_space<hbm>>
    tpu.wait_dma2 semaphore(%arg21 : memref<!tpu.dma_semaphore, #tpu.memory_space<semaphore_mem>>) src(%arg17 : memref<9600xf32, #tpu.memory_space<vmem>>) dst(%dma_wait3A_45 : memref<9600xf32, #tpu.memory_space<hbm>>)
    %ge3A = arith.constant 2 : i32
    %ge3A_46 = arith.cmpi sge, %add3A_35, %ge3A : i32
    %convert_element_type3A_47 = arith.extui %ge3A_46 : i1 to i32
    %cond3A_48 = arith.constant 0 : i32
    %cond3A_49 = arith.cmpi ne, %convert_element_type3A_47, %cond3A_48 : i32
    scf.if %cond3A_49 {
      %dma_wait3A_50 = arith.constant 0 : i32
      %dma_wait3A_51 = tpu.memref_slice %arg8[%dma_wait3A_50] : memref<6000000xf32, #tpu.memory_space<hbm>> -> memref<9600xf32, #tpu.memory_space<hbm>>
      %dma_wait3A_52 = arith.constant 0 : i32
      %dma_wait3A_53 = tpu.memref_slice %arg8[%dma_wait3A_52] : memref<6000000xf32, #tpu.memory_space<hbm>> -> memref<9600xf32, #tpu.memory_space<hbm>>
      tpu.wait_dma2 semaphore(%arg22 : memref<!tpu.dma_semaphore, #tpu.memory_space<semaphore_mem>>) src(%arg18 : memref<9600xf32, #tpu.memory_space<vmem>>) dst(%dma_wait3A_53 : memref<9600xf32, #tpu.memory_space<hbm>>)
    } else {
    }
    return
  }
}

#map = affine_map<(d0, d1) -> (0)>
#map1 = affine_map<(d0, d1) -> (0, 0)>
module attributes {stable_mosaic.version = 14 : i64} {
  func.func @_body(%arg0: i32, %arg1: i32, %arg2: memref<6000000xf32, #tpu.memory_space<hbm>>, %arg3: memref<2000000xi32, #tpu.memory_space<hbm>>, %arg4: memref<128xf32, #tpu.memory_space<hbm>>, %arg5: memref<128xf32, #tpu.memory_space<hbm>>, %arg6: memref<128xf32, #tpu.memory_space<hbm>>, %arg7: memref<4x16xf32, #tpu.memory_space<hbm>>, %arg8: memref<2000000xf32, #tpu.memory_space<hbm>>, %arg9: memref<128xf32, #tpu.memory_space<vmem>>, %arg10: memref<128xf32, #tpu.memory_space<vmem>>, %arg11: memref<128xf32, #tpu.memory_space<vmem>>, %arg12: memref<4x16xf32, #tpu.memory_space<vmem>>, %arg13: memref<3200xi32, #tpu.memory_space<vmem>>, %arg14: memref<3200xi32, #tpu.memory_space<vmem>>, %arg15: memref<9600xf32, #tpu.memory_space<vmem>>, %arg16: memref<9600xf32, #tpu.memory_space<vmem>>, %arg17: memref<3200xf32, #tpu.memory_space<vmem>>, %arg18: memref<3200xf32, #tpu.memory_space<vmem>>, %arg19: memref<!tpu.dma_semaphore, #tpu.memory_space<semaphore_mem>>, %arg20: memref<!tpu.dma_semaphore, #tpu.memory_space<semaphore_mem>>, %arg21: memref<!tpu.dma_semaphore, #tpu.memory_space<semaphore_mem>>, %arg22: memref<!tpu.dma_semaphore, #tpu.memory_space<semaphore_mem>>) attributes {dimension_semantics = [#tpu.dimension_semantics<core_parallel>, #tpu.dimension_semantics<subcore_parallel>], iteration_bounds = array<i64: 2, 16>, scalar_prefetch = 0 : i64, scratch_operands = 14 : i64, tpu.core_type = #tpu.core_type<sc_vector_subcore>, window_params = [{transform_indices = #map}, {transform_indices = #map}, {transform_indices = #map}, {transform_indices = #map}, {transform_indices = #map}, {transform_indices = #map1}, {transform_indices = #map}]} {
    %mul3A = arith.constant 2 : i32
    %mul3A_0 = arith.muli %arg1, %mul3A : i32
    %add3A = arith.addi %mul3A_0, %arg0 : i32
    "tpu.region"() ({
      %run_scoped3A = tpu.sem_alloc : memref<!tpu.dma_semaphore, #tpu.memory_space<semaphore_mem>>
      tpu.enqueue_dma source(%arg4 : memref<128xf32, #tpu.memory_space<hbm>>) target(%arg9 : memref<128xf32, #tpu.memory_space<vmem>>) target_semaphore(%run_scoped3A : memref<!tpu.dma_semaphore, #tpu.memory_space<semaphore_mem>>)
      tpu.wait_dma2 semaphore(%run_scoped3A : memref<!tpu.dma_semaphore, #tpu.memory_space<semaphore_mem>>) src(%arg4 : memref<128xf32, #tpu.memory_space<hbm>>) dst(%arg9 : memref<128xf32, #tpu.memory_space<vmem>>)
      tpu.yield
    }) : () -> ()
    "tpu.region"() ({
      %run_scoped3A = tpu.sem_alloc : memref<!tpu.dma_semaphore, #tpu.memory_space<semaphore_mem>>
      tpu.enqueue_dma source(%arg5 : memref<128xf32, #tpu.memory_space<hbm>>) target(%arg10 : memref<128xf32, #tpu.memory_space<vmem>>) target_semaphore(%run_scoped3A : memref<!tpu.dma_semaphore, #tpu.memory_space<semaphore_mem>>)
      tpu.wait_dma2 semaphore(%run_scoped3A : memref<!tpu.dma_semaphore, #tpu.memory_space<semaphore_mem>>) src(%arg5 : memref<128xf32, #tpu.memory_space<hbm>>) dst(%arg10 : memref<128xf32, #tpu.memory_space<vmem>>)
      tpu.yield
    }) : () -> ()
    "tpu.region"() ({
      %run_scoped3A = tpu.sem_alloc : memref<!tpu.dma_semaphore, #tpu.memory_space<semaphore_mem>>
      tpu.enqueue_dma source(%arg6 : memref<128xf32, #tpu.memory_space<hbm>>) target(%arg11 : memref<128xf32, #tpu.memory_space<vmem>>) target_semaphore(%run_scoped3A : memref<!tpu.dma_semaphore, #tpu.memory_space<semaphore_mem>>)
      tpu.wait_dma2 semaphore(%run_scoped3A : memref<!tpu.dma_semaphore, #tpu.memory_space<semaphore_mem>>) src(%arg6 : memref<128xf32, #tpu.memory_space<hbm>>) dst(%arg11 : memref<128xf32, #tpu.memory_space<vmem>>)
      tpu.yield
    }) : () -> ()
    "tpu.region"() ({
      %run_scoped3A = tpu.sem_alloc : memref<!tpu.dma_semaphore, #tpu.memory_space<semaphore_mem>>
      tpu.enqueue_dma source(%arg7 : memref<4x16xf32, #tpu.memory_space<hbm>>) target(%arg12 : memref<4x16xf32, #tpu.memory_space<vmem>>) target_semaphore(%run_scoped3A : memref<!tpu.dma_semaphore, #tpu.memory_space<semaphore_mem>>)
      tpu.wait_dma2 semaphore(%run_scoped3A : memref<!tpu.dma_semaphore, #tpu.memory_space<semaphore_mem>>) src(%arg7 : memref<4x16xf32, #tpu.memory_space<hbm>>) dst(%arg12 : memref<4x16xf32, #tpu.memory_space<vmem>>)
      tpu.yield
    }) : () -> ()
    %get3A = arith.constant 0 : i32
    %get3A_1 = arith.index_cast %get3A : i32 to index
    %get3A_2 = arith.constant 0 : index
    %get3A_3 = tpu.vector_load %arg12[%get3A_1, %get3A_2] {strides = array<i32>} : memref<4x16xf32, #tpu.memory_space<vmem>>, vector<16xf32>,
    %get3A_4 = arith.constant 1 : i32
    %get3A_5 = arith.index_cast %get3A_4 : i32 to index
    %get3A_6 = arith.constant 0 : index
    %get3A_7 = tpu.vector_load %arg12[%get3A_5, %get3A_6] {strides = array<i32>} : memref<4x16xf32, #tpu.memory_space<vmem>>, vector<16xf32>,
    %get3A_8 = arith.constant 2 : i32
    %get3A_9 = arith.index_cast %get3A_8 : i32 to index
    %get3A_10 = arith.constant 0 : index
    %get3A_11 = tpu.vector_load %arg12[%get3A_9, %get3A_10] {strides = array<i32>} : memref<4x16xf32, #tpu.memory_space<vmem>>, vector<16xf32>,
    %get3A_12 = arith.constant 3 : i32
    %get3A_13 = arith.index_cast %get3A_12 : i32 to index
    %get3A_14 = arith.constant 0 : index
    %get3A_15 = tpu.vector_load %arg12[%get3A_13, %get3A_14] {strides = array<i32>} : memref<4x16xf32, #tpu.memory_space<vmem>>, vector<16xf32>,
    %sub3A = arith.constant 624 : i32
    %sub3A_16 = arith.subi %sub3A, %add3A : i32
    %jit3A = arith.constant 32 : i32
    %div3A = arith.divsi %sub3A_16, %jit3A : i32
    %sign3A = arith.constant 0 : i32
    %sign3A_17 = arith.cmpi sgt, %sub3A_16, %sign3A : i32
    %sign3A_18 = arith.extui %sign3A_17 : i1 to i32
    %sign3A_19 = arith.constant 0 : i32
    %sign3A_20 = arith.cmpi slt, %sub3A_16, %sign3A_19 : i32
    %sign3A_21 = arith.extui %sign3A_20 : i1 to i32
    %sign3A_22 = arith.subi %sign3A_18, %sign3A_21 : i32
    %sign3A_23 = arith.constant 0 : i32
    %sign3A_24 = arith.cmpi sgt, %jit3A, %sign3A_23 : i32
    %sign3A_25 = arith.extui %sign3A_24 : i1 to i32
    %sign3A_26 = arith.constant 0 : i32
    %sign3A_27 = arith.cmpi slt, %jit3A, %sign3A_26 : i32
    %sign3A_28 = arith.extui %sign3A_27 : i1 to i32
    %sign3A_29 = arith.subi %sign3A_25, %sign3A_28 : i32
    %ne3A = arith.cmpi ne, %sign3A_22, %sign3A_29 : i32
    %rem3A = arith.remsi %sub3A_16, %jit3A : i32
    %ne3A_30 = arith.constant 0 : i32
    %ne3A_31 = arith.cmpi ne, %rem3A, %ne3A_30 : i32
    %and3A = arith.andi %ne3A, %ne3A_31 : i1
    %sub3A_32 = arith.constant 1 : i32
    %sub3A_33 = arith.subi %div3A, %sub3A_32 : i32
    %select_n3A = arith.select %and3A, %sub3A_33, %div3A : i32
    %add3A_34 = arith.constant 1 : i32
    %add3A_35 = arith.addi %select_n3A, %add3A_34 : i32
    %gt3A = arith.constant 0 : i32
    %gt3A_36 = arith.cmpi sgt, %add3A_35, %gt3A : i32
    %convert_element_type3A = arith.extui %gt3A_36 : i1 to i32
    %cond3A = arith.constant 0 : i32
    %cond3A_37 = arith.cmpi ne, %convert_element_type3A, %cond3A : i32
    scf.if %cond3A_37 {
      %add3A_50 = arith.constant 0 : i32
      %add3A_51 = arith.addi %add3A, %add3A_50 : i32
      %mul3A_52 = arith.constant 3200 : i32
      %mul3A_53 = arith.muli %add3A_51, %mul3A_52 : i32
      %dma_start3A = tpu.memref_slice %arg3[%mul3A_53] : memref<2000000xi32, #tpu.memory_space<hbm>> -> memref<3200xi32, #tpu.memory_space<hbm>>
      %dma_start3A_54 = tpu.memref_slice %arg3[%mul3A_53] : memref<2000000xi32, #tpu.memory_space<hbm>> -> memref<3200xi32, #tpu.memory_space<hbm>>
      tpu.enqueue_dma source(%dma_start3A_54 : memref<3200xi32, #tpu.memory_space<hbm>>) target(%arg13 : memref<3200xi32, #tpu.memory_space<vmem>>) target_semaphore(%arg19 : memref<!tpu.dma_semaphore, #tpu.memory_space<semaphore_mem>>)
      %mul3A_55 = arith.constant 3 : i32
      %mul3A_56 = arith.muli %mul3A_55, %mul3A_53 : i32
      %dma_start3A_57 = tpu.memref_slice %arg2[%mul3A_56] : memref<6000000xf32, #tpu.memory_space<hbm>> -> memref<9600xf32, #tpu.memory_space<hbm>>
      %dma_start3A_58 = tpu.memref_slice %arg2[%mul3A_56] : memref<6000000xf32, #tpu.memory_space<hbm>> -> memref<9600xf32, #tpu.memory_space<hbm>>
      tpu.enqueue_dma source(%dma_start3A_58 : memref<9600xf32, #tpu.memory_space<hbm>>) target(%arg15 : memref<9600xf32, #tpu.memory_space<vmem>>) target_semaphore(%arg19 : memref<!tpu.dma_semaphore, #tpu.memory_space<semaphore_mem>>)
    } else {
    }
    %scan3A = arith.constant 0 : i32
    %scan3A_38 = arith.constant 0 : i32
    %scan3A_39 = arith.constant 10 : i32
    %scan3A_40 = arith.addi %scan3A_38, %scan3A_39 : i32
    %scan3A_41 = arith.constant 1 : i32
    scf.for %scan3A_50 = %scan3A_38 to %scan3A_40 step %scan3A_41  : i32 {
      %mul3A_51 = arith.constant 2 : i32
      %mul3A_52 = arith.muli %mul3A_51, %scan3A_50 : i32
      %add3A_53 = arith.constant 0 : i32
      %add3A_54 = arith.addi %mul3A_52, %add3A_53 : i32
      %add3A_55 = arith.constant 1 : i32
      %add3A_56 = arith.addi %add3A_54, %add3A_55 : i32
      %lt3A = arith.cmpi slt, %add3A_56, %add3A_35 : i32
      %convert_element_type3A_57 = arith.extui %lt3A : i1 to i32
      %cond3A_58 = arith.constant 0 : i32
      %cond3A_59 = arith.cmpi ne, %convert_element_type3A_57, %cond3A_58 : i32
      scf.if %cond3A_59 {
        %add3A_78 = arith.constant 1 : i32
        %add3A_79 = arith.addi %add3A_54, %add3A_78 : i32
        %mul3A_80 = arith.constant 32 : i32
        %mul3A_81 = arith.muli %add3A_79, %mul3A_80 : i32
        %add3A_82 = arith.addi %add3A, %mul3A_81 : i32
        %mul3A_83 = arith.constant 3200 : i32
        %mul3A_84 = arith.muli %add3A_82, %mul3A_83 : i32
        %dma_start3A = tpu.memref_slice %arg3[%mul3A_84] : memref<2000000xi32, #tpu.memory_space<hbm>> -> memref<3200xi32, #tpu.memory_space<hbm>>
        %dma_start3A_85 = tpu.memref_slice %arg3[%mul3A_84] : memref<2000000xi32, #tpu.memory_space<hbm>> -> memref<3200xi32, #tpu.memory_space<hbm>>
        tpu.enqueue_dma source(%dma_start3A_85 : memref<3200xi32, #tpu.memory_space<hbm>>) target(%arg14 : memref<3200xi32, #tpu.memory_space<vmem>>) target_semaphore(%arg20 : memref<!tpu.dma_semaphore, #tpu.memory_space<semaphore_mem>>)
        %mul3A_86 = arith.constant 3 : i32
        %mul3A_87 = arith.muli %mul3A_86, %mul3A_84 : i32
        %dma_start3A_88 = tpu.memref_slice %arg2[%mul3A_87] : memref<6000000xf32, #tpu.memory_space<hbm>> -> memref<9600xf32, #tpu.memory_space<hbm>>
        %dma_start3A_89 = tpu.memref_slice %arg2[%mul3A_87] : memref<6000000xf32, #tpu.memory_space<hbm>> -> memref<9600xf32, #tpu.memory_space<hbm>>
        tpu.enqueue_dma source(%dma_start3A_89 : memref<9600xf32, #tpu.memory_space<hbm>>) target(%arg16 : memref<9600xf32, #tpu.memory_space<vmem>>) target_semaphore(%arg20 : memref<!tpu.dma_semaphore, #tpu.memory_space<semaphore_mem>>)
      } else {
      }
      %lt3A_60 = arith.cmpi slt, %add3A_54, %add3A_35 : i32
      %convert_element_type3A_61 = arith.extui %lt3A_60 : i1 to i32
      %cond3A_62 = arith.constant 0 : i32
      %cond3A_63 = arith.cmpi ne, %convert_element_type3A_61, %cond3A_62 : i32
      scf.if %cond3A_63 {
        %dma_wait3A_78 = arith.constant 0 : i32
        %dma_wait3A_79 = tpu.memref_slice %arg3[%dma_wait3A_78] : memref<2000000xi32, #tpu.memory_space<hbm>> -> memref<3200xi32, #tpu.memory_space<hbm>>
        %dma_wait3A_80 = arith.constant 0 : i32
        %dma_wait3A_81 = tpu.memref_slice %arg3[%dma_wait3A_80] : memref<2000000xi32, #tpu.memory_space<hbm>> -> memref<3200xi32, #tpu.memory_space<hbm>>
        tpu.wait_dma2 semaphore(%arg19 : memref<!tpu.dma_semaphore, #tpu.memory_space<semaphore_mem>>) src(%dma_wait3A_81 : memref<3200xi32, #tpu.memory_space<hbm>>) dst(%arg13 : memref<3200xi32, #tpu.memory_space<vmem>>)
        %dma_wait3A_82 = arith.constant 0 : i32
        %dma_wait3A_83 = tpu.memref_slice %arg2[%dma_wait3A_82] : memref<6000000xf32, #tpu.memory_space<hbm>> -> memref<9600xf32, #tpu.memory_space<hbm>>
        %dma_wait3A_84 = arith.constant 0 : i32
        %dma_wait3A_85 = tpu.memref_slice %arg2[%dma_wait3A_84] : memref<6000000xf32, #tpu.memory_space<hbm>> -> memref<9600xf32, #tpu.memory_space<hbm>>
        tpu.wait_dma2 semaphore(%arg19 : memref<!tpu.dma_semaphore, #tpu.memory_space<semaphore_mem>>) src(%dma_wait3A_85 : memref<9600xf32, #tpu.memory_space<hbm>>) dst(%arg15 : memref<9600xf32, #tpu.memory_space<vmem>>)
        %ge3A_86 = arith.constant 2 : i32
        %ge3A_87 = arith.cmpi sge, %add3A_54, %ge3A_86 : i32
        %convert_element_type3A_88 = arith.extui %ge3A_87 : i1 to i32
        %cond3A_89 = arith.constant 0 : i32
        %cond3A_90 = arith.cmpi ne, %convert_element_type3A_88, %cond3A_89 : i32
        scf.if %cond3A_90 {
          %dma_wait3A_101 = arith.constant 0 : i32
          %dma_wait3A_102 = tpu.memref_slice %arg8[%dma_wait3A_101] : memref<2000000xf32, #tpu.memory_space<hbm>> -> memref<3200xf32, #tpu.memory_space<hbm>>
          %dma_wait3A_103 = arith.constant 0 : i32
          %dma_wait3A_104 = tpu.memref_slice %arg8[%dma_wait3A_103] : memref<2000000xf32, #tpu.memory_space<hbm>> -> memref<3200xf32, #tpu.memory_space<hbm>>
          tpu.wait_dma2 semaphore(%arg21 : memref<!tpu.dma_semaphore, #tpu.memory_space<semaphore_mem>>) src(%arg17 : memref<3200xf32, #tpu.memory_space<vmem>>) dst(%dma_wait3A_104 : memref<3200xf32, #tpu.memory_space<hbm>>)
        } else {
        }
        %parallel_loop3A = arith.constant 0 : i32
        %parallel_loop3A_91 = arith.constant 200 : i32
        %parallel_loop3A_92 = arith.constant 1 : i32
        scf.for %parallel_loop3A_101 = %parallel_loop3A to %parallel_loop3A_91 step %parallel_loop3A_92  : i32 {
          %parallel_loop3A_102 = arith.constant 16 : i32
          %parallel_loop3A_103 = arith.muli %parallel_loop3A_101, %parallel_loop3A_102 : i32
          %parallel_loop3A_104 = arith.constant 3 : i32
          %parallel_loop3A_105 = arith.shrui %parallel_loop3A_101, %parallel_loop3A_104 : i32
          %parallel_loop3A_106 = arith.constant 384 : i32
          %parallel_loop3A_107 = arith.muli %parallel_loop3A_105, %parallel_loop3A_106 : i32
          %parallel_loop3A_108 = arith.constant 7 : i32
          %parallel_loop3A_109 = arith.andi %parallel_loop3A_101, %parallel_loop3A_108 : i32
          %parallel_loop3A_110 = arith.constant 16 : i32
          %parallel_loop3A_111 = arith.muli %parallel_loop3A_109, %parallel_loop3A_110 : i32
          %parallel_loop3A_112 = arith.addi %parallel_loop3A_107, %parallel_loop3A_111 : i32
          %parallel_loop3A_113 = arith.index_cast %parallel_loop3A_103 : i32 to index
          %parallel_loop3A_114 = tpu.vector_load %arg13[%parallel_loop3A_113] {strides = array<i32>} : memref<3200xi32, #tpu.memory_space<vmem>>, vector<16xi32>,
          %parallel_loop3A_115 = arith.constant 127 : i32
          %parallel_loop3A_116 = vector.broadcast %parallel_loop3A_115 : i32 to vector<16xi32>
          %parallel_loop3A_117 = arith.andi %parallel_loop3A_114, %parallel_loop3A_116 : vector<16xi32>
          %parallel_loop3A_118 = arith.constant 7 : i32
          %parallel_loop3A_119 = vector.broadcast %parallel_loop3A_118 : i32 to vector<16xi32>
          %parallel_loop3A_120 = arith.shrui %parallel_loop3A_114, %parallel_loop3A_119 : vector<16xi32>
          %parallel_loop3A_121 = arith.constant 127 : i32
          %parallel_loop3A_122 = vector.broadcast %parallel_loop3A_121 : i32 to vector<16xi32>
          %parallel_loop3A_123 = arith.andi %parallel_loop3A_120, %parallel_loop3A_122 : vector<16xi32>
          %parallel_loop3A_124 = arith.constant 14 : i32
          %parallel_loop3A_125 = vector.broadcast %parallel_loop3A_124 : i32 to vector<16xi32>
          %parallel_loop3A_126 = arith.shrui %parallel_loop3A_114, %parallel_loop3A_125 : vector<16xi32>
          %parallel_loop3A_127 = tpu.vector_load_idx %arg9[%parallel_loop3A_126] : memref<128xf32, #tpu.memory_space<vmem>>[vector<16xi32>], vector<16xf32>,
          %parallel_loop3A_128 = tpu.vector_load_idx %arg10[%parallel_loop3A_123] : memref<128xf32, #tpu.memory_space<vmem>>[vector<16xi32>], vector<16xf32>,
          %parallel_loop3A_129 = tpu.vector_load_idx %arg11[%parallel_loop3A_117] : memref<128xf32, #tpu.memory_space<vmem>>[vector<16xi32>], vector<16xf32>,
          %parallel_loop3A_130 = arith.index_cast %parallel_loop3A_112 : i32 to index
          %parallel_loop3A_131 = tpu.vector_load %arg15[%parallel_loop3A_130] {strides = array<i32>} : memref<9600xf32, #tpu.memory_space<vmem>>, vector<16xf32>,
          %parallel_loop3A_132 = arith.sitofp %parallel_loop3A_126 : vector<16xi32> to vector<16xf32>
          %parallel_loop3A_133 = arith.addf %parallel_loop3A_131, %parallel_loop3A_132 : vector<16xf32>
          %parallel_loop3A_134 = arith.constant 128 : i32
          %parallel_loop3A_135 = arith.addi %parallel_loop3A_112, %parallel_loop3A_134 : i32
          %parallel_loop3A_136 = arith.index_cast %parallel_loop3A_135 : i32 to index
          %parallel_loop3A_137 = tpu.vector_load %arg15[%parallel_loop3A_136] {strides = array<i32>} : memref<9600xf32, #tpu.memory_space<vmem>>, vector<16xf32>,
          %parallel_loop3A_138 = arith.sitofp %parallel_loop3A_123 : vector<16xi32> to vector<16xf32>
          %parallel_loop3A_139 = arith.addf %parallel_loop3A_137, %parallel_loop3A_138 : vector<16xf32>
          %parallel_loop3A_140 = arith.constant 256 : i32
          %parallel_loop3A_141 = arith.addi %parallel_loop3A_112, %parallel_loop3A_140 : i32
          %parallel_loop3A_142 = arith.index_cast %parallel_loop3A_141 : i32 to index
          %parallel_loop3A_143 = tpu.vector_load %arg15[%parallel_loop3A_142] {strides = array<i32>} : memref<9600xf32, #tpu.memory_space<vmem>>, vector<16xf32>,
          %parallel_loop3A_144 = arith.sitofp %parallel_loop3A_117 : vector<16xi32> to vector<16xf32>
          %parallel_loop3A_145 = arith.addf %parallel_loop3A_143, %parallel_loop3A_144 : vector<16xf32>
          %parallel_loop3A_146 = arith.mulf %parallel_loop3A_127, %parallel_loop3A_133 : vector<16xf32>
          %parallel_loop3A_147 = arith.addf %parallel_loop3A_146, %get3A_3 : vector<16xf32>
          %parallel_loop3A_148 = arith.mulf %parallel_loop3A_133, %parallel_loop3A_147 : vector<16xf32>
          %parallel_loop3A_149 = arith.mulf %parallel_loop3A_128, %parallel_loop3A_139 : vector<16xf32>
          %parallel_loop3A_150 = arith.addf %parallel_loop3A_149, %get3A_7 : vector<16xf32>
          %parallel_loop3A_151 = arith.mulf %parallel_loop3A_139, %parallel_loop3A_150 : vector<16xf32>
          %parallel_loop3A_152 = arith.addf %parallel_loop3A_148, %parallel_loop3A_151 : vector<16xf32>
          %parallel_loop3A_153 = arith.mulf %parallel_loop3A_129, %parallel_loop3A_145 : vector<16xf32>
          %parallel_loop3A_154 = arith.addf %parallel_loop3A_153, %get3A_11 : vector<16xf32>
          %parallel_loop3A_155 = arith.mulf %parallel_loop3A_145, %parallel_loop3A_154 : vector<16xf32>
          %parallel_loop3A_156 = arith.addf %parallel_loop3A_152, %parallel_loop3A_155 : vector<16xf32>
          %parallel_loop3A_157 = arith.addf %parallel_loop3A_156, %get3A_15 : vector<16xf32>
          %parallel_loop3A_158 = arith.constant 16 : i32
          %parallel_loop3A_159 = arith.muli %parallel_loop3A_101, %parallel_loop3A_158 : i32
          %parallel_loop3A_160 = arith.index_cast %parallel_loop3A_159 : i32 to index
          %parallel_loop3A_161 = tpu.vector_load %arg17[%parallel_loop3A_160] {strides = array<i32>} : memref<3200xf32, #tpu.memory_space<vmem>>, vector<16xf32>,
          tpu.vector_store %arg17[%parallel_loop3A_160], %parallel_loop3A_157 {strides = array<i32>} : memref<3200xf32, #tpu.memory_space<vmem>>, vector<16xf32>,
        } {sc.loop_unroll_factor = 8 : i64, sc.parallel_access}
        %mul3A_93 = arith.constant 32 : i32
        %mul3A_94 = arith.muli %add3A_54, %mul3A_93 : i32
        %add3A_95 = arith.addi %add3A, %mul3A_94 : i32
        %mul3A_96 = arith.constant 3200 : i32
        %mul3A_97 = arith.muli %add3A_95, %mul3A_96 : i32
        %mul3A_98 = arith.constant 1 : i32
        %mul3A_99 = arith.muli %mul3A_98, %mul3A_97 : i32
        %dma_start3A = tpu.memref_slice %arg8[%mul3A_99] : memref<2000000xf32, #tpu.memory_space<hbm>> -> memref<3200xf32, #tpu.memory_space<hbm>>
        %dma_start3A_100 = tpu.memref_slice %arg8[%mul3A_99] : memref<2000000xf32, #tpu.memory_space<hbm>> -> memref<3200xf32, #tpu.memory_space<hbm>>
        tpu.enqueue_dma source(%arg17 : memref<3200xf32, #tpu.memory_space<vmem>>) target(%dma_start3A_100 : memref<3200xf32, #tpu.memory_space<hbm>>) target_semaphore(%arg21 : memref<!tpu.dma_semaphore, #tpu.memory_space<semaphore_mem>>)
      } else {
      }
      %mul3A_64 = arith.constant 2 : i32
      %mul3A_65 = arith.muli %mul3A_64, %scan3A_50 : i32
      %add3A_66 = arith.constant 1 : i32
      %add3A_67 = arith.addi %mul3A_65, %add3A_66 : i32
      %add3A_68 = arith.constant 1 : i32
      %add3A_69 = arith.addi %add3A_67, %add3A_68 : i32
      %lt3A_70 = arith.cmpi slt, %add3A_69, %add3A_35 : i32
      %convert_element_type3A_71 = arith.extui %lt3A_70 : i1 to i32
      %cond3A_72 = arith.constant 0 : i32
      %cond3A_73 = arith.cmpi ne, %convert_element_type3A_71, %cond3A_72 : i32
      scf.if %cond3A_73 {
        %add3A_78 = arith.constant 1 : i32
        %add3A_79 = arith.addi %add3A_67, %add3A_78 : i32
        %mul3A_80 = arith.constant 32 : i32
        %mul3A_81 = arith.muli %add3A_79, %mul3A_80 : i32
        %add3A_82 = arith.addi %add3A, %mul3A_81 : i32
        %mul3A_83 = arith.constant 3200 : i32
        %mul3A_84 = arith.muli %add3A_82, %mul3A_83 : i32
        %dma_start3A = tpu.memref_slice %arg3[%mul3A_84] : memref<2000000xi32, #tpu.memory_space<hbm>> -> memref<3200xi32, #tpu.memory_space<hbm>>
        %dma_start3A_85 = tpu.memref_slice %arg3[%mul3A_84] : memref<2000000xi32, #tpu.memory_space<hbm>> -> memref<3200xi32, #tpu.memory_space<hbm>>
        tpu.enqueue_dma source(%dma_start3A_85 : memref<3200xi32, #tpu.memory_space<hbm>>) target(%arg13 : memref<3200xi32, #tpu.memory_space<vmem>>) target_semaphore(%arg19 : memref<!tpu.dma_semaphore, #tpu.memory_space<semaphore_mem>>)
        %mul3A_86 = arith.constant 3 : i32
        %mul3A_87 = arith.muli %mul3A_86, %mul3A_84 : i32
        %dma_start3A_88 = tpu.memref_slice %arg2[%mul3A_87] : memref<6000000xf32, #tpu.memory_space<hbm>> -> memref<9600xf32, #tpu.memory_space<hbm>>
        %dma_start3A_89 = tpu.memref_slice %arg2[%mul3A_87] : memref<6000000xf32, #tpu.memory_space<hbm>> -> memref<9600xf32, #tpu.memory_space<hbm>>
        tpu.enqueue_dma source(%dma_start3A_89 : memref<9600xf32, #tpu.memory_space<hbm>>) target(%arg15 : memref<9600xf32, #tpu.memory_space<vmem>>) target_semaphore(%arg19 : memref<!tpu.dma_semaphore, #tpu.memory_space<semaphore_mem>>)
      } else {
      }
      %lt3A_74 = arith.cmpi slt, %add3A_67, %add3A_35 : i32
      %convert_element_type3A_75 = arith.extui %lt3A_74 : i1 to i32
      %cond3A_76 = arith.constant 0 : i32
      %cond3A_77 = arith.cmpi ne, %convert_element_type3A_75, %cond3A_76 : i32
      scf.if %cond3A_77 {
        %dma_wait3A_78 = arith.constant 0 : i32
        %dma_wait3A_79 = tpu.memref_slice %arg3[%dma_wait3A_78] : memref<2000000xi32, #tpu.memory_space<hbm>> -> memref<3200xi32, #tpu.memory_space<hbm>>
        %dma_wait3A_80 = arith.constant 0 : i32
        %dma_wait3A_81 = tpu.memref_slice %arg3[%dma_wait3A_80] : memref<2000000xi32, #tpu.memory_space<hbm>> -> memref<3200xi32, #tpu.memory_space<hbm>>
        tpu.wait_dma2 semaphore(%arg20 : memref<!tpu.dma_semaphore, #tpu.memory_space<semaphore_mem>>) src(%dma_wait3A_81 : memref<3200xi32, #tpu.memory_space<hbm>>) dst(%arg14 : memref<3200xi32, #tpu.memory_space<vmem>>)
        %dma_wait3A_82 = arith.constant 0 : i32
        %dma_wait3A_83 = tpu.memref_slice %arg2[%dma_wait3A_82] : memref<6000000xf32, #tpu.memory_space<hbm>> -> memref<9600xf32, #tpu.memory_space<hbm>>
        %dma_wait3A_84 = arith.constant 0 : i32
        %dma_wait3A_85 = tpu.memref_slice %arg2[%dma_wait3A_84] : memref<6000000xf32, #tpu.memory_space<hbm>> -> memref<9600xf32, #tpu.memory_space<hbm>>
        tpu.wait_dma2 semaphore(%arg20 : memref<!tpu.dma_semaphore, #tpu.memory_space<semaphore_mem>>) src(%dma_wait3A_85 : memref<9600xf32, #tpu.memory_space<hbm>>) dst(%arg16 : memref<9600xf32, #tpu.memory_space<vmem>>)
        %ge3A_86 = arith.constant 2 : i32
        %ge3A_87 = arith.cmpi sge, %add3A_67, %ge3A_86 : i32
        %convert_element_type3A_88 = arith.extui %ge3A_87 : i1 to i32
        %cond3A_89 = arith.constant 0 : i32
        %cond3A_90 = arith.cmpi ne, %convert_element_type3A_88, %cond3A_89 : i32
        scf.if %cond3A_90 {
          %dma_wait3A_101 = arith.constant 0 : i32
          %dma_wait3A_102 = tpu.memref_slice %arg8[%dma_wait3A_101] : memref<2000000xf32, #tpu.memory_space<hbm>> -> memref<3200xf32, #tpu.memory_space<hbm>>
          %dma_wait3A_103 = arith.constant 0 : i32
          %dma_wait3A_104 = tpu.memref_slice %arg8[%dma_wait3A_103] : memref<2000000xf32, #tpu.memory_space<hbm>> -> memref<3200xf32, #tpu.memory_space<hbm>>
          tpu.wait_dma2 semaphore(%arg22 : memref<!tpu.dma_semaphore, #tpu.memory_space<semaphore_mem>>) src(%arg18 : memref<3200xf32, #tpu.memory_space<vmem>>) dst(%dma_wait3A_104 : memref<3200xf32, #tpu.memory_space<hbm>>)
        } else {
        }
        %parallel_loop3A = arith.constant 0 : i32
        %parallel_loop3A_91 = arith.constant 200 : i32
        %parallel_loop3A_92 = arith.constant 1 : i32
        scf.for %parallel_loop3A_101 = %parallel_loop3A to %parallel_loop3A_91 step %parallel_loop3A_92  : i32 {
          %parallel_loop3A_102 = arith.constant 16 : i32
          %parallel_loop3A_103 = arith.muli %parallel_loop3A_101, %parallel_loop3A_102 : i32
          %parallel_loop3A_104 = arith.constant 3 : i32
          %parallel_loop3A_105 = arith.shrui %parallel_loop3A_101, %parallel_loop3A_104 : i32
          %parallel_loop3A_106 = arith.constant 384 : i32
          %parallel_loop3A_107 = arith.muli %parallel_loop3A_105, %parallel_loop3A_106 : i32
          %parallel_loop3A_108 = arith.constant 7 : i32
          %parallel_loop3A_109 = arith.andi %parallel_loop3A_101, %parallel_loop3A_108 : i32
          %parallel_loop3A_110 = arith.constant 16 : i32
          %parallel_loop3A_111 = arith.muli %parallel_loop3A_109, %parallel_loop3A_110 : i32
          %parallel_loop3A_112 = arith.addi %parallel_loop3A_107, %parallel_loop3A_111 : i32
          %parallel_loop3A_113 = arith.index_cast %parallel_loop3A_103 : i32 to index
          %parallel_loop3A_114 = tpu.vector_load %arg14[%parallel_loop3A_113] {strides = array<i32>} : memref<3200xi32, #tpu.memory_space<vmem>>, vector<16xi32>,
          %parallel_loop3A_115 = arith.constant 127 : i32
          %parallel_loop3A_116 = vector.broadcast %parallel_loop3A_115 : i32 to vector<16xi32>
          %parallel_loop3A_117 = arith.andi %parallel_loop3A_114, %parallel_loop3A_116 : vector<16xi32>
          %parallel_loop3A_118 = arith.constant 7 : i32
          %parallel_loop3A_119 = vector.broadcast %parallel_loop3A_118 : i32 to vector<16xi32>
          %parallel_loop3A_120 = arith.shrui %parallel_loop3A_114, %parallel_loop3A_119 : vector<16xi32>
          %parallel_loop3A_121 = arith.constant 127 : i32
          %parallel_loop3A_122 = vector.broadcast %parallel_loop3A_121 : i32 to vector<16xi32>
          %parallel_loop3A_123 = arith.andi %parallel_loop3A_120, %parallel_loop3A_122 : vector<16xi32>
          %parallel_loop3A_124 = arith.constant 14 : i32
          %parallel_loop3A_125 = vector.broadcast %parallel_loop3A_124 : i32 to vector<16xi32>
          %parallel_loop3A_126 = arith.shrui %parallel_loop3A_114, %parallel_loop3A_125 : vector<16xi32>
          %parallel_loop3A_127 = tpu.vector_load_idx %arg9[%parallel_loop3A_126] : memref<128xf32, #tpu.memory_space<vmem>>[vector<16xi32>], vector<16xf32>,
          %parallel_loop3A_128 = tpu.vector_load_idx %arg10[%parallel_loop3A_123] : memref<128xf32, #tpu.memory_space<vmem>>[vector<16xi32>], vector<16xf32>,
          %parallel_loop3A_129 = tpu.vector_load_idx %arg11[%parallel_loop3A_117] : memref<128xf32, #tpu.memory_space<vmem>>[vector<16xi32>], vector<16xf32>,
          %parallel_loop3A_130 = arith.index_cast %parallel_loop3A_112 : i32 to index
          %parallel_loop3A_131 = tpu.vector_load %arg16[%parallel_loop3A_130] {strides = array<i32>} : memref<9600xf32, #tpu.memory_space<vmem>>, vector<16xf32>,
          %parallel_loop3A_132 = arith.sitofp %parallel_loop3A_126 : vector<16xi32> to vector<16xf32>
          %parallel_loop3A_133 = arith.addf %parallel_loop3A_131, %parallel_loop3A_132 : vector<16xf32>
          %parallel_loop3A_134 = arith.constant 128 : i32
          %parallel_loop3A_135 = arith.addi %parallel_loop3A_112, %parallel_loop3A_134 : i32
          %parallel_loop3A_136 = arith.index_cast %parallel_loop3A_135 : i32 to index
          %parallel_loop3A_137 = tpu.vector_load %arg16[%parallel_loop3A_136] {strides = array<i32>} : memref<9600xf32, #tpu.memory_space<vmem>>, vector<16xf32>,
          %parallel_loop3A_138 = arith.sitofp %parallel_loop3A_123 : vector<16xi32> to vector<16xf32>
          %parallel_loop3A_139 = arith.addf %parallel_loop3A_137, %parallel_loop3A_138 : vector<16xf32>
          %parallel_loop3A_140 = arith.constant 256 : i32
          %parallel_loop3A_141 = arith.addi %parallel_loop3A_112, %parallel_loop3A_140 : i32
          %parallel_loop3A_142 = arith.index_cast %parallel_loop3A_141 : i32 to index
          %parallel_loop3A_143 = tpu.vector_load %arg16[%parallel_loop3A_142] {strides = array<i32>} : memref<9600xf32, #tpu.memory_space<vmem>>, vector<16xf32>,
          %parallel_loop3A_144 = arith.sitofp %parallel_loop3A_117 : vector<16xi32> to vector<16xf32>
          %parallel_loop3A_145 = arith.addf %parallel_loop3A_143, %parallel_loop3A_144 : vector<16xf32>
          %parallel_loop3A_146 = arith.mulf %parallel_loop3A_127, %parallel_loop3A_133 : vector<16xf32>
          %parallel_loop3A_147 = arith.addf %parallel_loop3A_146, %get3A_3 : vector<16xf32>
          %parallel_loop3A_148 = arith.mulf %parallel_loop3A_133, %parallel_loop3A_147 : vector<16xf32>
          %parallel_loop3A_149 = arith.mulf %parallel_loop3A_128, %parallel_loop3A_139 : vector<16xf32>
          %parallel_loop3A_150 = arith.addf %parallel_loop3A_149, %get3A_7 : vector<16xf32>
          %parallel_loop3A_151 = arith.mulf %parallel_loop3A_139, %parallel_loop3A_150 : vector<16xf32>
          %parallel_loop3A_152 = arith.addf %parallel_loop3A_148, %parallel_loop3A_151 : vector<16xf32>
          %parallel_loop3A_153 = arith.mulf %parallel_loop3A_129, %parallel_loop3A_145 : vector<16xf32>
          %parallel_loop3A_154 = arith.addf %parallel_loop3A_153, %get3A_11 : vector<16xf32>
          %parallel_loop3A_155 = arith.mulf %parallel_loop3A_145, %parallel_loop3A_154 : vector<16xf32>
          %parallel_loop3A_156 = arith.addf %parallel_loop3A_152, %parallel_loop3A_155 : vector<16xf32>
          %parallel_loop3A_157 = arith.addf %parallel_loop3A_156, %get3A_15 : vector<16xf32>
          %parallel_loop3A_158 = arith.constant 16 : i32
          %parallel_loop3A_159 = arith.muli %parallel_loop3A_101, %parallel_loop3A_158 : i32
          %parallel_loop3A_160 = arith.index_cast %parallel_loop3A_159 : i32 to index
          %parallel_loop3A_161 = tpu.vector_load %arg18[%parallel_loop3A_160] {strides = array<i32>} : memref<3200xf32, #tpu.memory_space<vmem>>, vector<16xf32>,
          tpu.vector_store %arg18[%parallel_loop3A_160], %parallel_loop3A_157 {strides = array<i32>} : memref<3200xf32, #tpu.memory_space<vmem>>, vector<16xf32>,
        } {sc.loop_unroll_factor = 8 : i64, sc.parallel_access}
        %mul3A_93 = arith.constant 32 : i32
        %mul3A_94 = arith.muli %add3A_67, %mul3A_93 : i32
        %add3A_95 = arith.addi %add3A, %mul3A_94 : i32
        %mul3A_96 = arith.constant 3200 : i32
        %mul3A_97 = arith.muli %add3A_95, %mul3A_96 : i32
        %mul3A_98 = arith.constant 1 : i32
        %mul3A_99 = arith.muli %mul3A_98, %mul3A_97 : i32
        %dma_start3A = tpu.memref_slice %arg8[%mul3A_99] : memref<2000000xf32, #tpu.memory_space<hbm>> -> memref<3200xf32, #tpu.memory_space<hbm>>
        %dma_start3A_100 = tpu.memref_slice %arg8[%mul3A_99] : memref<2000000xf32, #tpu.memory_space<hbm>> -> memref<3200xf32, #tpu.memory_space<hbm>>
        tpu.enqueue_dma source(%arg18 : memref<3200xf32, #tpu.memory_space<vmem>>) target(%dma_start3A_100 : memref<3200xf32, #tpu.memory_space<hbm>>) target_semaphore(%arg22 : memref<!tpu.dma_semaphore, #tpu.memory_space<semaphore_mem>>)
      } else {
      }
    }
    %scan3A_42 = arith.constant 10 : i32
    %dma_wait3A = arith.constant 0 : i32
    %dma_wait3A_43 = tpu.memref_slice %arg8[%dma_wait3A] : memref<2000000xf32, #tpu.memory_space<hbm>> -> memref<3200xf32, #tpu.memory_space<hbm>>
    %dma_wait3A_44 = arith.constant 0 : i32
    %dma_wait3A_45 = tpu.memref_slice %arg8[%dma_wait3A_44] : memref<2000000xf32, #tpu.memory_space<hbm>> -> memref<3200xf32, #tpu.memory_space<hbm>>
    tpu.wait_dma2 semaphore(%arg21 : memref<!tpu.dma_semaphore, #tpu.memory_space<semaphore_mem>>) src(%arg17 : memref<3200xf32, #tpu.memory_space<vmem>>) dst(%dma_wait3A_45 : memref<3200xf32, #tpu.memory_space<hbm>>)
    %ge3A = arith.constant 2 : i32
    %ge3A_46 = arith.cmpi sge, %add3A_35, %ge3A : i32
    %convert_element_type3A_47 = arith.extui %ge3A_46 : i1 to i32
    %cond3A_48 = arith.constant 0 : i32
    %cond3A_49 = arith.cmpi ne, %convert_element_type3A_47, %cond3A_48 : i32
    scf.if %cond3A_49 {
      %dma_wait3A_50 = arith.constant 0 : i32
      %dma_wait3A_51 = tpu.memref_slice %arg8[%dma_wait3A_50] : memref<2000000xf32, #tpu.memory_space<hbm>> -> memref<3200xf32, #tpu.memory_space<hbm>>
      %dma_wait3A_52 = arith.constant 0 : i32
      %dma_wait3A_53 = tpu.memref_slice %arg8[%dma_wait3A_52] : memref<2000000xf32, #tpu.memory_space<hbm>> -> memref<3200xf32, #tpu.memory_space<hbm>>
      tpu.wait_dma2 semaphore(%arg22 : memref<!tpu.dma_semaphore, #tpu.memory_space<semaphore_mem>>) src(%arg18 : memref<3200xf32, #tpu.memory_space<vmem>>) dst(%dma_wait3A_53 : memref<3200xf32, #tpu.memory_space<hbm>>)
    } else {
    }
    return
  }
}

</mosaic_0001>

<sc_bundles>
// kernel: kernel.4.cloned.1.call-start
scs
__scs_entry_jumppad:
0x0: {  	(pc) =	sbr.rel $0x88, $3  }
0x1: {  	(tag) =	ssettag $0x0;
	lr =	simm.s32 $0x1  }
0x2: {  	[smem:$0x3F99] =	sst lr;
	_ =	strace $0xD0000000  }
0x3: {  	_ = 	snop  }
0x4: {  	_ = 	snop  }
0x5: {  	_ = 	snop  }
0x6: {  	_ = 	snop  }
0x7: {  	_ = 	snop  }
__scs_overlays_trampoline_lowered:
0x8: {  	[smem:$0x3FA8] =	sst s0  }
0x9: {  	[smem:$0x3FA9] =	sst s1  }
0xa: {  	[smem:$0x3FAA] =	sst s2  }
0xb: {  	[smem:$0x3FAB] =	sst s3  }
0xc: {  	[smem:$0x3FAC] =	sst s4  }
0xd: {  	[smem:$0x3FAD] =	sst s5  }
0xe: {  	[smem:$0x3FAE] =	sst s6  }
0xf: {  	[smem:$0x3FAF] =	sst s7  }
0x10: {  	[smem:$0x3FB0] =	sst s8  }
0x11: {  	[smem:$0x3FB1] =	sst s9;
	s0 =	simm.s32 @!p0 $0x0  }
0x12: {  	s1 =	sld [smem:$0x3F97];
	s0 =	simm.s32 @p0 $0x1  }
0x13: {  	[smem:$0x3FB2] =	sst s0;
	s0 =	simm.s32 @!p1 $0x0  }
0x14: {  	s2 =	sld [smem:$0x3F96];
	s0 =	simm.s32 @p1 $0x1  }
0x15: {  	[smem:$0x3FB3] =	sst s0;
	s0 =	simm.s32 @!p2 $0x0  }
0x16: {  	s3 =	sld [smem:$0x3FDB];
	s0 =	simm.s32 @p2 $0x1  }
0x17: {  	s4 =	simm.s32 $0x1BF5;
	[smem:$0x3FB5] =	sst s0  }
0x18: {  	s0 =	sld [smem:$0x3F98];
	_ =	swait.ge [sflag:s4], $0x0  }
0x19: {  	s7 =	sld [smem:$0x3F99]  }
0x1a: {  	s8 =	sadd.s32 $0xFFFFE003, lr  }
0x1b: {  	s9 =	sadd.s32 $0xFFFFFEF7, lr;
	s5 =	simm.s32 $0xFFFFFFFF;
	p2 =	slt.u32 s8, $0xFFFFF086  }
0x1c: {  	p1 =	slt.u32 s9, $0xF7A;
	s5 =	simm.s32 @!p2 $0x0  }
0x1d: {  	s5 =	simm.s32 @p1 $0x1;
	p0 =	seq.s32 s7, s2  }
0x1e: {  	s7 =	smul.u32 @!p0 $0xF7A, s2;
	p2 =	seq.s32 @!p0 s5, $0x0  }
0x1f: {  	s9 =	smul.u32 $0xF7A, s1;
	s8 =	simm.s32 @!p0 $0x1BF5;
	p2 =	por !p2, p0  }
0x20: {  	[sflag:s8] =	ssyncset.s32 @!p0 $0xFFFFF086;
	s6 =	sadd.s32 @!p0 s3, s7;
	s7 =	simm.s32 @!p0 $0x108  }
0x21: {  	s3 =	sadd.s32 s3, s9;
	s6 =	sadd.s32 @!p0 $0x88, s6;
	s7 =	simm.s32 @p2 $0x1082  }
0x22: {  	[simem:s7], [sflag:s8] =	dma.local @!p0 [hbm:s6], $0xF7A  }
0x23: {  	s9 =	sor.u32 $0xD0000000, s2;
	s6 =	simm.s32 $0x108;
	_ =	swait.ge @!p0 [sflag:s8], $0x0  }
0x24: {  	s3 =	sadd.s32 $0x88, s3;
	s6 =	simm.s32 @!p1 $0x1082;
	[sflag:s4] =	ssyncset.s32 $0xFFFFF086  }
0x25: {  	[simem:s6], [sflag:s4] =	dma.local [hbm:s3], $0xF7A  }
0x26: {  	[smem:$0x3F99] =	sst s1;
	(tag) =	ssettag s2;
	_ =	strace s9  }
0x27: {  	s1 =	sld [smem:$0x3FA9]  }
0x28: {  	s2 =	sld [smem:$0x3FAA]  }
0x29: {  	s4 =	sld [smem:$0x3FAC]  }
0x2a: {  	p0 =	seq.s32 s5, $0x0;
	s5 =	sld [smem:$0x3FAD]  }
0x2b: {  	s6 =	sld [smem:$0x3FAE]  }
0x2c: {  	s7 =	sld [smem:$0x3FAF]  }
0x2d: {  	s3 =	simm.s32 $0x108;
	s8 =	sld [smem:$0x3FB0]  }
0x2e: {  	s3 =	simm.s32 @!p0 $0x1082;
	s9 =	sld [smem:$0x3FB1]  }
0x2f: {  	lr =	sadd.s32 s0, s3;
	s0 =	sld [smem:$0x3FA8]  }
0x30: {  	s3 =	sld [smem:$0x3FAB]  }
0x31: {  	[smem:$0x3FB4] =	sst s10  }
0x32: {  	s10 =	sld [smem:$0x3FB2];
	_ =	sdelay $0x3  }
0x33: {  	p0 =	seq.s32 s10, $0x1;
	s10 =	sld [smem:$0x3FB4];
	_ =	sdelay $0x3  }
0x34: {  	[smem:$0x3FB4] =	sst s10  }
0x35: {  	s10 =	sld [smem:$0x3FB3];
	_ =	sdelay $0x3  }
0x36: {  	p1 =	seq.s32 s10, $0x1;
	s10 =	sld [smem:$0x3FB4];
	_ =	sdelay $0x3  }
0x37: {  	[smem:$0x3FB4] =	sst s10  }
0x38: {  	s10 =	sld [smem:$0x3FB5]  }
0x39: {  	_ = 	snop;
	(pc) =	sbr.ind lr, $3  }
0x3a: {  	_ = 	snop  }
0x3b: {  	_ = 	snop  }
0x3c: {  	p2 =	seq.s32 s10, $0x1;
	s10 =	sld [smem:$0x3FB4]  }
0x3d: {  	_ =	shalt  }
0x3e: {  	_ =	shalt  }
0x3f: {  	_ =	shalt  }
0x40: {  	_ =	shalt  }
0x41: {  	_ =	shalt  }
0x42: {  	_ =	shalt  }
0x43: {  	_ =	shalt  }
0x44: {  	_ =	shalt  }
0x45: {  	_ =	shalt  }
0x46: {  	_ =	shalt  }
0x47: {  	_ =	shalt  }
0x48: {  	_ =	shalt  }
0x49: {  	_ =	shalt  }
0x4a: {  	_ =	shalt  }
0x4b: {  	_ =	shalt  }
0x4c: {  	_ =	shalt  }
0x4d: {  	_ =	shalt  }
0x4e: {  	_ =	shalt  }
0x4f: {  	_ =	shalt  }
0x50: {  	_ =	shalt  }
0x51: {  	_ =	shalt  }
0x52: {  	_ =	shalt  }
0x53: {  	_ =	shalt  }
0x54: {  	_ =	shalt  }
0x55: {  	_ =	shalt  }
0x56: {  	_ =	shalt  }
0x57: {  	_ =	shalt  }
0x58: {  	_ =	shalt  }
0x59: {  	_ =	shalt  }
0x5a: {  	_ =	shalt  }
0x5b: {  	_ =	shalt  }
0x5c: {  	_ =	shalt  }
0x5d: {  	_ =	shalt  }
0x5e: {  	_ =	shalt  }
0x5f: {  	_ =	shalt  }
0x60: {  	_ =	shalt  }
0x61: {  	_ =	shalt  }
0x62: {  	_ =	shalt  }
0x63: {  	_ =	shalt  }
0x64: {  	_ =	shalt  }
0x65: {  	_ =	shalt  }
0x66: {  	_ =	shalt  }
0x67: {  	_ =	shalt  }
0x68: {  	_ =	shalt  }
0x69: {  	_ =	shalt  }
0x6a: {  	_ =	shalt  }
0x6b: {  	_ =	shalt  }
0x6c: {  	_ =	shalt  }
0x6d: {  	_ =	shalt  }
0x6e: {  	_ =	shalt  }
0x6f: {  	_ =	shalt  }
0x70: {  	_ =	shalt  }
0x71: {  	_ =	shalt  }
0x72: {  	_ =	shalt  }
0x73: {  	_ =	shalt  }
0x74: {  	_ =	shalt  }
0x75: {  	_ =	shalt  }
0x76: {  	_ =	shalt  }
0x77: {  	_ =	shalt  }
0x78: {  	_ =	shalt  }
0x79: {  	_ =	shalt  }
0x7a: {  	_ =	shalt  }
0x7b: {  	_ =	shalt  }
0x7c: {  	_ =	shalt  }
0x7d: {  	_ =	shalt  }
0x7e: {  	_ =	shalt  }
0x7f: {  	_ =	shalt  }
0x80: {  	_ =	shalt  }
0x81: {  	_ =	shalt  }
0x82: {  	_ =	shalt  }
0x83: {  	_ =	shalt  }
0x84: {  	_ =	shalt  }
0x85: {  	_ =	shalt  }
0x86: {  	_ =	shalt  }
0x87: {  	_ =	shalt  }
.Lfunc_end0:
.L_simem_size_0:
called_computation_lowered:
.L_overlay_start_0:
0x88: {  	s2 =	sld [smem:$0x3FD9]  }
0x89: {  	s3 =	sld [smem:$0x3FFE];
	_ =	sdelay $0x1  }
0x8a: {  	s1 =	srdreg.scid  }
0x8b: {  	s0 =	sand.u32 $0x1, s1  }
0x8c: {  	s15 =	sshll.u32 s0, $0xA;
	s2 =	sadd.s32 s3, s2  }
0x8d: {  	s2 =	sadd.s32 s2, s15  }
0x8e: {  	[smem:$0x3FC0] =	sst s2  }
0x8f: {  	_ = 	snop  }
0x90: {  	s2 =	sld [smem:$0x3FC6]  }
0x91: {  	s6 =	sld [smem:$0x3FD0]  }
0x92: {  	s16 =	sld [smem:$0x3FC5]  }
0x93: {  	s4 =	sld [smem:$0x3FC4]  }
0x94: {  	s7 =	simm.s32 $0xB;
	s8 =	simm.s32 $0x10;
	s5 =	sld [smem:$0x3FC3]  }
0x95: {  	[smem:s8], [sflag:s7] =	dma.local [hbm:s6], $0x1  }
0x96: {  	_ =	swait.eq [sflag:s7], $0x1  }
0x97: {  	[sflag:s7] =	ssyncset.done $0x0  }
0x98: {  	[sflag:s7] =	ssyncadd.s32 $0xFFFFFFFF  }
0x99: {  	s17 =	sld [smem:$0x10];
	(tm) =	ssettm $0x1  }
0x9a: {  	s18 =	sld [smem:$0x3FFB];
	_ =	sdelay $0x3  }
0x9b: {  	_ =	strace s18  }
0x9c: {  	s6 =	sld [smem:$0x3FFC];
	_ =	sdelay $0x3  }
0x9d: {  	_ =	strace s6  }
0x9e: {  	s6 =	sld [smem:$0x3FFD];
	_ =	sdelay $0x3  }
0x9f: {  	_ =	strace s6  }
0xa0: {  	_ =	strace $0x8FFFFFFF  }
0xa1: {  	s19 =	sld [smem:$0x3FDB];
	_ =	sdelay $0x1  }
0xa2: {  	s20 =	simm.s32 $_scs_section_size  }
0xa3: {  	s9 =	simm.s32 $_size__tile_overlayer_lowered;
	s10 =	simm.s32 $_tile_overlayer_lowered  }
0xa4: {  	s11 =	simm.s32 $0x1BFF;
	s21 =	sshll.u32 s10, $0x1;
	s8 =	sadd.s32 s20, s19  }
0xa5: {  	s22 =	simm.s32 $0x0;
	s9 =	sshll.u32 s9, $0x1;
	s10 =	sadd.s32 s21, s8  }
0xa6: {  	[timem:s22], [sflag:s11] =	dma.local [hbm:s10], s9  }
0xa7: {  	_ =	swait.ge [sflag:s11], s9  }
0xa8: {  	s9 =	ssub.s32 $0x0, s9;
	[sflag:s11] =	ssyncset.done $0x0  }
0xa9: {  	[sflag:s11] =	ssyncadd.s32 s9;
	_ =	sdelay $0x1  }
0xaa: {  	s23 =	simm.s32 $0x1B8B  }
0xab: {  	_ =	swait.ge [sflag:s23], $0x1  }
0xac: {  	[sflag:s23] =	ssyncset.done $0x0  }
0xad: {  	[sflag:s23] =	ssyncadd.s32 $0xFFFFFFFF  }
0xae: {  	s9 =	sld [smem:$0x0]  }
0xaf: {  	s10 =	sand.u32 $0xFFFFFFFE, s1  }
0xb0: {  	p0 =	sne.s32 s1, s10  }
0xb1: {  	s10 =	sshll.u32 @p0 s10, $0xE  }
0xb2: {  	s10 =	sadd.s32 @p0 $0x11B8D, s10;
	s11 =	sshll.u32 @p0 s9, $0x11  }
0xb3: {  	s10 =	sor.u32 @p0 s11, s10  }
0xb4: {  	[sflag:s10] =	ssyncadd.remote.s32 @p0 $0x1;
	_ =	sdelay $0x1  }
0xb5: {  	s10 =	simm.s32 @p0 $0x1B8D  }
0xb6: {  	_ =	swait.eq @p0 [sflag:s10], $0x1  }
0xb7: {  	[sflag:s10] =	ssyncadd.s32 @p0 $0xFFFFFFFF  }
0xb8: {  	s11 =	sshll.u32 @!p0 s1, $0xE  }
0xb9: {  	s11 =	sor.u32 @!p0 $0x4000, s11;
	s10 =	simm.s32 @!p0 $0x1B8D  }
0xba: {  	s9 =	sshll.u32 @!p0 s9, $0x11;
	s11 =	sadd.s32 @!p0 $0x11B8D, s11;
	_ =	swait.eq @!p0 [sflag:s10], $0x1  }
0xbb: {  	s9 =	sor.u32 @!p0 s9, s11;
	[sflag:s10] =	ssyncadd.s32 @!p0 $0xFFFFFFFF  }
0xbc: {  	s25 =	simm.s32 $0x1B8E;
	s24 =	sld [smem:$0x3FFE];
	[sflag:s9] =	ssyncadd.remote.s32 @!p0 $0x1  }
0xbd: {  	s26 =	simm.s32 $execute0_lowered;
	[smem:$0x3FD2] =	sst s25  }
0xbe: {  	s10 =	sshll.u32 s26, $0x1;
	_ =	strace $0x80000049;
	[dreg:$0x1] =	wrdreg $0xFFFFFFFF  }
0xbf: {  	s28 =	simm.s32 $_size_execute0_lowered;
	s8 =	sadd.s32 s8, s10;
	[dreg:$0x0] =	wrdreg $0x0  }
0xc0: {  	s10 =	sshll.u32 s28, $0x1;
	[dreg:$0x2] =	wrdreg s8  }
0xc1: {  	[dreg:$0x3] =	wrdreg s10  }
0xc2: {  	[dreg:$0x4] =	wrdreg $0xC0  }
0xc3: {  	_ =	task [dreg:s22], $0x5FFFF  }
0xc4: {  	[dreg:$0x1] =	wrdreg $0xFFFFFFFF  }
0xc5: {  	[dreg:$0x0] =	wrdreg $0x60  }
0xc6: {  	[dreg:$0x2] =	wrdreg s24  }
0xc7: {  	[dreg:$0x3] =	wrdreg s2  }
0xc8: {  	[dreg:$0x4] =	wrdreg s16  }
0xc9: {  	[dreg:$0x5] =	wrdreg s4  }
0xca: {  	[dreg:$0x6] =	wrdreg s5  }
0xcb: {  	[dreg:$0x7] =	wrdreg s17  }
0xcc: {  	[dreg:$0x8] =	wrdreg $0x9  }
0xcd: {  	_ =	task.clear_ibuf [dreg:s22], $0x9FFFF;
	_ =	strace $0x90000049  }
0xce: {  	s29 =	simm.s32 $0x9;
	_ =	strace $0x8000004B  }
0xcf: {  	_ =	swait.ge [sflag:s29], $0x1  }
0xd0: {  	[sflag:s29] =	ssyncadd.s32 $0xFFFFFFFF  }
0xd1: {  	_ =	strace $0x9000004B  }
0xd2: {  	_ =	sfence  }
0xd3: {  	s30 =	sld [smem:$0x0];
	_ =	sdelay $0x2  }
0xd4: {  	s31 =	sshll.u32 s1, $0xD;
	s1 =	sshrl.u32 s1, $0x2  }
0xd5: {  	s3 =	sand.u32 $0x4000, s31;
	s1 =	sadd.s32 s1, s30  }
0xd6: {  	s0 =	sor.u32 s3, s0;
	s1 =	sshll.u32 s1, $0x11  }
0xd7: {  	s0 =	sor.u32 s1, s0  }
0xd8: {  	s0 =	sadd.s32 $0x8F2B, s0  }
0xd9: {  	[sflag:s0] =	ssyncadd.remote.s32 $0x1  }
0xda: {  	_ =	sfence.sel $0xFFFF  }
0xdb: {  	[dreg:$0x0] =	wrdreg $0xFFFFFFFF;
	(pc) =	sbr.abs _section_cstart, $3  }
0xdc: {  	[dreg:$0x1] =	wrdreg $0xFFFFFFFF  }
0xdd: {  	_ =	task.clear_ibuf [dreg:s22], $0x2FFFF;
	_ =	strace $0x9FFFFFFF  }
0xde: {  	(tm) =	ssettm $0x7FFFFFFF  }
0xdf: {  	_ =	shalt  }
tec
execute0_lowered:
.L_overlay_start_1:
0x0: {  	(tag) =	ssettag $0x1  }
0x1: {  	s0 =	rddreg [dreg:$0x0]  }
0x2: {  	s1 =	rddreg [dreg:$0x1]  }
0x3: {  	s6 =	rddreg [dreg:$0x5]  }
0x4: {  	s7 =	simm.s32 $0x0;
	s2 =	srdreg.scid;
	s3 =	stileid.u32  }
0x5: {  	s15 =	simm.s32 $0x5;
	s16 =	simm.s32 $0x80;
	s17 =	simm.s32 $0x100  }
0x6: {  	s19 =	simm.s32 $0x1C0;
	s20 =	simm.s32 $0x1AC0;
	s21 =	simm.s32 $0x1  }
0x7: {  	s22 =	simm.s32 $0x65C0;
	s23 =	simm.s32 $0x2;
	s24 =	simm.s32 $0x7240  }
0x8: {  	s25 =	simm.s32 $0x3;
	s26 =	simm.s32 $0x4;
	s28 =	simm.s32 $0x0  }
0x9: {  	[smem:$0x7FF] =	sst s7;
	s2 =	sand.u32 $0x1, s2;
	s3 =	sshll.u32 s3, $0x1  }
.Ltmp0:
0xa: {  	s8 =	sadd.s32 $0xB9C00, s0;
	s9 =	sor.u32 s2, s3;
	(pc) =	sbr.rel .LBB2_1-.Ltmp0, $4  }
0xb: {  	s10 =	sadd.s32 $0x2800, s0;
	s29 =	ssub.s32 $0x2, s2;
	s30 =	smul.u32 $0x190, s9  }
0xc: {  	s31 =	sshrl.u32 s29, $0x1;
	s4 =	ssub.s32 $0x270, s9;
	s5 =	smul.u32 $0x4B0, s9  }
0xd: {  	_ =	strace $0x8000004A;
	s0 =	ssub.s32 s29, s31;
	s11 =	sshrl.u32 s4, $0x5  }
0xe: {  	s12 =	sadd.s32 s1, s30;
	s13 =	sadd.s32 s8, s5;
	s14 =	smax.u32 s0, $0x1  }
.LBB2_9:
0xf: {  	s28 =	sadd.s32 $0x1, s28  }
0x10: {  	_ =	swait.ge [sflag:s25], $0xC80;
	p0 =	sne.s32 s28, s14  }
.Ltmp1:
0x11: {  	[sflag:s25] =	ssyncset.done $0x0;
	(pc) =	sbr.rel @!p0 .LBB2_10-.Ltmp1, $4  }
0x12: {  	[sflag:s25] =	ssyncadd.s32 $0xFFFFF380  }
0x13: {  	_ =	swait.ge [sflag:s26], $0xC80  }
0x14: {  	[sflag:s26] =	ssyncset.done $0x0  }
0x15: {  	[sflag:s26] =	ssyncadd.s32 $0xFFFFF380  }
.LBB2_1:
0x16: {  	s0 =	rddreg [dreg:$0x2]  }
0x17: {  	[tilespmem:s7], [sflag:$0x5] =	stream.linear.gather [hbm4b:s0+s7], $0x80, $0x38;
	[tilespmem:$0x7EC0] =	vst v63  }
0x18: {  	_ =	swait.ge [sflag:s15], $0x80  }
0x19: {  	[sflag:s15] =	ssyncset.done $0x0  }
0x1a: {  	[sflag:s15] =	ssyncadd.s32 $0xFFFFFF80  }
0x1b: {  	s18 =	rddreg [dreg:$0x3]  }
0x1c: {  	[tilespmem:s16], [sflag:$0x5] =	stream.linear.gather [hbm4b:s18+s7], $0x80, $0x38;
	[tilespmem:$0x7EC0] =	vst v63  }
0x1d: {  	_ =	swait.ge [sflag:s15], $0x80  }
0x1e: {  	[sflag:s15] =	ssyncset.done $0x0  }
0x1f: {  	[sflag:s15] =	ssyncadd.s32 $0xFFFFFF80  }
0x20: {  	s30 =	rddreg [dreg:$0x4]  }
0x21: {  	[tilespmem:s17], [sflag:$0x5] =	stream.linear.gather [hbm4b:s30+s7], $0x80, $0x38;
	[tilespmem:$0x7EC0] =	vst v63  }
0x22: {  	_ =	swait.ge [sflag:s15], $0x80  }
0x23: {  	[sflag:s15] =	ssyncset.done $0x0  }
0x24: {  	s31 =	simm.s32 $0x180;
	[sflag:s15] =	ssyncadd.s32 $0xFFFFFF80  }
0x25: {  	[tilespmem:s31], [sflag:$0x5] =	stream.linear.gather [hbm4b:s10+s7], $0x40, $0x38;
	[tilespmem:$0x7EC0] =	vst v63  }
0x26: {  	_ =	swait.ge [sflag:s15], $0x40  }
0x27: {  	[sflag:s15] =	ssyncset.done $0x0  }
0x28: {  	[sflag:s15] =	ssyncadd.s32 $0xFFFFFFC0  }
0x29: {  	v1 =	vld [tilespmem:$0x190]  }
.Ltmp2:
0x2a: {  	v2 =	vld [tilespmem:$0x1A0];
	(pc) =	sbr.rel .LBB2_2-.Ltmp2, $4  }
0x2b: {  	v0 =	vld [tilespmem:$0x180]  }
0x2c: {  	v3 =	vld [tilespmem:$0x1B0];
	[tilespmem:s19], [sflag:$0x1] =	stream.linear.gather [hbm4b:s12+s7], $0xC80, $0x38  }
0x2d: {  	s29 =	simm.s32 $0x0  }
0x2e: {  	[tilespmem:s20], [sflag:$0x1] =	stream.linear.gather [hbm4b:s13+s7], $0x2580, $0x38;
	[tilespmem:$0x7EC0] =	vst v63  }
.LBB2_8:
0x2f: {  	s29 =	sadd.s32 $0x1, s29  }
0x30: {  	p0 =	sne.s32 s29, $0xA  }
.Ltmp3:
0x31: {  	_ = 	snop;
	(pc) =	sbr.rel @!p0 .LBB2_9-.Ltmp3, $1  }
0x32: {  	_ =	sdelay $0x3  }
.LBB2_2:
0x33: {  	s31 =	sshll.u32 s29, $0x1  }
0x34: {  	s30 =	sshllo.u32 s29, $0x1;
	p0 =	sge.u32 s31, s11  }
0x35: {  	s0 =	sshll.u32 @!p0 s30, $0x5  }
0x36: {  	s0 =	sor.u32 @!p0 s9, s0  }
0x37: {  	s2 =	smul.u32 @!p0 $0x190, s0  }
0x38: {  	s3 =	simm.s32 @!p0 $0x0  }
0x39: {  	s4 =	simm.s32 @!p0 $0xE40;
	s0 =	smul.u32 @!p0 $0x4B0, s0;
	s2 =	sadd.s32 @!p0 s1, s2  }
0x3a: {  	[tilespmem:s4], [sflag:$0x2] =	stream.linear.gather @!p0 [hbm4b:s2+s3], $0xC80, $0x38;
	[tilespmem:$0x7EC0] =	vst v63  }
0x3b: {  	s0 =	sadd.s32 @!p0 s8, s0;
	s2 =	simm.s32 @!p0 $0x4040  }
0x3c: {  	[tilespmem:s2], [sflag:$0x2] =	stream.linear.gather @!p0 [hbm4b:s0+s3], $0x2580, $0x38;
	[tilespmem:$0x7EC0] =	vst v63  }
0x3d: {  	_ =	swait.ge [sflag:s21], $0xC80  }
0x3e: {  	[sflag:s21] =	ssyncset.done $0x0  }
0x3f: {  	[sflag:s21] =	ssyncadd.s32 $0xFFFFF380  }
0x40: {  	_ =	swait.ge [sflag:s21], $0x2580  }
0x41: {  	p1 =	seq.s32 s29, $0x0;
	[sflag:s21] =	ssyncset.done $0x0  }
0x42: {  	s0 =	simm.s32 @!p1 $0x3;
	[sflag:s21] =	ssyncadd.s32 $0xFFFFDA80  }
0x43: {  	_ =	swait.ge @!p1 [sflag:s0], $0xC80  }
0x44: {  	[sflag:s0] =	ssyncset.done @!p1 $0x0  }
0x45: {  	[sflag:s0] =	ssyncadd.s32 @!p1 $0xFFFFF380;
	s0 =	simm.s32 $0x1B80  }
0x46: {  	v4 =	vld [tilespmem:s0+$0xFFFFFFA0]  }
0x47: {  	v18 =	vld [tilespmem:s0+$0xFFFFFFE0]  }
0x48: {  	v20 =	vld [tilespmem:s0+$0x50]  }
0x49: {  	v25 =	vld [tilespmem:s0+$0x20]  }
0x4a: {  	v27 =	vld [tilespmem:s0+$0x10]  }
0x4b: {  	v28 =	vld [tilespmem:s0+$0x70]  }
0x4c: {  	v29 =	vld [tilespmem:s0+$0xFFFFFFD0]  }
0x4d: {  	v9 =	vld [tilespmem:s0+$0xA0]  }
0x4e: {  	v19 =	vld [tilespmem:s0+$0xFFFFFF50]  }
0x4f: {  	v30 =	vld [tilespmem:s0+$0xFFFFFF80]  }
0x50: {  	v31 =	vld [tilespmem:s0+$0xFFFFFFF0]  }
0x51: {  	s5 =	simm.s32 $0x200;
	v32 =	vld [tilespmem:s0+$0x80]  }
0x52: {  	v5 =	vld [tilespmem:s5+$0xFFFFFFC0]  }
0x53: {  	v6 =	vld [tilespmem:s5+$0x30]  }
0x54: {  	v15 =	vld [tilespmem:s5+$0x20]  }
0x55: {  	v14 =	vld [tilespmem:s5+$0x10]  }
0x56: {  	v13 =	vld [tilespmem:s5+$0x0]  }
0x57: {  	v21 =	vld [tilespmem:s5+$0xFFFFFFF0]  }
0x58: {  	v34 =	vld [tilespmem:s5+$0xFFFFFFE0]  }
0x59: {  	v17 =	vld [tilespmem:s5+$0xFFFFFFD0]  }
0x5a: {  	v33 =	vld [tilespmem:s0+$0xFFFFFF60];
	v7 =	vshrl.u32 v5, $0x7;
	v16 =	vshrl.u32 v5, $0xE;
	v5 =	vand.u32 $0x7F, v5  }
0x5b: {  	v49 =	vld [tilespmem:s0+$0xFFFFFF70];
	v26 =	vshrl.u32 v6, $0x7;
	v36 =	vshrl.u32 v15, $0x7;
	v37 =	vshrl.u32 v14, $0x7  }
0x5c: {  	v23 =	vld [tilespmem:s0+$0xFFFFFF40];
	v38 =	vshrl.u32 v14, $0xE;
	v39 =	vshrl.u32 v13, $0x7;
	v40 =	vshrl.u32 v13, $0xE  }
0x5d: {  	v55 =	vld [tilespmem:s0+$0x30];
	v42 =	vshrl.u32 v21, $0x7;
	v43 =	vshrl.u32 v21, $0xE;
	v22 =	vshrl.u32 v34, $0x7  }
0x5e: {  	v24 =	vld [tilespmem:s0+$0xFFFFFF90];
	v44 =	vshrl.u32 v34, $0xE;
	v45 =	vshrl.u32 v17, $0xE;
	v53 =	vcvt.s32.f32 v43  }
0x5f: {  	v10 =	vld [tilespmem:s0+$0xFFFFFFC0];
	v48 =	vand.u32 $0x7F, v17;
	v17 =	vshrl.u32 v17, $0x7;
	v50 =	vand.u32 $0x7F, v13  }
0x60: {  	v56 =	vand.u32 $0x7F, v14;
	v14 =	vadd.f32 v53, v49;
	v49 =	vand.u32 $0x7F, v39;
	v39 =	vld [tilespmem:s0+$0x90]  }
0x61: {  	v35 =	vand.u32 $0x7F, v7;
	v7 =	vshrl.u32 v15, $0xE;
	v12 =	vcvt.s32.f32 v5;
	v41 =	vld.idx.msk [tilespmem:v16+s7+$0x0], $0xffff  }
0x62: {  	v46 =	vand.u32 $0x7F, v22;
	v47 =	vcvt.s32.f32 v16;
	v51 =	vcvt.s32.f32 v38;
	v16 =	vld [tilespmem:s0+$0xFFFFFFB0]  }
0x63: {  	v52 =	vand.u32 $0x7F, v17;
	v17 =	vand.u32 $0x7F, v6;
	v42 =	vand.u32 $0x7F, v42;
	v22 =	vld.idx.msk [tilespmem:v40+s7+$0x0], $0xffff  }
0x64: {  	v62 =	vcvt.s32.f32 v44;
	v26 =	vand.u32 $0x7F, v26;
	v36 =	vand.u32 $0x7F, v36;
	v54 =	vld.idx.msk [tilespmem:v43+s7+$0x0], $0xffff  }
0x65: {  	v58 =	vand.u32 $0x7F, v37;
	v59 =	vcvt.s32.f32 v45;
	v63 =	vcvt.s32.f32 v50;
	v38 =	vld.idx.msk [tilespmem:v38+s7+$0x0], $0xffff  }
0x66: {  	v15 =	vand.u32 $0x7F, v15;
	v11 =	vcvt.s32.f32 v7;
	v57 =	vcvt.s32.f32 v52;
	v44 =	vld.idx.msk [tilespmem:v44+s7+$0x0], $0xffff  }
0x67: {  	v60 =	vcvt.s32.f32 v36;
	v13 =	vadd.f32 v47, v23;
	v47 =	vand.u32 $0x7F, v21;
	v45 =	vld.idx.msk [tilespmem:v45+s7+$0x0], $0xffff  }
0x68: {  	v24 =	vadd.f32 v51, v24;
	v51 =	vcvt.s32.f32 v42;
	v21 =	vcvt.s32.f32 v35;
	v8 =	vld.idx.msk [tilespmem:v35+s16+$0x0], $0xffff  }
0x69: {  	v37 =	vadd.f32 v62, v33;
	v62 =	vand.u32 $0x7F, v34;
	v43 =	vcvt.s32.f32 v58;
	v53 =	vld.idx.msk [tilespmem:v42+s16+$0x0], $0xffff  }
0x6a: {  	v59 =	vadd.f32 v59, v19;
	v35 =	vadd.f32 v63, v32;
	v42 =	vcvt.s32.f32 v56;
	v56 =	vld.idx.msk [tilespmem:v56+s17+$0x0], $0xffff  }
0x6b: {  	v32 =	vadd.f32 v51, v31;
	v31 =	vcvt.s32.f32 v40;
	v27 =	vadd.f32 v43, v27;
	v43 =	vld.idx.msk [tilespmem:v58+s16+$0x0], $0xffff  }
0x6c: {  	v33 =	vcvt.s32.f32 v47;
	v51 =	vcvt.s32.f32 v15;
	v19 =	vadd.f32 v42, v39;
	v39 =	vld.idx.msk [tilespmem:v52+s16+$0x0], $0xffff  }
0x6d: {  	v34 =	vadd.f32 v31, v30;
	v52 =	vcvt.s32.f32 v48;
	v23 =	vmul.f32 v13, v41;
	v41 =	vld.idx.msk [tilespmem:v50+s17+$0x0], $0xffff  }
0x6e: {  	v61 =	vld.idx.msk [tilespmem:v47+s17+$0x0], $0xffff;
	v31 =	vadd.f32 v57, v29;
	v57 =	vcvt.s32.f32 v26;
	v47 =	vcvt.s32.f32 v49  }
0x6f: {  	v9 =	vadd.f32 v51, v9;
	v51 =	vld.idx.msk [tilespmem:v48+s17+$0x0], $0xffff;
	v48 =	vcvt.s32.f32 v62;
	v40 =	vmul.f32 v37, v44  }
0x70: {  	v30 =	vadd.f32 v60, v25;
	v50 =	vld.idx.msk [tilespmem:v46+s16+$0x0], $0xffff;
	v46 =	vcvt.s32.f32 v46;
	v45 =	vmul.f32 v59, v45  }
0x71: {  	v44 =	vld.idx.msk [tilespmem:v36+s16+$0x0], $0xffff;
	v36 =	vadd.f32 v52, v20;
	v25 =	vmul.f32 v14, v54;
	v53 =	vmul.f32 v32, v53  }
0x72: {  	v42 =	vld [tilespmem:s0+$0x0];
	v60 =	vadd.f32 v45, v0;
	v63 =	vmul.f32 v35, v41;
	v41 =	vadd.f32 v40, v0  }
0x73: {  	v52 =	vmul.f32 v19, v56;
	v40 =	vadd.f32 v33, v28;
	v33 =	vadd.f32 v46, v18;
	v18 =	vld.idx.msk [tilespmem:v49+s16+$0x0], $0xffff  }
0x74: {  	v20 =	vadd.f32 v53, v1;
	v51 =	vmul.f32 v36, v51;
	v28 =	vmul.f32 v24, v38;
	v49 =	vld [tilespmem:s0+$0x60]  }
0x75: {  	s18 =	simm.s32 $0x1D00;
	v38 =	vmul.f32 v60, v59;
	v46 =	vadd.f32 v63, v2;
	v53 =	vmul.f32 v33, v50;
	v50 =	vld [tilespmem:s0+$0x40]  }
0x76: {  	s4 =	simm.s32 $0x0;
	s3 =	simm.s32 $0x6600;
	s2 =	simm.s32 $0x6600;
	v29 =	vld.idx.msk [tilespmem:v62+s17+$0x0], $0xffff;
	v45 =	vadd.f32 v28, v0;
	v54 =	vmul.f32 v40, v61;
	v28 =	vadd.f32 v57, v55  }
.LBB2_3:
0x77: {  	v55 =	vld [tilespmem:s18+$0xFFFFFFA0];
	s4 =	sadd.s32 $0x8, s4;
	v51 =	vadd.f32 v51, v2;
	v37 =	vmul.f32 v41, v37;
	v41 =	vadd.f32 v53, v1;
	s3 =	sadd.s32 $0x80, s3;
	s5 =	sadd.s32 $0x80, s5  }
0x78: {  	v42 =	vadd.f32 v47, v42;
	v44 =	vmul.f32 v30, v44;
	p2 =	slt.u32 s4, $0xC0;
	v53 =	vadd.f32 v54, v2  }
0x79: {  	v39 =	vmul.f32 v31, v39;
	v47 =	vadd.f32 v48, v49;
	v48 =	vadd.f32 v52, v2  }
0x7a: {  	v22 =	vmul.f32 v34, v22;
	v12 =	vadd.f32 v12, v50;
	v40 =	vmul.f32 v53, v40;
	v49 =	vld [tilespmem:s0+$0xB0];
	s0 =	smov.u32 s18  }
0x7b: {  	v35 =	vmul.f32 v46, v35;
	v43 =	vmul.f32 v27, v43;
	v6 =	vshrl.u32 v6, $0xE;
	v26 =	vld.idx.msk [tilespmem:v26+s16+$0x0], $0xffff  }
0x7c: {  	v24 =	vmul.f32 v45, v24;
	v11 =	vadd.f32 v11, v4;
	v46 =	vcvt.s32.f32 v6;
	v45 =	vld.idx.msk [tilespmem:v17+s17+$0x0], $0xffff;
	v4 =	vmovc v55  }
0x7d: {  	v39 =	vadd.f32 v39, v1;
	v22 =	vadd.f32 v22, v0;
	v50 =	vmul.f32 v42, v18;
	v7 =	vld.idx.msk [tilespmem:v7+s7+$0x0], $0xffff  }
0x7e: {  	v23 =	vadd.f32 v23, v0;
	v16 =	vadd.f32 v46, v16;
	v17 =	vcvt.s32.f32 v17;
	v5 =	vld.idx.msk [tilespmem:v5+s17+$0x0], $0xffff  }
0x7f: {  	v32 =	vmul.f32 v20, v32;
	v22 =	vmul.f32 v22, v34;
	v34 =	vadd.f32 v43, v1;
	v18 =	vld [tilespmem:s18+$0xFFFFFFE0]  }
0x80: {  	v13 =	vmul.f32 v23, v13;
	v23 =	vadd.f32 v25, v0;
	v17 =	vadd.f32 v17, v49;
	v20 =	vld [tilespmem:s18+$0x50]  }
0x81: {  	v10 =	vadd.f32 v21, v10;
	v21 =	vmul.f32 v39, v31;
	v31 =	vmul.f32 v34, v27;
	v6 =	vld.idx.msk [tilespmem:v6+s7+$0x0], $0xffff  }
0x82: {  	v34 =	vmul.f32 v51, v36;
	v36 =	vadd.f32 v50, v1;
	v26 =	vmul.f32 v28, v26;
	v25 =	vld [tilespmem:s18+$0x20]  }
0x83: {  	v8 =	vmul.f32 v10, v8;
	v39 =	vmul.f32 v47, v29;
	v24 =	vadd.f32 v31, v24;
	v27 =	vld [tilespmem:s18+$0x10]  }
0x84: {  	v21 =	vadd.f32 v21, v38;
	v36 =	vmul.f32 v36, v42;
	v38 =	vmul.f32 v17, v45;
	v29 =	vld [tilespmem:s18+$0x70]  }
0x85: {  	v14 =	vmul.f32 v23, v14;
	v23 =	vadd.f32 v44, v1;
	v26 =	vadd.f32 v26, v1;
	v15 =	vld.idx.msk [tilespmem:v15+s17+$0x0], $0xffff  }
0x86: {  	v8 =	vadd.f32 v8, v1;
	v21 =	vadd.f32 v34, v21;
	v34 =	vmul.f32 v41, v33;
	v31 =	vld [tilespmem:s18+$0xFFFFFFD0]  }
0x87: {  	v14 =	vadd.f32 v32, v14;
	v23 =	vmul.f32 v23, v30;
	v6 =	vmul.f32 v16, v6;
	v33 =	vld [tilespmem:s18+$0xA0]  }
0x88: {  	v39 =	vadd.f32 v39, v2;
	v41 =	vmul.f32 v48, v19;
	v38 =	vadd.f32 v38, v2;
	v30 =	vld [tilespmem:s18+$0xFFFFFF50]  }
0x89: {  	v37 =	vadd.f32 v34, v37;
	v7 =	vmul.f32 v11, v7;
	v6 =	vadd.f32 v6, v0;
	v19 =	vld [tilespmem:s18+$0xFFFFFF80]  }
0x8a: {  	v8 =	vmul.f32 v8, v10;
	v10 =	vadd.f32 v21, v3;
	v21 =	vadd.f32 v36, v22;
	v32 =	vld [tilespmem:s18+$0xFFFFFFF0]  }
0x8b: {  	v14 =	vadd.f32 v40, v14;
	v5 =	vmul.f32 v12, v5;
	v16 =	vmul.f32 v6, v16;
	v34 =	vld [tilespmem:s18+$0x80]  }
0x8c: {  	v8 =	vadd.f32 v8, v13;
	v13 =	vmul.f32 v39, v47;
	v17 =	vmul.f32 v38, v17;
	v36 =	vld [tilespmem:s18+$0xFFFFFF60]  }
0x8d: {  	v22 =	vadd.f32 v41, v24;
	v21 =	vadd.f32 v35, v21;
	v15 =	vmul.f32 v9, v15;
	v38 =	vld [tilespmem:s18+$0xFFFFFF40]  }
0x8e: {  	v7 =	vadd.f32 v7, v0;
	v5 =	vadd.f32 v5, v2;
	v24 =	vld [tilespmem:s5+$0xFFFFFFC0];
	[tilespmem:s2+$0xFFFFFFD0] =	vst v10;
	v10 =	vmul.f32 v26, v28  }
0x8f: {  	v22 =	vadd.f32 v22, v3;
	v15 =	vadd.f32 v15, v2;
	v6 =	vld [tilespmem:s5+$0x30]  }
0x90: {  	v5 =	vmul.f32 v5, v12;
	v12 =	vadd.f32 v13, v37;
	v35 =	vld [tilespmem:s5+$0x20];
	v10 =	vadd.f32 v10, v16  }
0x91: {  	v11 =	vmul.f32 v7, v11;
	v13 =	vadd.f32 v14, v3;
	v14 =	vadd.f32 v21, v3;
	v37 =	vld [tilespmem:s5+$0x10];
	[tilespmem:s2+$0x10] =	vst v22  }
0x92: {  	v12 =	vadd.f32 v12, v3;
	v9 =	vmul.f32 v15, v9;
	v16 =	vld [tilespmem:s5+$0x0];
	v10 =	vadd.f32 v17, v10  }
0x93: {  	v8 =	vadd.f32 v5, v8;
	v7 =	vshrl.u32 v24, $0x7;
	v15 =	vshrl.u32 v24, $0xE;
	v21 =	vld [tilespmem:s5+$0xFFFFFFF0];
	[tilespmem:s2+$0x0] =	vst v14  }
0x94: {  	v5 =	vand.u32 $0x7F, v24;
	v39 =	vand.u32 $0x7F, v7;
	v40 =	vld [tilespmem:s5+$0xFFFFFFE0];
	v14 =	vshrl.u32 v6, $0x7;
	[tilespmem:s2+$0xFFFFFFF0] =	vst v13  }
0x95: {  	v17 =	vadd.f32 v23, v11;
	v13 =	vld [tilespmem:s5+$0xFFFFFFD0];
	v41 =	vshrl.u32 v35, $0x7;
	v7 =	vshrl.u32 v35, $0xE;
	[tilespmem:s2+$0xFFFFFFE0] =	vst v12  }
0x96: {  	v10 =	vadd.f32 v10, v3;
	v42 =	vshrl.u32 v37, $0x7;
	v23 =	vshrl.u32 v37, $0xE;
	v28 =	vld [tilespmem:s18+$0x30]  }
0x97: {  	v22 =	vadd.f32 v8, v3;
	v43 =	vshrl.u32 v16, $0x7;
	v44 =	vshrl.u32 v16, $0xE;
	v24 =	vld [tilespmem:s18+$0xFFFFFF90]  }
0x98: {  	v12 =	vcvt.s32.f32 v5;
	v45 =	vld.idx.msk [tilespmem:v15+s7+$0x0], $0xffff;
	v26 =	vshrl.u32 v21, $0x7;
	v46 =	vshrl.u32 v21, $0xE;
	[tilespmem:s2+$0x30] =	vst v10  }
0x99: {  	v11 =	vcvt.s32.f32 v7;
	v8 =	vld.idx.msk [tilespmem:v39+s16+$0x0], $0xffff;
	v47 =	vshrl.u32 v40, $0x7;
	v48 =	vshrl.u32 v40, $0xE;
	[tilespmem:s2+$0xFFFFFFC0] =	vst v22  }
0x9a: {  	v9 =	vadd.f32 v9, v17;
	v10 =	vld [tilespmem:s18+$0xFFFFFFC0];
	v49 =	vshrl.u32 v13, $0xE;
	v47 =	vand.u32 $0x7F, v47  }
0x9b: {  	v15 =	vcvt.s32.f32 v15;
	v50 =	vand.u32 $0x7F, v13;
	v13 =	vshrl.u32 v13, $0x7;
	v51 =	vld [tilespmem:s18+$0xFFFFFF70]  }
0x9c: {  	v9 =	vadd.f32 v9, v3;
	v52 =	vand.u32 $0x7F, v16;
	v53 =	vcvt.s32.f32 v23;
	v16 =	vld [tilespmem:s18+$0xFFFFFFB0]  }
0x9d: {  	v17 =	vand.u32 $0x7F, v6;
	v55 =	vcvt.s32.f32 v46;
	v54 =	vand.u32 $0x7F, v13;
	v22 =	vld.idx.msk [tilespmem:v44+s7+$0x0], $0xffff  }
0x9e: {  	v56 =	vand.u32 $0x7F, v26;
	v13 =	vadd.f32 v15, v38;
	v38 =	vand.u32 $0x7F, v21;
	v46 =	vld.idx.msk [tilespmem:v46+s7+$0x0], $0xffff;
	[tilespmem:s2+$0x20] =	vst v9;
	s2 =	smov.u32 s3  }
0x9f: {  	v26 =	vand.u32 $0x7F, v14;
	v24 =	vadd.f32 v53, v24;
	v9 =	vcvt.s32.f32 v48;
	v57 =	vld.idx.msk [tilespmem:v23+s7+$0x0], $0xffff  }
0xa0: {  	v58 =	vand.u32 $0x7F, v37;
	v59 =	vand.u32 $0x7F, v41;
	v53 =	vcvt.s32.f32 v56;
	v48 =	vld.idx.msk [tilespmem:v48+s7+$0x0], $0xffff  }
0xa1: {  	v60 =	vand.u32 $0x7F, v42;
	v23 =	vmul.f32 v13, v45;
	v45 =	vcvt.s32.f32 v54;
	v41 =	vld.idx.msk [tilespmem:v52+s17+$0x0], $0xffff  }
0xa2: {  	v42 =	vcvt.s32.f32 v49;
	v14 =	vadd.f32 v55, v51;
	v51 =	vand.u32 $0x7F, v43;
	v61 =	vld.idx.msk [tilespmem:v47+s16+$0x0], $0xffff  }
0xa3: {  	v21 =	vcvt.s32.f32 v39;
	v39 =	vcvt.s32.f32 v52;
	v15 =	vand.u32 $0x7F, v35;
	v43 =	vld [tilespmem:s18+$0x90]  }
0xa4: {  	v37 =	vadd.f32 v9, v36;
	v55 =	vcvt.s32.f32 v60;
	v52 =	vcvt.s32.f32 v38;
	v36 =	vld.idx.msk [tilespmem:v56+s16+$0x0], $0xffff  }
0xa5: {  	v35 =	vadd.f32 v39, v34;
	v9 =	vcvt.s32.f32 v58;
	v56 =	vld.idx.msk [tilespmem:v38+s17+$0x0], $0xffff;
	v38 =	vcvt.s32.f32 v59  }
0xa6: {  	v62 =	vand.u32 $0x7F, v40;
	v34 =	vcvt.s32.f32 v44;
	v32 =	vadd.f32 v53, v32;
	v49 =	vld.idx.msk [tilespmem:v49+s7+$0x0], $0xffff  }
0xa7: {  	v40 =	vcvt.s32.f32 v15;
	v53 =	vadd.f32 v42, v30;
	v30 =	vmul.f32 v37, v48;
	v58 =	vld.idx.msk [tilespmem:v58+s17+$0x0], $0xffff  }
0xa8: {  	v34 =	vadd.f32 v34, v19;
	v39 =	vld.idx.msk [tilespmem:v54+s16+$0x0], $0xffff;
	v54 =	vmul.f32 v35, v41;
	v19 =	vadd.f32 v9, v43  }
0xa9: {  	v63 =	vcvt.s32.f32 v47;
	v41 =	vadd.f32 v30, v0;
	v9 =	vadd.f32 v40, v33;
	v48 =	vld.idx.msk [tilespmem:v50+s17+$0x0], $0xffff  }
0xaa: {  	v31 =	vadd.f32 v45, v31;
	v45 =	vmul.f32 v24, v57;
	v40 =	vadd.f32 v52, v29;
	v42 =	vld [tilespmem:s18+$0x0]  }
0xab: {  	v27 =	vadd.f32 v55, v27;
	v33 =	vcvt.s32.f32 v50;
	v43 =	vmul.f32 v32, v36;
	v29 =	vld.idx.msk [tilespmem:v62+s17+$0x0], $0xffff  }
0xac: {  	v55 =	vcvt.s32.f32 v26;
	v30 =	vadd.f32 v38, v25;
	v49 =	vmul.f32 v53, v49;
	v44 =	vld.idx.msk [tilespmem:v59+s16+$0x0], $0xffff  }
.Ltmp4:
0xad: {  	v47 =	vcvt.s32.f32 v51;
	v36 =	vadd.f32 v33, v20;
	v20 =	vadd.f32 v43, v1;
	v43 =	vld.idx.msk [tilespmem:v60+s16+$0x0], $0xffff;
	(pc) =	sbr.rel @p2 .LBB2_3-.Ltmp4, $4  }
0xae: {  	v25 =	vmul.f32 v14, v46;
	v33 =	vadd.f32 v63, v18;
	v38 =	vadd.f32 v49, v0;
	v18 =	vld.idx.msk [tilespmem:v51+s16+$0x0], $0xffff  }
0xaf: {  	v46 =	vadd.f32 v54, v2;
	v51 =	vmul.f32 v36, v48;
	v48 =	vcvt.s32.f32 v62;
	v49 =	vld [tilespmem:s18+$0x60]  }
0xb0: {  	v45 =	vadd.f32 v45, v0;
	v38 =	vmul.f32 v38, v53;
	v53 =	vmul.f32 v33, v61;
	v50 =	vld [tilespmem:s18+$0x40]  }
0xb1: {  	v28 =	vadd.f32 v55, v28;
	v54 =	vmul.f32 v40, v56;
	v52 =	vmul.f32 v19, v58;
	s18 =	sadd.s32 $0x180, s18  }
0xb2: {  	v51 =	vadd.f32 v51, v2;
	v53 =	vadd.f32 v53, v1;
	v37 =	vmul.f32 v41, v37  }
0xb3: {  	v42 =	vadd.f32 v47, v42;
	v44 =	vmul.f32 v30, v44;
	v39 =	vmul.f32 v31, v39  }
0xb4: {  	v22 =	vmul.f32 v34, v22;
	v35 =	vmul.f32 v46, v35;
	v6 =	vshrl.u32 v6, $0xE  }
0xb5: {  	v59 =	vmul.f32 v27, v43;
	v4 =	vadd.f32 v11, v4;
	v24 =	vmul.f32 v45, v24  }
0xb6: {  	v23 =	vadd.f32 v23, v0;
	v62 =	vcvt.s32.f32 v17;
	v10 =	vadd.f32 v21, v10  }
0xb7: {  	v20 =	vmul.f32 v20, v32;
	v56 =	vadd.f32 v54, v2;
	v58 =	vadd.f32 v52, v2  }
0xb8: {  	v26 =	vld.idx.msk [tilespmem:v26+s16+$0x0], $0xffff;
	v60 =	vcvt.s32.f32 v6;
	v57 =	vadd.f32 v48, v49;
	v39 =	vadd.f32 v39, v1  }
0xb9: {  	v61 =	vld [tilespmem:s0+$0xB0];
	v22 =	vadd.f32 v22, v0;
	v18 =	vmul.f32 v42, v18;
	v13 =	vmul.f32 v23, v13  }
0xba: {  	v7 =	vld.idx.msk [tilespmem:v7+s7+$0x0], $0xffff;
	v63 =	vadd.f32 v59, v1;
	v49 =	vmul.f32 v51, v36;
	v8 =	vmul.f32 v10, v8  }
0xbb: {  	v5 =	vld.idx.msk [tilespmem:v5+s17+$0x0], $0xffff;
	v52 =	vmul.f32 v53, v33;
	v12 =	vadd.f32 v12, v50;
	v40 =	vmul.f32 v56, v40  }
0xbc: {  	v15 =	vld.idx.msk [tilespmem:v15+s17+$0x0], $0xffff;
	v11 =	vadd.f32 v60, v16;
	v50 =	vadd.f32 v44, v1;
	v19 =	vmul.f32 v58, v19  }
0xbd: {  	v22 =	vmul.f32 v22, v34;
	v34 =	vadd.f32 v25, v0;
	v45 =	vmul.f32 v39, v31  }
0xbe: {  	v46 =	vmul.f32 v63, v27;
	v18 =	vadd.f32 v18, v1;
	v29 =	vmul.f32 v57, v29  }
0xbf: {  	v8 =	vadd.f32 v8, v1;
	v26 =	vmul.f32 v28, v26;
	v53 =	vmul.f32 v50, v30  }
0xc0: {  	v41 =	vld.idx.msk [tilespmem:v17+s17+$0x0], $0xffff;
	v16 =	vadd.f32 v62, v61;
	v7 =	vmul.f32 v4, v7;
	v5 =	vmul.f32 v12, v5  }
0xc1: {  	v15 =	vmul.f32 v9, v15;
	v24 =	vadd.f32 v46, v24;
	v21 =	vadd.f32 v45, v38  }
0xc2: {  	v6 =	vld.idx.msk [tilespmem:v6+s7+$0x0], $0xffff;
	v18 =	vmul.f32 v18, v42;
	v54 =	vadd.f32 v29, v2;
	v51 =	vadd.f32 v26, v1  }
0xc3: {  	v14 =	vmul.f32 v34, v14;
	v26 =	vadd.f32 v52, v37;
	v5 =	vadd.f32 v5, v2  }
0xc4: {  	v8 =	vmul.f32 v8, v10;
	v7 =	vadd.f32 v7, v0;
	v15 =	vadd.f32 v15, v2  }
0xc5: {  	v17 =	vmul.f32 v16, v41;
	v21 =	vadd.f32 v49, v21;
	v14 =	vadd.f32 v20, v14  }
0xc6: {  	v18 =	vadd.f32 v18, v22;
	v8 =	vadd.f32 v8, v13;
	v56 =	vmul.f32 v54, v57  }
0xc7: {  	v58 =	vadd.f32 v19, v24;
	v17 =	vadd.f32 v17, v2;
	v6 =	vmul.f32 v11, v6  }
0xc8: {  	v59 =	vmul.f32 v51, v28;
	v4 =	vmul.f32 v7, v4;
	v55 =	vadd.f32 v21, v3  }
0xc9: {  	v5 =	vmul.f32 v5, v12;
	v14 =	vadd.f32 v40, v14;
	v6 =	vadd.f32 v6, v0  }
0xca: {  	v63 =	vmul.f32 v15, v9;
	v57 =	vadd.f32 v35, v18;
	v60 =	vadd.f32 v58, v3  }
0xcb: {  	v4 =	vadd.f32 v53, v4;
	v5 =	vadd.f32 v5, v8;
	v6 =	vmul.f32 v6, v11  }
0xcc: {  	[tilespmem:s2+$0xFFFFFFD0] =	vst v55;
	v61 =	vadd.f32 v14, v3;
	v62 =	vadd.f32 v57, v3  }
0xcd: {  	v16 =	vmul.f32 v17, v16;
	[tilespmem:s2+$0x10] =	vst v60;
	v4 =	vadd.f32 v63, v4;
	v6 =	vadd.f32 v59, v6  }
0xce: {  	v5 =	vadd.f32 v5, v3;
	v11 =	vadd.f32 v56, v26;
	[tilespmem:s2+$0x0] =	vst v62  }
0xcf: {  	s18 =	sshll.u32 s29, $0x6;
	s3 =	sadd.s32 $0x2, s31;
	[tilespmem:s2+$0xFFFFFFF0] =	vst v61;
	v4 =	vadd.f32 v4, v3;
	v6 =	vadd.f32 v16, v6  }
0xd0: {  	s0 =	sor.u32 s9, s18;
	p2 =	sgt.u32 s3, s11;
	[tilespmem:s2+$0xFFFFFFC0] =	vst v5;
	v11 =	vadd.f32 v11, v3  }
0xd1: {  	s0 =	smul.u32 $0x190, s0;
	s3 =	sshll.u32 @!p2 s3, $0x5;
	[tilespmem:s2+$0x20] =	vst v4;
	v6 =	vadd.f32 v6, v3  }
0xd2: {  	s3 =	sor.u32 @!p2 s9, s3;
	[tilespmem:s2+$0xFFFFFFE0] =	vst v11  }
0xd3: {  	s0 =	sadd.s32 s6, s0;
	[tilespmem:s2+$0x30] =	vst v6;
	s2 =	smul.u32 @!p2 $0x190, s3  }
0xd4: {  	[hbm4b:s0+s7] =	stream.linear.scatter [tilespmem:s22], [sflag:$0x3], $0xC80, $0x38;
	[tilespmem:$0x7EC0] =	vst v63  }
.Ltmp5:
0xd5: {  	s4 =	simm.s32 @!p2 $0x1C0;
	(pc) =	sbr.rel @p0 .LBB2_8-.Ltmp5, $4  }
0xd6: {  	s3 =	smul.u32 @!p2 $0x4B0, s3;
	s0 =	sadd.s32 @!p2 s1, s2;
	s2 =	simm.s32 @!p2 $0x0  }
0xd7: {  	[tilespmem:s4], [sflag:$0x1] =	stream.linear.gather @!p2 [hbm4b:s0+s2], $0xC80, $0x38;
	[tilespmem:$0x7EC0] =	vst v63  }
0xd8: {  	s0 =	sadd.s32 @!p2 s8, s3;
	s3 =	simm.s32 @!p2 $0x1AC0  }
0xd9: {  	[tilespmem:s3], [sflag:$0x1] =	stream.linear.gather @!p2 [hbm4b:s0+s2], $0x2580, $0x38;
	[tilespmem:$0x7EC0] =	vst v63  }
0xda: {  	_ =	swait.ge [sflag:s23], $0xC80  }
0xdb: {  	[sflag:s23] =	ssyncset.done $0x0  }
0xdc: {  	[sflag:s23] =	ssyncadd.s32 $0xFFFFF380  }
0xdd: {  	_ =	swait.ge [sflag:s23], $0x2580  }
0xde: {  	[sflag:s23] =	ssyncset.done $0x0  }
0xdf: {  	s0 =	simm.s32 @!p1 $0x4;
	[sflag:s23] =	ssyncadd.s32 $0xFFFFDA80  }
0xe0: {  	_ =	swait.ge @!p1 [sflag:s0], $0xC80  }
0xe1: {  	[sflag:s0] =	ssyncset.done @!p1 $0x0  }
0xe2: {  	[sflag:s0] =	ssyncadd.s32 @!p1 $0xFFFFF380;
	s0 =	simm.s32 $0x4100  }
0xe3: {  	v4 =	vld [tilespmem:s0+$0xFFFFFFA0]  }
0xe4: {  	v18 =	vld [tilespmem:s0+$0xFFFFFFE0]  }
0xe5: {  	v20 =	vld [tilespmem:s0+$0x50]  }
0xe6: {  	v25 =	vld [tilespmem:s0+$0x20]  }
0xe7: {  	v27 =	vld [tilespmem:s0+$0x10]  }
0xe8: {  	v28 =	vld [tilespmem:s0+$0x70]  }
0xe9: {  	v29 =	vld [tilespmem:s0+$0xFFFFFFD0]  }
0xea: {  	v9 =	vld [tilespmem:s0+$0xA0]  }
0xeb: {  	v19 =	vld [tilespmem:s0+$0xFFFFFF50]  }
0xec: {  	v30 =	vld [tilespmem:s0+$0xFFFFFF80]  }
0xed: {  	v31 =	vld [tilespmem:s0+$0xFFFFFFF0]  }
0xee: {  	s5 =	simm.s32 $0xE80;
	v32 =	vld [tilespmem:s0+$0x80]  }
0xef: {  	v5 =	vld [tilespmem:s5+$0xFFFFFFC0]  }
0xf0: {  	v6 =	vld [tilespmem:s5+$0x30]  }
0xf1: {  	v15 =	vld [tilespmem:s5+$0x20]  }
0xf2: {  	v14 =	vld [tilespmem:s5+$0x10]  }
0xf3: {  	v13 =	vld [tilespmem:s5+$0x0]  }
0xf4: {  	v21 =	vld [tilespmem:s5+$0xFFFFFFF0]  }
0xf5: {  	v34 =	vld [tilespmem:s5+$0xFFFFFFE0]  }
0xf6: {  	v17 =	vld [tilespmem:s5+$0xFFFFFFD0]  }
0xf7: {  	v33 =	vld [tilespmem:s0+$0xFFFFFF60];
	v7 =	vshrl.u32 v5, $0x7;
	v16 =	vshrl.u32 v5, $0xE;
	v5 =	vand.u32 $0x7F, v5  }
0xf8: {  	v49 =	vld [tilespmem:s0+$0xFFFFFF70];
	v26 =	vshrl.u32 v6, $0x7;
	v36 =	vshrl.u32 v15, $0x7;
	v37 =	vshrl.u32 v14, $0x7  }
0xf9: {  	v23 =	vld [tilespmem:s0+$0xFFFFFF40];
	v38 =	vshrl.u32 v14, $0xE;
	v39 =	vshrl.u32 v13, $0x7;
	v40 =	vshrl.u32 v13, $0xE  }
0xfa: {  	v55 =	vld [tilespmem:s0+$0x30];
	v42 =	vshrl.u32 v21, $0x7;
	v43 =	vshrl.u32 v21, $0xE;
	v22 =	vshrl.u32 v34, $0x7  }
0xfb: {  	v24 =	vld [tilespmem:s0+$0xFFFFFF90];
	v44 =	vshrl.u32 v34, $0xE;
	v45 =	vshrl.u32 v17, $0xE;
	v53 =	vcvt.s32.f32 v43  }
0xfc: {  	v10 =	vld [tilespmem:s0+$0xFFFFFFC0];
	v48 =	vand.u32 $0x7F, v17;
	v17 =	vshrl.u32 v17, $0x7;
	v50 =	vand.u32 $0x7F, v13  }
0xfd: {  	v56 =	vand.u32 $0x7F, v14;
	v14 =	vadd.f32 v53, v49;
	v49 =	vand.u32 $0x7F, v39;
	v39 =	vld [tilespmem:s0+$0x90]  }
0xfe: {  	v35 =	vand.u32 $0x7F, v7;
	v7 =	vshrl.u32 v15, $0xE;
	v12 =	vcvt.s32.f32 v5;
	v41 =	vld.idx.msk [tilespmem:v16+s7+$0x0], $0xffff  }
0xff: {  	v46 =	vand.u32 $0x7F, v22;
	v47 =	vcvt.s32.f32 v16;
	v51 =	vcvt.s32.f32 v38;
	v16 =	vld [tilespmem:s0+$0xFFFFFFB0]  }
0x100: {  	v52 =	vand.u32 $0x7F, v17;
	v17 =	vand.u32 $0x7F, v6;
	v42 =	vand.u32 $0x7F, v42;
	v22 =	vld.idx.msk [tilespmem:v40+s7+$0x0], $0xffff  }
0x101: {  	v62 =	vcvt.s32.f32 v44;
	v26 =	vand.u32 $0x7F, v26;
	v36 =	vand.u32 $0x7F, v36;
	v54 =	vld.idx.msk [tilespmem:v43+s7+$0x0], $0xffff  }
0x102: {  	v58 =	vand.u32 $0x7F, v37;
	v59 =	vcvt.s32.f32 v45;
	v63 =	vcvt.s32.f32 v50;
	v38 =	vld.idx.msk [tilespmem:v38+s7+$0x0], $0xffff  }
0x103: {  	v15 =	vand.u32 $0x7F, v15;
	v11 =	vcvt.s32.f32 v7;
	v57 =	vcvt.s32.f32 v52;
	v44 =	vld.idx.msk [tilespmem:v44+s7+$0x0], $0xffff  }
0x104: {  	v60 =	vcvt.s32.f32 v36;
	v13 =	vadd.f32 v47, v23;
	v47 =	vand.u32 $0x7F, v21;
	v45 =	vld.idx.msk [tilespmem:v45+s7+$0x0], $0xffff  }
0x105: {  	v24 =	vadd.f32 v51, v24;
	v51 =	vcvt.s32.f32 v42;
	v21 =	vcvt.s32.f32 v35;
	v8 =	vld.idx.msk [tilespmem:v35+s16+$0x0], $0xffff  }
0x106: {  	v37 =	vadd.f32 v62, v33;
	v62 =	vand.u32 $0x7F, v34;
	v43 =	vcvt.s32.f32 v58;
	v53 =	vld.idx.msk [tilespmem:v42+s16+$0x0], $0xffff  }
0x107: {  	v59 =	vadd.f32 v59, v19;
	v35 =	vadd.f32 v63, v32;
	v42 =	vcvt.s32.f32 v56;
	v56 =	vld.idx.msk [tilespmem:v56+s17+$0x0], $0xffff  }
0x108: {  	v32 =	vadd.f32 v51, v31;
	v31 =	vcvt.s32.f32 v40;
	v27 =	vadd.f32 v43, v27;
	v43 =	vld.idx.msk [tilespmem:v58+s16+$0x0], $0xffff  }
0x109: {  	v33 =	vcvt.s32.f32 v47;
	v51 =	vcvt.s32.f32 v15;
	v19 =	vadd.f32 v42, v39;
	v39 =	vld.idx.msk [tilespmem:v52+s16+$0x0], $0xffff  }
0x10a: {  	v34 =	vadd.f32 v31, v30;
	v52 =	vcvt.s32.f32 v48;
	v23 =	vmul.f32 v13, v41;
	v41 =	vld.idx.msk [tilespmem:v50+s17+$0x0], $0xffff  }
0x10b: {  	v61 =	vld.idx.msk [tilespmem:v47+s17+$0x0], $0xffff;
	v31 =	vadd.f32 v57, v29;
	v57 =	vcvt.s32.f32 v26;
	v47 =	vcvt.s32.f32 v49  }
0x10c: {  	v9 =	vadd.f32 v51, v9;
	v51 =	vld.idx.msk [tilespmem:v48+s17+$0x0], $0xffff;
	v48 =	vcvt.s32.f32 v62;
	v40 =	vmul.f32 v37, v44  }
0x10d: {  	v30 =	vadd.f32 v60, v25;
	v50 =	vld.idx.msk [tilespmem:v46+s16+$0x0], $0xffff;
	v46 =	vcvt.s32.f32 v46;
	v45 =	vmul.f32 v59, v45  }
0x10e: {  	v44 =	vld.idx.msk [tilespmem:v36+s16+$0x0], $0xffff;
	v36 =	vadd.f32 v52, v20;
	v25 =	vmul.f32 v14, v54;
	v53 =	vmul.f32 v32, v53  }
0x10f: {  	v42 =	vld [tilespmem:s0+$0x0];
	v60 =	vadd.f32 v45, v0;
	v63 =	vmul.f32 v35, v41;
	v41 =	vadd.f32 v40, v0  }
0x110: {  	v52 =	vmul.f32 v19, v56;
	v40 =	vadd.f32 v33, v28;
	v33 =	vadd.f32 v46, v18;
	v18 =	vld.idx.msk [tilespmem:v49+s16+$0x0], $0xffff  }
0x111: {  	v20 =	vadd.f32 v53, v1;
	v51 =	vmul.f32 v36, v51;
	v28 =	vmul.f32 v24, v38;
	v49 =	vld [tilespmem:s0+$0x60]  }
0x112: {  	s3 =	simm.s32 $0x7280;
	v38 =	vmul.f32 v60, v59;
	v46 =	vadd.f32 v63, v2;
	v53 =	vmul.f32 v33, v50;
	v50 =	vld [tilespmem:s0+$0x40]  }
0x113: {  	s4 =	simm.s32 $0x0;
	s18 =	simm.s32 $0x4280;
	s2 =	simm.s32 $0x7280;
	v29 =	vld.idx.msk [tilespmem:v62+s17+$0x0], $0xffff;
	v45 =	vadd.f32 v28, v0;
	v54 =	vmul.f32 v40, v61;
	v28 =	vadd.f32 v57, v55  }
.LBB2_6:
0x114: {  	v55 =	vld [tilespmem:s18+$0xFFFFFFA0];
	s4 =	sadd.s32 $0x8, s4;
	v51 =	vadd.f32 v51, v2;
	v37 =	vmul.f32 v41, v37;
	v41 =	vadd.f32 v53, v1;
	s3 =	sadd.s32 $0x80, s3;
	s5 =	sadd.s32 $0x80, s5  }
0x115: {  	v42 =	vadd.f32 v47, v42;
	v44 =	vmul.f32 v30, v44;
	p0 =	slt.u32 s4, $0xC0;
	v53 =	vadd.f32 v54, v2  }
0x116: {  	v39 =	vmul.f32 v31, v39;
	v47 =	vadd.f32 v48, v49;
	v48 =	vadd.f32 v52, v2  }
0x117: {  	v22 =	vmul.f32 v34, v22;
	v12 =	vadd.f32 v12, v50;
	v40 =	vmul.f32 v53, v40;
	v49 =	vld [tilespmem:s0+$0xB0];
	s0 =	smov.u32 s18  }
0x118: {  	v35 =	vmul.f32 v46, v35;
	v43 =	vmul.f32 v27, v43;
	v6 =	vshrl.u32 v6, $0xE;
	v26 =	vld.idx.msk [tilespmem:v26+s16+$0x0], $0xffff  }
0x119: {  	v24 =	vmul.f32 v45, v24;
	v11 =	vadd.f32 v11, v4;
	v46 =	vcvt.s32.f32 v6;
	v45 =	vld.idx.msk [tilespmem:v17+s17+$0x0], $0xffff;
	v4 =	vmovc v55  }
0x11a: {  	v39 =	vadd.f32 v39, v1;
	v22 =	vadd.f32 v22, v0;
	v50 =	vmul.f32 v42, v18;
	v7 =	vld.idx.msk [tilespmem:v7+s7+$0x0], $0xffff  }
0x11b: {  	v23 =	vadd.f32 v23, v0;
	v16 =	vadd.f32 v46, v16;
	v17 =	vcvt.s32.f32 v17;
	v5 =	vld.idx.msk [tilespmem:v5+s17+$0x0], $0xffff  }
0x11c: {  	v32 =	vmul.f32 v20, v32;
	v22 =	vmul.f32 v22, v34;
	v34 =	vadd.f32 v43, v1;
	v18 =	vld [tilespmem:s18+$0xFFFFFFE0]  }
0x11d: {  	v13 =	vmul.f32 v23, v13;
	v23 =	vadd.f32 v25, v0;
	v17 =	vadd.f32 v17, v49;
	v20 =	vld [tilespmem:s18+$0x50]  }
0x11e: {  	v10 =	vadd.f32 v21, v10;
	v21 =	vmul.f32 v39, v31;
	v31 =	vmul.f32 v34, v27;
	v6 =	vld.idx.msk [tilespmem:v6+s7+$0x0], $0xffff  }
0x11f: {  	v34 =	vmul.f32 v51, v36;
	v36 =	vadd.f32 v50, v1;
	v26 =	vmul.f32 v28, v26;
	v25 =	vld [tilespmem:s18+$0x20]  }
0x120: {  	v8 =	vmul.f32 v10, v8;
	v39 =	vmul.f32 v47, v29;
	v24 =	vadd.f32 v31, v24;
	v27 =	vld [tilespmem:s18+$0x10]  }
0x121: {  	v21 =	vadd.f32 v21, v38;
	v36 =	vmul.f32 v36, v42;
	v38 =	vmul.f32 v17, v45;
	v29 =	vld [tilespmem:s18+$0x70]  }
0x122: {  	v14 =	vmul.f32 v23, v14;
	v23 =	vadd.f32 v44, v1;
	v26 =	vadd.f32 v26, v1;
	v15 =	vld.idx.msk [tilespmem:v15+s17+$0x0], $0xffff  }
0x123: {  	v8 =	vadd.f32 v8, v1;
	v21 =	vadd.f32 v34, v21;
	v34 =	vmul.f32 v41, v33;
	v31 =	vld [tilespmem:s18+$0xFFFFFFD0]  }
0x124: {  	v14 =	vadd.f32 v32, v14;
	v23 =	vmul.f32 v23, v30;
	v6 =	vmul.f32 v16, v6;
	v33 =	vld [tilespmem:s18+$0xA0]  }
0x125: {  	v39 =	vadd.f32 v39, v2;
	v41 =	vmul.f32 v48, v19;
	v38 =	vadd.f32 v38, v2;
	v30 =	vld [tilespmem:s18+$0xFFFFFF50]  }
0x126: {  	v37 =	vadd.f32 v34, v37;
	v7 =	vmul.f32 v11, v7;
	v6 =	vadd.f32 v6, v0;
	v19 =	vld [tilespmem:s18+$0xFFFFFF80]  }
0x127: {  	v8 =	vmul.f32 v8, v10;
	v10 =	vadd.f32 v21, v3;
	v21 =	vadd.f32 v36, v22;
	v32 =	vld [tilespmem:s18+$0xFFFFFFF0]  }
0x128: {  	v14 =	vadd.f32 v40, v14;
	v5 =	vmul.f32 v12, v5;
	v16 =	vmul.f32 v6, v16;
	v34 =	vld [tilespmem:s18+$0x80]  }
0x129: {  	v8 =	vadd.f32 v8, v13;
	v13 =	vmul.f32 v39, v47;
	v17 =	vmul.f32 v38, v17;
	v36 =	vld [tilespmem:s18+$0xFFFFFF60]  }
0x12a: {  	v22 =	vadd.f32 v41, v24;
	v21 =	vadd.f32 v35, v21;
	v15 =	vmul.f32 v9, v15;
	v38 =	vld [tilespmem:s18+$0xFFFFFF40]  }
0x12b: {  	v7 =	vadd.f32 v7, v0;
	v5 =	vadd.f32 v5, v2;
	v24 =	vld [tilespmem:s5+$0xFFFFFFC0];
	[tilespmem:s2+$0xFFFFFFD0] =	vst v10;
	v10 =	vmul.f32 v26, v28  }
0x12c: {  	v22 =	vadd.f32 v22, v3;
	v15 =	vadd.f32 v15, v2;
	v6 =	vld [tilespmem:s5+$0x30]  }
0x12d: {  	v5 =	vmul.f32 v5, v12;
	v12 =	vadd.f32 v13, v37;
	v35 =	vld [tilespmem:s5+$0x20];
	v10 =	vadd.f32 v10, v16  }
0x12e: {  	v11 =	vmul.f32 v7, v11;
	v13 =	vadd.f32 v14, v3;
	v14 =	vadd.f32 v21, v3;
	v37 =	vld [tilespmem:s5+$0x10];
	[tilespmem:s2+$0x10] =	vst v22  }
0x12f: {  	v12 =	vadd.f32 v12, v3;
	v9 =	vmul.f32 v15, v9;
	v16 =	vld [tilespmem:s5+$0x0];
	v10 =	vadd.f32 v17, v10  }
0x130: {  	v8 =	vadd.f32 v5, v8;
	v7 =	vshrl.u32 v24, $0x7;
	v15 =	vshrl.u32 v24, $0xE;
	v21 =	vld [tilespmem:s5+$0xFFFFFFF0];
	[tilespmem:s2+$0x0] =	vst v14  }
0x131: {  	v5 =	vand.u32 $0x7F, v24;
	v39 =	vand.u32 $0x7F, v7;
	v40 =	vld [tilespmem:s5+$0xFFFFFFE0];
	v14 =	vshrl.u32 v6, $0x7;
	[tilespmem:s2+$0xFFFFFFF0] =	vst v13  }
0x132: {  	v17 =	vadd.f32 v23, v11;
	v13 =	vld [tilespmem:s5+$0xFFFFFFD0];
	v41 =	vshrl.u32 v35, $0x7;
	v7 =	vshrl.u32 v35, $0xE;
	[tilespmem:s2+$0xFFFFFFE0] =	vst v12  }
0x133: {  	v10 =	vadd.f32 v10, v3;
	v42 =	vshrl.u32 v37, $0x7;
	v23 =	vshrl.u32 v37, $0xE;
	v28 =	vld [tilespmem:s18+$0x30]  }
0x134: {  	v22 =	vadd.f32 v8, v3;
	v43 =	vshrl.u32 v16, $0x7;
	v44 =	vshrl.u32 v16, $0xE;
	v24 =	vld [tilespmem:s18+$0xFFFFFF90]  }
0x135: {  	v12 =	vcvt.s32.f32 v5;
	v45 =	vld.idx.msk [tilespmem:v15+s7+$0x0], $0xffff;
	v26 =	vshrl.u32 v21, $0x7;
	v46 =	vshrl.u32 v21, $0xE;
	[tilespmem:s2+$0x30] =	vst v10  }
0x136: {  	v11 =	vcvt.s32.f32 v7;
	v8 =	vld.idx.msk [tilespmem:v39+s16+$0x0], $0xffff;
	v47 =	vshrl.u32 v40, $0x7;
	v48 =	vshrl.u32 v40, $0xE;
	[tilespmem:s2+$0xFFFFFFC0] =	vst v22  }
0x137: {  	v9 =	vadd.f32 v9, v17;
	v10 =	vld [tilespmem:s18+$0xFFFFFFC0];
	v49 =	vshrl.u32 v13, $0xE;
	v47 =	vand.u32 $0x7F, v47  }
0x138: {  	v15 =	vcvt.s32.f32 v15;
	v50 =	vand.u32 $0x7F, v13;
	v13 =	vshrl.u32 v13, $0x7;
	v51 =	vld [tilespmem:s18+$0xFFFFFF70]  }
0x139: {  	v9 =	vadd.f32 v9, v3;
	v52 =	vand.u32 $0x7F, v16;
	v53 =	vcvt.s32.f32 v23;
	v16 =	vld [tilespmem:s18+$0xFFFFFFB0]  }
0x13a: {  	v17 =	vand.u32 $0x7F, v6;
	v55 =	vcvt.s32.f32 v46;
	v54 =	vand.u32 $0x7F, v13;
	v22 =	vld.idx.msk [tilespmem:v44+s7+$0x0], $0xffff  }
0x13b: {  	v56 =	vand.u32 $0x7F, v26;
	v13 =	vadd.f32 v15, v38;
	v38 =	vand.u32 $0x7F, v21;
	v46 =	vld.idx.msk [tilespmem:v46+s7+$0x0], $0xffff;
	[tilespmem:s2+$0x20] =	vst v9;
	s2 =	smov.u32 s3  }
0x13c: {  	v26 =	vand.u32 $0x7F, v14;
	v24 =	vadd.f32 v53, v24;
	v9 =	vcvt.s32.f32 v48;
	v57 =	vld.idx.msk [tilespmem:v23+s7+$0x0], $0xffff  }
0x13d: {  	v58 =	vand.u32 $0x7F, v37;
	v59 =	vand.u32 $0x7F, v41;
	v53 =	vcvt.s32.f32 v56;
	v48 =	vld.idx.msk [tilespmem:v48+s7+$0x0], $0xffff  }
0x13e: {  	v60 =	vand.u32 $0x7F, v42;
	v23 =	vmul.f32 v13, v45;
	v45 =	vcvt.s32.f32 v54;
	v41 =	vld.idx.msk [tilespmem:v52+s17+$0x0], $0xffff  }
0x13f: {  	v42 =	vcvt.s32.f32 v49;
	v14 =	vadd.f32 v55, v51;
	v51 =	vand.u32 $0x7F, v43;
	v61 =	vld.idx.msk [tilespmem:v47+s16+$0x0], $0xffff  }
0x140: {  	v21 =	vcvt.s32.f32 v39;
	v39 =	vcvt.s32.f32 v52;
	v15 =	vand.u32 $0x7F, v35;
	v43 =	vld [tilespmem:s18+$0x90]  }
0x141: {  	v37 =	vadd.f32 v9, v36;
	v55 =	vcvt.s32.f32 v60;
	v52 =	vcvt.s32.f32 v38;
	v36 =	vld.idx.msk [tilespmem:v56+s16+$0x0], $0xffff  }
0x142: {  	v35 =	vadd.f32 v39, v34;
	v9 =	vcvt.s32.f32 v58;
	v56 =	vld.idx.msk [tilespmem:v38+s17+$0x0], $0xffff;
	v38 =	vcvt.s32.f32 v59  }
0x143: {  	v62 =	vand.u32 $0x7F, v40;
	v34 =	vcvt.s32.f32 v44;
	v32 =	vadd.f32 v53, v32;
	v49 =	vld.idx.msk [tilespmem:v49+s7+$0x0], $0xffff  }
0x144: {  	v40 =	vcvt.s32.f32 v15;
	v53 =	vadd.f32 v42, v30;
	v30 =	vmul.f32 v37, v48;
	v58 =	vld.idx.msk [tilespmem:v58+s17+$0x0], $0xffff  }
0x145: {  	v34 =	vadd.f32 v34, v19;
	v39 =	vld.idx.msk [tilespmem:v54+s16+$0x0], $0xffff;
	v54 =	vmul.f32 v35, v41;
	v19 =	vadd.f32 v9, v43  }
0x146: {  	v63 =	vcvt.s32.f32 v47;
	v41 =	vadd.f32 v30, v0;
	v9 =	vadd.f32 v40, v33;
	v48 =	vld.idx.msk [tilespmem:v50+s17+$0x0], $0xffff  }
0x147: {  	v31 =	vadd.f32 v45, v31;
	v45 =	vmul.f32 v24, v57;
	v40 =	vadd.f32 v52, v29;
	v42 =	vld [tilespmem:s18+$0x0]  }
0x148: {  	v27 =	vadd.f32 v55, v27;
	v33 =	vcvt.s32.f32 v50;
	v43 =	vmul.f32 v32, v36;
	v29 =	vld.idx.msk [tilespmem:v62+s17+$0x0], $0xffff  }
0x149: {  	v55 =	vcvt.s32.f32 v26;
	v30 =	vadd.f32 v38, v25;
	v49 =	vmul.f32 v53, v49;
	v44 =	vld.idx.msk [tilespmem:v59+s16+$0x0], $0xffff  }
.Ltmp6:
0x14a: {  	v47 =	vcvt.s32.f32 v51;
	v36 =	vadd.f32 v33, v20;
	v20 =	vadd.f32 v43, v1;
	v43 =	vld.idx.msk [tilespmem:v60+s16+$0x0], $0xffff;
	(pc) =	sbr.rel @p0 .LBB2_6-.Ltmp6, $4  }
0x14b: {  	v25 =	vmul.f32 v14, v46;
	v33 =	vadd.f32 v63, v18;
	v38 =	vadd.f32 v49, v0;
	v18 =	vld.idx.msk [tilespmem:v51+s16+$0x0], $0xffff  }
0x14c: {  	v46 =	vadd.f32 v54, v2;
	v51 =	vmul.f32 v36, v48;
	v48 =	vcvt.s32.f32 v62;
	v49 =	vld [tilespmem:s18+$0x60]  }
0x14d: {  	v45 =	vadd.f32 v45, v0;
	v38 =	vmul.f32 v38, v53;
	v53 =	vmul.f32 v33, v61;
	v50 =	vld [tilespmem:s18+$0x40]  }
0x14e: {  	v28 =	vadd.f32 v55, v28;
	v54 =	vmul.f32 v40, v56;
	v52 =	vmul.f32 v19, v58;
	s18 =	sadd.s32 $0x180, s18  }
0x14f: {  	v51 =	vadd.f32 v51, v2;
	v53 =	vadd.f32 v53, v1;
	v37 =	vmul.f32 v41, v37  }
0x150: {  	v42 =	vadd.f32 v47, v42;
	v44 =	vmul.f32 v30, v44;
	v39 =	vmul.f32 v31, v39  }
0x151: {  	v22 =	vmul.f32 v34, v22;
	v35 =	vmul.f32 v46, v35;
	v6 =	vshrl.u32 v6, $0xE  }
0x152: {  	v59 =	vmul.f32 v27, v43;
	v4 =	vadd.f32 v11, v4;
	v24 =	vmul.f32 v45, v24  }
0x153: {  	v23 =	vadd.f32 v23, v0;
	v62 =	vcvt.s32.f32 v17;
	v10 =	vadd.f32 v21, v10  }
0x154: {  	v20 =	vmul.f32 v20, v32;
	v56 =	vadd.f32 v54, v2;
	v58 =	vadd.f32 v52, v2  }
0x155: {  	v26 =	vld.idx.msk [tilespmem:v26+s16+$0x0], $0xffff;
	v60 =	vcvt.s32.f32 v6;
	v57 =	vadd.f32 v48, v49;
	v39 =	vadd.f32 v39, v1  }
0x156: {  	v61 =	vld [tilespmem:s0+$0xB0];
	v22 =	vadd.f32 v22, v0;
	v18 =	vmul.f32 v42, v18;
	v13 =	vmul.f32 v23, v13  }
0x157: {  	v7 =	vld.idx.msk [tilespmem:v7+s7+$0x0], $0xffff;
	v63 =	vadd.f32 v59, v1;
	v49 =	vmul.f32 v51, v36;
	v8 =	vmul.f32 v10, v8  }
0x158: {  	v5 =	vld.idx.msk [tilespmem:v5+s17+$0x0], $0xffff;
	v52 =	vmul.f32 v53, v33;
	v12 =	vadd.f32 v12, v50;
	v40 =	vmul.f32 v56, v40  }
0x159: {  	v15 =	vld.idx.msk [tilespmem:v15+s17+$0x0], $0xffff;
	v11 =	vadd.f32 v60, v16;
	v50 =	vadd.f32 v44, v1;
	v19 =	vmul.f32 v58, v19  }
0x15a: {  	v22 =	vmul.f32 v22, v34;
	v34 =	vadd.f32 v25, v0;
	v45 =	vmul.f32 v39, v31  }
0x15b: {  	v46 =	vmul.f32 v63, v27;
	v18 =	vadd.f32 v18, v1;
	v29 =	vmul.f32 v57, v29  }
0x15c: {  	v8 =	vadd.f32 v8, v1;
	v26 =	vmul.f32 v28, v26;
	v53 =	vmul.f32 v50, v30  }
0x15d: {  	v41 =	vld.idx.msk [tilespmem:v17+s17+$0x0], $0xffff;
	v16 =	vadd.f32 v62, v61;
	v7 =	vmul.f32 v4, v7;
	v5 =	vmul.f32 v12, v5  }
0x15e: {  	v15 =	vmul.f32 v9, v15;
	v24 =	vadd.f32 v46, v24;
	v21 =	vadd.f32 v45, v38  }
0x15f: {  	v6 =	vld.idx.msk [tilespmem:v6+s7+$0x0], $0xffff;
	v18 =	vmul.f32 v18, v42;
	v54 =	vadd.f32 v29, v2;
	v51 =	vadd.f32 v26, v1  }
0x160: {  	v14 =	vmul.f32 v34, v14;
	v26 =	vadd.f32 v52, v37;
	v5 =	vadd.f32 v5, v2  }
0x161: {  	v8 =	vmul.f32 v8, v10;
	v7 =	vadd.f32 v7, v0;
	v15 =	vadd.f32 v15, v2  }
0x162: {  	v17 =	vmul.f32 v16, v41;
	v21 =	vadd.f32 v49, v21;
	v14 =	vadd.f32 v20, v14  }
0x163: {  	v18 =	vadd.f32 v18, v22;
	v8 =	vadd.f32 v8, v13;
	v56 =	vmul.f32 v54, v57  }
0x164: {  	v58 =	vadd.f32 v19, v24;
	v17 =	vadd.f32 v17, v2;
	v6 =	vmul.f32 v11, v6  }
0x165: {  	v59 =	vmul.f32 v51, v28;
	v4 =	vmul.f32 v7, v4;
	v55 =	vadd.f32 v21, v3  }
0x166: {  	v5 =	vmul.f32 v5, v12;
	v14 =	vadd.f32 v40, v14;
	v6 =	vadd.f32 v6, v0  }
0x167: {  	v63 =	vmul.f32 v15, v9;
	v57 =	vadd.f32 v35, v18;
	v60 =	vadd.f32 v58, v3  }
0x168: {  	v4 =	vadd.f32 v53, v4;
	v5 =	vadd.f32 v5, v8;
	v6 =	vmul.f32 v6, v11  }
0x169: {  	[tilespmem:s2+$0xFFFFFFD0] =	vst v55;
	v61 =	vadd.f32 v14, v3;
	v62 =	vadd.f32 v57, v3  }
0x16a: {  	v16 =	vmul.f32 v17, v16;
	[tilespmem:s2+$0x10] =	vst v60;
	v4 =	vadd.f32 v63, v4;
	v6 =	vadd.f32 v59, v6  }
0x16b: {  	v5 =	vadd.f32 v5, v3;
	v11 =	vadd.f32 v56, v26;
	[tilespmem:s2+$0x0] =	vst v62  }
0x16c: {  	s31 =	sshll.u32 s30, $0x5;
	[tilespmem:s2+$0xFFFFFFF0] =	vst v61;
	v4 =	vadd.f32 v4, v3;
	v6 =	vadd.f32 v16, v6  }
.Ltmp7:
0x16d: {  	s0 =	sor.u32 s9, s31;
	[tilespmem:s2+$0xFFFFFFC0] =	vst v5;
	v11 =	vadd.f32 v11, v3;
	(pc) =	sbr.rel .LBB2_8-.Ltmp7, $4  }
0x16e: {  	s0 =	smul.u32 $0x190, s0;
	[tilespmem:s2+$0x20] =	vst v4;
	v6 =	vadd.f32 v6, v3  }
0x16f: {  	[tilespmem:s2+$0xFFFFFFE0] =	vst v11  }
0x170: {  	s0 =	sadd.s32 s6, s0;
	[tilespmem:s2+$0x30] =	vst v6  }
0x171: {  	[hbm4b:s0+s7] =	stream.linear.scatter [tilespmem:s24], [sflag:$0x4], $0xC80, $0x38;
	[tilespmem:$0x7EC0] =	vst v63  }
.LBB2_10:
0x172: {  	_ =	sfence.sel $0x180000  }
0x173: {  	[bflag:$0x0] =	sbarrier.arrive $0xFFFF  }
0x174: {  	_ =	strace $0x9000004A  }
0x175: {  	s0 =	stileid.u32;
	[bflag:$0x2] =	sbarrier.arrive $0xFFFF  }
0x176: {  	p0 =	sne.s32 s0, $0x0;
	s0 =	rddreg [dreg:$0x6]  }
0x177: {  	s0 =	sadd.s32 @!p0 $0x100000, s0  }
0x178: {  	[sflag:s0] =	ssyncadd.tile.s32 @!p0 $0x1;
	_ =	shalt  }
.Lfunc_end2:
_tile_overlayer_lowered:
.L_overlay_start_2:
0x179: {  	(tag) =	ssettag $0x2  }
0x17a: {  	s0 =	rddreg [dreg:$0x0];
	s2 =	stileid.u32  }
0x17b: {  	s1 =	rddreg [dreg:$0x1];
	p0 =	sne.s32 s2, $0x0  }
0x17c: {  	s3 =	rddreg [dreg:$0x2];
	[bflag:$0x3] =	sbarrier.arrive $0xFFFF;
	s2 =	simm.s32 @!p0 $0x1C05  }
0x17d: {  	[timem:s3], [sflag:s2] =	dma.local @!p0 [hbm:s0], s1  }
0x17e: {  	s0 =	simm.s32 @!p0 $0x5  }
0x17f: {  	_ =	swait.ge @!p0 [sflag:s0], s1  }
0x180: {  	s1 =	ssub.s32 @!p0 $0x0, s1;
	[sflag:s0] =	ssyncset.done @!p0 $0x0  }
0x181: {  	[sflag:s0] =	ssyncadd.s32 @!p0 s1  }
0x182: {  	[bflag:$0x3] =	sbarrier.arrive $0xFFFF  }
0x183: {  	_ =	shalt  }

// kernel: kernel.7.cloned.1.call-start
scs
__scs_entry_jumppad:
0x0: {  	(pc) =	sbr.rel $0x88, $3  }
0x1: {  	(tag) =	ssettag $0x0;
	lr =	simm.s32 $0x1  }
0x2: {  	[smem:$0x3F99] =	sst lr;
	_ =	strace $0xD0000000  }
0x3: {  	_ = 	snop  }
0x4: {  	_ = 	snop  }
0x5: {  	_ = 	snop  }
0x6: {  	_ = 	snop  }
0x7: {  	_ = 	snop  }
__scs_overlays_trampoline_lowered:
0x8: {  	[smem:$0x3FA8] =	sst s0  }
0x9: {  	[smem:$0x3FA9] =	sst s1  }
0xa: {  	[smem:$0x3FAA] =	sst s2  }
0xb: {  	[smem:$0x3FAB] =	sst s3  }
0xc: {  	[smem:$0x3FAC] =	sst s4  }
0xd: {  	[smem:$0x3FAD] =	sst s5  }
0xe: {  	[smem:$0x3FAE] =	sst s6  }
0xf: {  	[smem:$0x3FAF] =	sst s7  }
0x10: {  	[smem:$0x3FB0] =	sst s8  }
0x11: {  	[smem:$0x3FB1] =	sst s9;
	s0 =	simm.s32 @!p0 $0x0  }
0x12: {  	s1 =	sld [smem:$0x3F97];
	s0 =	simm.s32 @p0 $0x1  }
0x13: {  	[smem:$0x3FB2] =	sst s0;
	s0 =	simm.s32 @!p1 $0x0  }
0x14: {  	s2 =	sld [smem:$0x3F96];
	s0 =	simm.s32 @p1 $0x1  }
0x15: {  	[smem:$0x3FB3] =	sst s0;
	s0 =	simm.s32 @!p2 $0x0  }
0x16: {  	s3 =	sld [smem:$0x3FDB];
	s0 =	simm.s32 @p2 $0x1  }
0x17: {  	s4 =	simm.s32 $0x1BF5;
	[smem:$0x3FB5] =	sst s0  }
0x18: {  	s0 =	sld [smem:$0x3F98];
	_ =	swait.ge [sflag:s4], $0x0  }
0x19: {  	s7 =	sld [smem:$0x3F99]  }
0x1a: {  	s8 =	sadd.s32 $0xFFFFE003, lr  }
0x1b: {  	s9 =	sadd.s32 $0xFFFFFEF7, lr;
	s5 =	simm.s32 $0xFFFFFFFF;
	p2 =	slt.u32 s8, $0xFFFFF086  }
0x1c: {  	p1 =	slt.u32 s9, $0xF7A;
	s5 =	simm.s32 @!p2 $0x0  }
0x1d: {  	s5 =	simm.s32 @p1 $0x1;
	p0 =	seq.s32 s7, s2  }
0x1e: {  	s7 =	smul.u32 @!p0 $0xF7A, s2;
	p2 =	seq.s32 @!p0 s5, $0x0  }
0x1f: {  	s9 =	smul.u32 $0xF7A, s1;
	s8 =	simm.s32 @!p0 $0x1BF5;
	p2 =	por !p2, p0  }
0x20: {  	[sflag:s8] =	ssyncset.s32 @!p0 $0xFFFFF086;
	s6 =	sadd.s32 @!p0 s3, s7;
	s7 =	simm.s32 @!p0 $0x108  }
0x21: {  	s3 =	sadd.s32 s3, s9;
	s6 =	sadd.s32 @!p0 $0x88, s6;
	s7 =	simm.s32 @p2 $0x1082  }
0x22: {  	[simem:s7], [sflag:s8] =	dma.local @!p0 [hbm:s6], $0xF7A  }
0x23: {  	s9 =	sor.u32 $0xD0000000, s2;
	s6 =	simm.s32 $0x108;
	_ =	swait.ge @!p0 [sflag:s8], $0x0  }
0x24: {  	s3 =	sadd.s32 $0x88, s3;
	s6 =	simm.s32 @!p1 $0x1082;
	[sflag:s4] =	ssyncset.s32 $0xFFFFF086  }
0x25: {  	[simem:s6], [sflag:s4] =	dma.local [hbm:s3], $0xF7A  }
0x26: {  	[smem:$0x3F99] =	sst s1;
	(tag) =	ssettag s2;
	_ =	strace s9  }
0x27: {  	s1 =	sld [smem:$0x3FA9]  }
0x28: {  	s2 =	sld [smem:$0x3FAA]  }
0x29: {  	s4 =	sld [smem:$0x3FAC]  }
0x2a: {  	p0 =	seq.s32 s5, $0x0;
	s5 =	sld [smem:$0x3FAD]  }
0x2b: {  	s6 =	sld [smem:$0x3FAE]  }
0x2c: {  	s7 =	sld [smem:$0x3FAF]  }
0x2d: {  	s3 =	simm.s32 $0x108;
	s8 =	sld [smem:$0x3FB0]  }
0x2e: {  	s3 =	simm.s32 @!p0 $0x1082;
	s9 =	sld [smem:$0x3FB1]  }
0x2f: {  	lr =	sadd.s32 s0, s3;
	s0 =	sld [smem:$0x3FA8]  }
0x30: {  	s3 =	sld [smem:$0x3FAB]  }
0x31: {  	[smem:$0x3FB4] =	sst s10  }
0x32: {  	s10 =	sld [smem:$0x3FB2];
	_ =	sdelay $0x3  }
0x33: {  	p0 =	seq.s32 s10, $0x1;
	s10 =	sld [smem:$0x3FB4];
	_ =	sdelay $0x3  }
0x34: {  	[smem:$0x3FB4] =	sst s10  }
0x35: {  	s10 =	sld [smem:$0x3FB3];
	_ =	sdelay $0x3  }
0x36: {  	p1 =	seq.s32 s10, $0x1;
	s10 =	sld [smem:$0x3FB4];
	_ =	sdelay $0x3  }
0x37: {  	[smem:$0x3FB4] =	sst s10  }
0x38: {  	s10 =	sld [smem:$0x3FB5]  }
0x39: {  	_ = 	snop;
	(pc) =	sbr.ind lr, $3  }
0x3a: {  	_ = 	snop  }
0x3b: {  	_ = 	snop  }
0x3c: {  	p2 =	seq.s32 s10, $0x1;
	s10 =	sld [smem:$0x3FB4]  }
0x3d: {  	_ =	shalt  }
0x3e: {  	_ =	shalt  }
0x3f: {  	_ =	shalt  }
0x40: {  	_ =	shalt  }
0x41: {  	_ =	shalt  }
0x42: {  	_ =	shalt  }
0x43: {  	_ =	shalt  }
0x44: {  	_ =	shalt  }
0x45: {  	_ =	shalt  }
0x46: {  	_ =	shalt  }
0x47: {  	_ =	shalt  }
0x48: {  	_ =	shalt  }
0x49: {  	_ =	shalt  }
0x4a: {  	_ =	shalt  }
0x4b: {  	_ =	shalt  }
0x4c: {  	_ =	shalt  }
0x4d: {  	_ =	shalt  }
0x4e: {  	_ =	shalt  }
0x4f: {  	_ =	shalt  }
0x50: {  	_ =	shalt  }
0x51: {  	_ =	shalt  }
0x52: {  	_ =	shalt  }
0x53: {  	_ =	shalt  }
0x54: {  	_ =	shalt  }
0x55: {  	_ =	shalt  }
0x56: {  	_ =	shalt  }
0x57: {  	_ =	shalt  }
0x58: {  	_ =	shalt  }
0x59: {  	_ =	shalt  }
0x5a: {  	_ =	shalt  }
0x5b: {  	_ =	shalt  }
0x5c: {  	_ =	shalt  }
0x5d: {  	_ =	shalt  }
0x5e: {  	_ =	shalt  }
0x5f: {  	_ =	shalt  }
0x60: {  	_ =	shalt  }
0x61: {  	_ =	shalt  }
0x62: {  	_ =	shalt  }
0x63: {  	_ =	shalt  }
0x64: {  	_ =	shalt  }
0x65: {  	_ =	shalt  }
0x66: {  	_ =	shalt  }
0x67: {  	_ =	shalt  }
0x68: {  	_ =	shalt  }
0x69: {  	_ =	shalt  }
0x6a: {  	_ =	shalt  }
0x6b: {  	_ =	shalt  }
0x6c: {  	_ =	shalt  }
0x6d: {  	_ =	shalt  }
0x6e: {  	_ =	shalt  }
0x6f: {  	_ =	shalt  }
0x70: {  	_ =	shalt  }
0x71: {  	_ =	shalt  }
0x72: {  	_ =	shalt  }
0x73: {  	_ =	shalt  }
0x74: {  	_ =	shalt  }
0x75: {  	_ =	shalt  }
0x76: {  	_ =	shalt  }
0x77: {  	_ =	shalt  }
0x78: {  	_ =	shalt  }
0x79: {  	_ =	shalt  }
0x7a: {  	_ =	shalt  }
0x7b: {  	_ =	shalt  }
0x7c: {  	_ =	shalt  }
0x7d: {  	_ =	shalt  }
0x7e: {  	_ =	shalt  }
0x7f: {  	_ =	shalt  }
0x80: {  	_ =	shalt  }
0x81: {  	_ =	shalt  }
0x82: {  	_ =	shalt  }
0x83: {  	_ =	shalt  }
0x84: {  	_ =	shalt  }
0x85: {  	_ =	shalt  }
0x86: {  	_ =	shalt  }
0x87: {  	_ =	shalt  }
.Lfunc_end0:
.L_simem_size_0:
called_computation.1_lowered:
.L_overlay_start_0:
0x88: {  	s2 =	sld [smem:$0x3FD9]  }
0x89: {  	s3 =	sld [smem:$0x3FFE];
	_ =	sdelay $0x1  }
0x8a: {  	s1 =	srdreg.scid  }
0x8b: {  	s0 =	sand.u32 $0x1, s1  }
0x8c: {  	s14 =	sshll.u32 s0, $0xA;
	s2 =	sadd.s32 s3, s2  }
0x8d: {  	s2 =	sadd.s32 s2, s14  }
0x8e: {  	[smem:$0x3FC0] =	sst s2  }
0x8f: {  	_ = 	snop  }
0x90: {  	s2 =	sld [smem:$0x3FC8]  }
0x91: {  	s15 =	sld [smem:$0x3FD0]  }
0x92: {  	s4 =	sld [smem:$0x3FC5]  }
0x93: {  	s5 =	sld [smem:$0x3FC4]  }
0x94: {  	s7 =	simm.s32 $0xB;
	s8 =	simm.s32 $0x10;
	s6 =	sld [smem:$0x3FC3]  }
0x95: {  	[smem:s8], [sflag:s7] =	dma.local [hbm:s15], $0x1  }
0x96: {  	_ =	swait.eq [sflag:s7], $0x1  }
0x97: {  	[sflag:s7] =	ssyncset.done $0x0  }
0x98: {  	[sflag:s7] =	ssyncadd.s32 $0xFFFFFFFF  }
0x99: {  	s16 =	sld [smem:$0x11];
	(tm) =	ssettm $0x1  }
0x9a: {  	s17 =	sld [smem:$0x3FFB];
	_ =	sdelay $0x3  }
0x9b: {  	_ =	strace s17  }
0x9c: {  	s7 =	sld [smem:$0x3FFC];
	_ =	sdelay $0x3  }
0x9d: {  	_ =	strace s7  }
0x9e: {  	s7 =	sld [smem:$0x3FFD];
	_ =	sdelay $0x3  }
0x9f: {  	_ =	strace s7  }
0xa0: {  	_ =	strace $0x8FFFFFFF  }
0xa1: {  	s18 =	sld [smem:$0x3FDB];
	_ =	sdelay $0x1  }
0xa2: {  	s19 =	simm.s32 $_scs_section_size  }
0xa3: {  	s9 =	simm.s32 $_size__tile_overlayer_lowered;
	s10 =	simm.s32 $_tile_overlayer_lowered  }
0xa4: {  	s22 =	simm.s32 $0x1BFF;
	s21 =	sshll.u32 s10, $0x1;
	s7 =	sadd.s32 s19, s18  }
0xa5: {  	s11 =	simm.s32 $0x0;
	s20 =	sshll.u32 s9, $0x1;
	s9 =	sadd.s32 s21, s7  }
0xa6: {  	[timem:s11], [sflag:s22] =	dma.local [hbm:s9], s20  }
0xa7: {  	_ =	swait.ge [sflag:s22], s20  }
0xa8: {  	s8 =	ssub.s32 $0x0, s20;
	[sflag:s22] =	ssyncset.done $0x0  }
0xa9: {  	[sflag:s22] =	ssyncadd.s32 s8;
	_ =	sdelay $0x1  }
0xaa: {  	s23 =	simm.s32 $0x1B8B  }
0xab: {  	_ =	swait.ge [sflag:s23], $0x1  }
0xac: {  	[sflag:s23] =	ssyncset.done $0x0  }
0xad: {  	s25 =	simm.s32 $0x1B8E;
	s24 =	sld [smem:$0x3FFE];
	[sflag:s23] =	ssyncadd.s32 $0xFFFFFFFF  }
0xae: {  	s26 =	simm.s32 $execute0_lowered;
	[smem:$0x3FD2] =	sst s25  }
0xaf: {  	s9 =	sshll.u32 s26, $0x1;
	_ =	strace $0x80000046;
	[dreg:$0x1] =	wrdreg $0xFFFFFFFF  }
0xb0: {  	s28 =	simm.s32 $_size_execute0_lowered;
	s7 =	sadd.s32 s7, s9;
	[dreg:$0x0] =	wrdreg $0x0  }
0xb1: {  	s9 =	sshll.u32 s28, $0x1;
	[dreg:$0x2] =	wrdreg s7  }
0xb2: {  	[dreg:$0x3] =	wrdreg s9  }
0xb3: {  	[dreg:$0x4] =	wrdreg $0xC0  }
0xb4: {  	_ =	task [dreg:s11], $0x5FFFF  }
0xb5: {  	[dreg:$0x1] =	wrdreg $0xFFFFFFFF  }
0xb6: {  	[dreg:$0x0] =	wrdreg $0x60  }
0xb7: {  	[dreg:$0x2] =	wrdreg s16  }
0xb8: {  	[dreg:$0x3] =	wrdreg s2  }
0xb9: {  	[dreg:$0x4] =	wrdreg s4  }
0xba: {  	[dreg:$0x5] =	wrdreg s5  }
0xbb: {  	[dreg:$0x6] =	wrdreg s6  }
0xbc: {  	[dreg:$0x7] =	wrdreg s24  }
0xbd: {  	[dreg:$0x8] =	wrdreg $0xA  }
0xbe: {  	_ =	task.clear_ibuf [dreg:s11], $0x9FFFF;
	_ =	strace $0x90000046  }
0xbf: {  	s29 =	simm.s32 $0xA;
	_ =	strace $0x80000048  }
0xc0: {  	_ =	swait.ge [sflag:s29], $0x1  }
0xc1: {  	[sflag:s29] =	ssyncadd.s32 $0xFFFFFFFF  }
0xc2: {  	_ =	strace $0x90000048  }
0xc3: {  	_ =	sfence  }
0xc4: {  	s30 =	sld [smem:$0x0];
	_ =	sdelay $0x2  }
0xc5: {  	s31 =	sshll.u32 s1, $0xD;
	s1 =	sshrl.u32 s1, $0x2  }
0xc6: {  	s3 =	sand.u32 $0x4000, s31;
	s1 =	sadd.s32 s1, s30  }
0xc7: {  	s0 =	sor.u32 s3, s0;
	s1 =	sshll.u32 s1, $0x11  }
0xc8: {  	s0 =	sor.u32 s1, s0  }
0xc9: {  	s0 =	sadd.s32 $0x8F2B, s0  }
0xca: {  	[sflag:s0] =	ssyncadd.remote.s32 $0x1  }
0xcb: {  	_ =	sfence.sel $0xFFFF  }
0xcc: {  	[dreg:$0x0] =	wrdreg $0xFFFFFFFF;
	(pc) =	sbr.abs _section_cstart, $3  }
0xcd: {  	[dreg:$0x1] =	wrdreg $0xFFFFFFFF  }
0xce: {  	_ =	task.clear_ibuf [dreg:s11], $0x2FFFF;
	_ =	strace $0x9FFFFFFF  }
0xcf: {  	(tm) =	ssettm $0x7FFFFFFF  }
tec
execute0_lowered:
.L_overlay_start_1:
0x0: {  	(tag) =	ssettag $0x1  }
0x1: {  	s1 =	rddreg [dreg:$0x0]  }
0x2: {  	s2 =	rddreg [dreg:$0x1]  }
0x3: {  	s0 =	rddreg [dreg:$0x5];
	s7 =	simm.s32 $0x0  }
0x4: {  	s3 =	srdreg.scid;
	s4 =	stileid.u32;
	s15 =	simm.s32 $0x5  }
0x5: {  	s16 =	simm.s32 $0x80;
	s17 =	simm.s32 $0x100;
	s18 =	simm.s32 $0x180  }
0x6: {  	s19 =	simm.s32 $0x1C0;
	s20 =	simm.s32 $0x1AC0;
	s21 =	simm.s32 $0x1  }
0x7: {  	s22 =	simm.s32 $0x65C0;
	s23 =	simm.s32 $0x2;
	s24 =	simm.s32 $0x8B40  }
0x8: {  	s25 =	simm.s32 $0x3;
	s26 =	simm.s32 $0x4;
	s28 =	simm.s32 $0x0  }
0x9: {  	[smem:$0x7FF] =	sst s7;
	s3 =	sand.u32 $0x1, s3;
	s4 =	sshll.u32 s4, $0x1  }
.Ltmp0:
0xa: {  	s8 =	sadd.s32 $0x2800, s0;
	s9 =	sor.u32 s3, s4;
	(pc) =	sbr.rel .LBB2_1-.Ltmp0, $4  }
0xb: {  	s10 =	sadd.s32 $0x2A00, s0;
	s29 =	ssub.s32 $0x2, s3;
	s30 =	smul.u32 $0x190, s9  }
0xc: {  	s31 =	sshrl.u32 s29, $0x1;
	s5 =	ssub.s32 $0x270, s9;
	s6 =	smul.u32 $0x4B0, s9  }
0xd: {  	_ =	strace $0x80000047;
	s0 =	ssub.s32 s29, s31;
	s11 =	sshrl.u32 s5, $0x5  }
0xe: {  	s12 =	sadd.s32 s2, s30;
	s13 =	sadd.s32 s1, s6;
	s14 =	smax.u32 s0, $0x1  }
.LBB2_9:
0xf: {  	s28 =	sadd.s32 $0x1, s28  }
0x10: {  	_ =	swait.ge [sflag:s25], $0x2580;
	p0 =	sne.s32 s28, s14  }
.Ltmp1:
0x11: {  	[sflag:s25] =	ssyncset.done $0x0;
	(pc) =	sbr.rel @!p0 .LBB2_10-.Ltmp1, $4  }
0x12: {  	[sflag:s25] =	ssyncadd.s32 $0xFFFFDA80  }
0x13: {  	_ =	swait.ge [sflag:s26], $0x2580  }
0x14: {  	[sflag:s26] =	ssyncset.done $0x0  }
0x15: {  	[sflag:s26] =	ssyncadd.s32 $0xFFFFDA80  }
.LBB2_1:
0x16: {  	s0 =	rddreg [dreg:$0x2]  }
0x17: {  	[tilespmem:s7], [sflag:$0x5] =	stream.linear.gather [hbm4b:s0+s7], $0x80, $0x38;
	[tilespmem:$0xB0C0] =	vst v63  }
0x18: {  	_ =	swait.ge [sflag:s15], $0x80  }
0x19: {  	[sflag:s15] =	ssyncset.done $0x0  }
0x1a: {  	[sflag:s15] =	ssyncadd.s32 $0xFFFFFF80  }
0x1b: {  	s30 =	rddreg [dreg:$0x3]  }
0x1c: {  	[tilespmem:s16], [sflag:$0x5] =	stream.linear.gather [hbm4b:s30+s7], $0x80, $0x38;
	[tilespmem:$0xB0C0] =	vst v63  }
0x1d: {  	_ =	swait.ge [sflag:s15], $0x80  }
0x1e: {  	[sflag:s15] =	ssyncset.done $0x0  }
0x1f: {  	[sflag:s15] =	ssyncadd.s32 $0xFFFFFF80  }
0x20: {  	s31 =	rddreg [dreg:$0x4]  }
0x21: {  	[tilespmem:s17], [sflag:$0x5] =	stream.linear.gather [hbm4b:s31+s7], $0x80, $0x38;
	[tilespmem:$0xB0C0] =	vst v63  }
0x22: {  	_ =	swait.ge [sflag:s15], $0x80  }
0x23: {  	[sflag:s15] =	ssyncset.done $0x0  }
0x24: {  	[sflag:s15] =	ssyncadd.s32 $0xFFFFFF80  }
0x25: {  	[tilespmem:s18], [sflag:$0x5] =	stream.linear.gather [hbm4b:s8+s7], $0x40, $0x38;
	[tilespmem:$0xB0C0] =	vst v63  }
0x26: {  	_ =	swait.ge [sflag:s15], $0x40  }
0x27: {  	[sflag:s15] =	ssyncset.done $0x0  }
0x28: {  	[sflag:s15] =	ssyncadd.s32 $0xFFFFFFC0  }
0x29: {  	v0 =	vld [tilespmem:$0x180]  }
0x2a: {  	v1 =	vld [tilespmem:$0x190]  }
0x2b: {  	v38 =	vld [tilespmem:$0x1A0];
	[tilespmem:s19], [sflag:$0x1] =	stream.linear.gather [hbm4b:s12+s7], $0xC80, $0x38  }
.Ltmp2:
0x2c: {  	_ = 	snop;
	(pc) =	sbr.rel .LBB2_2-.Ltmp2, $4  }
0x2d: {  	[tilespmem:s20], [sflag:$0x1] =	stream.linear.gather [hbm4b:s13+s7], $0x2580, $0x38;
	[tilespmem:$0xB0C0] =	vst v63  }
0x2e: {  	[tilespmem:$0x1FFD0] =	vst v0  }
0x2f: {  	[tilespmem:$0x1FFE0] =	vst v1  }
0x30: {  	s29 =	simm.s32 $0x0;
	[tilespmem:$0x1FFF0] =	vst v38  }
.LBB2_8:
0x31: {  	s29 =	sadd.s32 $0x1, s29  }
0x32: {  	p0 =	sne.s32 s29, $0xA  }
.Ltmp3:
0x33: {  	_ = 	snop;
	(pc) =	sbr.rel @!p0 .LBB2_9-.Ltmp3, $4  }
0x34: {  	_ = 	snop  }
0x35: {  	v0 =	vld [tilespmem:$0x1FFD0]  }
0x36: {  	v1 =	vld [tilespmem:$0x1FFE0]  }
0x37: {  	v38 =	vld [tilespmem:$0x1FFF0]  }
.LBB2_2:
0x38: {  	s31 =	sshll.u32 s29, $0x1  }
0x39: {  	s30 =	sshllo.u32 s29, $0x1;
	p0 =	sge.u32 s31, s11  }
0x3a: {  	s0 =	sshll.u32 @!p0 s30, $0x5  }
0x3b: {  	s0 =	sor.u32 @!p0 s9, s0  }
0x3c: {  	s3 =	smul.u32 @!p0 $0x190, s0  }
0x3d: {  	s4 =	simm.s32 @!p0 $0x0  }
0x3e: {  	s5 =	simm.s32 @!p0 $0xE40;
	s0 =	smul.u32 @!p0 $0x4B0, s0;
	s3 =	sadd.s32 @!p0 s2, s3  }
0x3f: {  	[tilespmem:s5], [sflag:$0x2] =	stream.linear.gather @!p0 [hbm4b:s3+s4], $0xC80, $0x38;
	[tilespmem:$0xB0C0] =	vst v63  }
0x40: {  	s0 =	sadd.s32 @!p0 s1, s0;
	s3 =	simm.s32 @!p0 $0x4040  }
0x41: {  	[tilespmem:s3], [sflag:$0x2] =	stream.linear.gather @!p0 [hbm4b:s0+s4], $0x2580, $0x38;
	[tilespmem:$0xB0C0] =	vst v63  }
0x42: {  	_ =	swait.ge [sflag:s21], $0xC80  }
0x43: {  	[sflag:s21] =	ssyncset.done $0x0  }
0x44: {  	[sflag:s21] =	ssyncadd.s32 $0xFFFFF380  }
0x45: {  	_ =	swait.ge [sflag:s21], $0x2580  }
0x46: {  	p1 =	seq.s32 s29, $0x0;
	[sflag:s21] =	ssyncset.done $0x0  }
0x47: {  	s0 =	simm.s32 @!p1 $0x3;
	[sflag:s21] =	ssyncadd.s32 $0xFFFFDA80  }
0x48: {  	_ =	swait.ge @!p1 [sflag:s0], $0x2580  }
0x49: {  	[sflag:s0] =	ssyncset.done @!p1 $0x0  }
0x4a: {  	s4 =	simm.s32 $0x200;
	[sflag:s0] =	ssyncadd.s32 @!p1 $0xFFFFDA80  }
0x4b: {  	v3 =	vld [tilespmem:s4+$0x30]  }
0x4c: {  	v4 =	vld [tilespmem:s4+$0xFFFFFFD0]  }
0x4d: {  	v5 =	vld [tilespmem:s4+$0xFFFFFFE0]  }
0x4e: {  	v6 =	vld [tilespmem:s4+$0xFFFFFFF0]  }
0x4f: {  	v7 =	vld [tilespmem:s4+$0x0]  }
0x50: {  	v8 =	vld [tilespmem:s4+$0x10]  }
0x51: {  	v14 =	vld [tilespmem:s4+$0xFFFFFFC0]  }
0x52: {  	v13 =	vld [tilespmem:s4+$0x20];
	v9 =	vshrl.u32 v3, $0x7  }
0x53: {  	s5 =	simm.s32 $0x1B80;
	v10 =	vshrl.u32 v3, $0xE;
	v11 =	vshrl.u32 v4, $0x7;
	v12 =	vshrl.u32 v4, $0xE  }
0x54: {  	v18 =	vld [tilespmem:s5+$0xFFFFFFB0];
	v15 =	vshrl.u32 v5, $0x7;
	v16 =	vshrl.u32 v5, $0xE;
	v17 =	vshrl.u32 v6, $0x7  }
0x55: {  	v21 =	vld [tilespmem:s5+$0x30];
	v3 =	vand.u32 $0x7F, v3;
	v19 =	vshrl.u32 v6, $0xE;
	v20 =	vshrl.u32 v7, $0x7  }
0x56: {  	v30 =	vld [tilespmem:s5+$0xB0];
	v22 =	vshrl.u32 v7, $0xE;
	v23 =	vshrl.u32 v8, $0x7;
	v29 =	vshrl.u32 v14, $0xE  }
0x57: {  	v43 =	vld [tilespmem:s5+$0xFFFFFFC0];
	v25 =	vshrl.u32 v8, $0xE;
	v26 =	vshrl.u32 v13, $0x7;
	v9 =	vand.u32 $0x7F, v9  }
0x58: {  	v50 =	vld [tilespmem:s5+$0xFFFFFF60];
	v28 =	vshrl.u32 v14, $0x7;
	v14 =	vand.u32 $0x7F, v14;
	v31 =	vshrl.u32 v13, $0xE  }
0x59: {  	v33 =	vand.u32 $0x7F, v4;
	v34 =	vand.u32 $0x7F, v5;
	v2 =	vand.u32 $0x7F, v6;
	v24 =	vld.idx.msk [tilespmem:v10+s7+$0x0], $0xffff  }
0x5a: {  	v56 =	vand.u32 $0x7F, v7;
	v13 =	vand.u32 $0x7F, v13;
	v11 =	vand.u32 $0x7F, v11;
	v32 =	vld.idx.msk [tilespmem:v3+s17+$0x0], $0xffff  }
0x5b: {  	v15 =	vand.u32 $0x7F, v15;
	v17 =	vand.u32 $0x7F, v17;
	v49 =	vcvt.s32.f32 v14;
	v60 =	vld.idx.msk [tilespmem:v29+s7+$0x0], $0xffff  }
0x5c: {  	v20 =	vand.u32 $0x7F, v20;
	v57 =	vcvt.s32.f32 v34;
	v58 =	vcvt.s32.f32 v2;
	v27 =	vld.idx.msk [tilespmem:v9+s16+$0x0], $0xffff  }
0x5d: {  	v23 =	vand.u32 $0x7F, v23;
	v54 =	vcvt.s32.f32 v56;
	v10 =	vcvt.s32.f32 v10;
	v37 =	vld.idx.msk [tilespmem:v16+s7+$0x0], $0xffff  }
0x5e: {  	v26 =	vand.u32 $0x7F, v26;
	v3 =	vcvt.s32.f32 v3;
	v39 =	vld.idx.msk [tilespmem:v19+s7+$0x0], $0xffff;
	v9 =	vcvt.s32.f32 v9  }
0x5f: {  	v28 =	vand.u32 $0x7F, v28;
	v29 =	vcvt.s32.f32 v29;
	v16 =	vcvt.s32.f32 v16;
	v4 =	vld.idx.msk [tilespmem:v11+s16+$0x0], $0xffff  }
0x60: {  	v40 =	vld.idx.msk [tilespmem:v22+s7+$0x0], $0xffff;
	v19 =	vcvt.s32.f32 v19;
	v10 =	vadd.f32 v10, v18;
	v9 =	vadd.f32 v9, v21  }
0x61: {  	v5 =	vld.idx.msk [tilespmem:v15+s16+$0x0], $0xffff;
	v21 =	vand.u32 $0x7F, v8;
	v8 =	vadd.f32 v24, v24;
	v24 =	vadd.f32 v27, v27  }
0x62: {  	v41 =	vld.idx.msk [tilespmem:v25+s7+$0x0], $0xffff;
	v22 =	vcvt.s32.f32 v22;
	v25 =	vcvt.s32.f32 v25;
	v30 =	vadd.f32 v3, v30  }
0x63: {  	v51 =	vld [tilespmem:s5+$0xFFFFFFE0];
	v3 =	vmul.f32 v10, v8;
	v8 =	vmul.f32 v9, v24;
	v9 =	vadd.f32 v32, v32  }
0x64: {  	v42 =	vld.idx.msk [tilespmem:v31+s7+$0x0], $0xffff;
	v31 =	vcvt.s32.f32 v31;
	v10 =	vcvt.s32.f32 v11;
	v11 =	vadd.f32 v4, v4  }
0x65: {  	v35 =	vld.idx.msk [tilespmem:v17+s16+$0x0], $0xffff;
	v4 =	vadd.f32 v3, v0;
	v3 =	vadd.f32 v8, v1;
	v8 =	vmul.f32 v30, v9  }
0x66: {  	v36 =	vld.idx.msk [tilespmem:v23+s16+$0x0], $0xffff;
	v15 =	vcvt.s32.f32 v15;
	v16 =	vadd.f32 v16, v50;
	v30 =	vadd.f32 v5, v5  }
0x67: {  	v46 =	vld [tilespmem:s5+$0xFFFFFF50];
	v5 =	vmovc v0;
	v0 =	vadd.f32 v8, v38;
	v8 =	vmul.f32 v4, v4;
	v61 =	vmul.f32 v3, v3  }
0x68: {  	v47 =	vld [tilespmem:s5+$0xFFFFFFD0];
	v17 =	vcvt.s32.f32 v17;
	v15 =	vadd.f32 v15, v51;
	v37 =	vadd.f32 v37, v37  }
0x69: {  	v39 =	vadd.f32 v39, v39;
	v27 =	vld.idx.msk [tilespmem:v28+s16+$0x0], $0xffff;
	v8 =	vadd.f32 v61, v8;
	v62 =	vmul.f32 v0, v0  }
0x6a: {  	v23 =	vcvt.s32.f32 v23;
	v18 =	vld.idx.msk [tilespmem:v20+s16+$0x0], $0xffff;
	v40 =	vadd.f32 v40, v40;
	v41 =	vadd.f32 v41, v41  }
0x6b: {  	v63 =	vld [tilespmem:s5+$0xFFFFFF70];
	v7 =	vmovc v38;
	v20 =	vcvt.s32.f32 v20;
	v42 =	vadd.f32 v42, v42;
	v38 =	vadd.f32 v62, v8  }
0x6c: {  	v52 =	vld [tilespmem:s5+$0xFFFFFFF0];
	v28 =	vcvt.s32.f32 v28;
	v35 =	vadd.f32 v35, v35;
	v36 =	vadd.f32 v36, v36  }
0x6d: {  	v37 =	vmul.f32 v16, v37;
	v9 =	vld.idx.msk [tilespmem:v12+s7+$0x0], $0xffff;
	v44 =	vshra.s32 v38, $0x1;
	v45 =	vmul.f32 $5.000000000e-01, v38  }
0x6e: {  	v24 =	vld.idx.msk [tilespmem:v26+s16+$0x0], $0xffff;
	v28 =	vadd.f32 v28, v43;
	v27 =	vadd.f32 v27, v27;
	v44 =	vsub.s32 $0x5F3759DF, v44  }
0x6f: {  	v18 =	vadd.f32 v18, v18;
	v26 =	vcvt.s32.f32 v26;
	v8 =	vld [tilespmem:s5+$0xFFFFFF40];
	v48 =	vmul.f32 v44, v45  }
0x70: {  	v10 =	vadd.f32 v10, v47;
	v12 =	vcvt.s32.f32 v12;
	v27 =	vmul.f32 v28, v27;
	v28 =	vld [tilespmem:s5+$0xFFFFFF90]  }
0x71: {  	v53 =	vld [tilespmem:s5+$0xFFFFFF80];
	v32 =	vadd.f32 v60, v60;
	v60 =	vcvt.s32.f32 v13;
	v48 =	vmul.f32 v44, v48  }
0x72: {  	v13 =	vld.idx.msk [tilespmem:v13+s17+$0x0], $0xffff;
	v10 =	vmul.f32 v10, v11;
	v12 =	vadd.f32 v12, v46;
	v9 =	vadd.f32 v9, v9  }
0x73: {  	v59 =	vld [tilespmem:s5+$0x0];
	v11 =	vadd.f32 v19, v63;
	v15 =	vmul.f32 v15, v30;
	v48 =	vsub.f32 $1.500000000e+00, v48  }
0x74: {  	v24 =	vadd.f32 v24, v24;
	v30 =	vmul.f32 v12, v9;
	v12 =	vld [tilespmem:s5+$0x20];
	v8 =	vadd.f32 v29, v8  }
0x75: {  	v19 =	vld [tilespmem:s5+$0x10];
	v62 =	vmul.f32 v11, v39;
	v11 =	vadd.f32 v25, v28;
	v44 =	vmul.f32 v44, v48  }
0x76: {  	v14 =	vld.idx.msk [tilespmem:v14+s17+$0x0], $0xffff;
	v9 =	vadd.f32 v22, v53;
	v32 =	vmul.f32 v8, v32;
	v8 =	vadd.f32 v17, v52  }
0x77: {  	v13 =	vadd.f32 v13, v13;
	v63 =	vmul.f32 v11, v41;
	v11 =	vld.idx.msk [tilespmem:v56+s17+$0x0], $0xffff;
	v61 =	vmul.f32 v44, v45  }
0x78: {  	v6 =	vmovc v1;
	v28 =	vmul.f32 v9, v40;
	v17 =	vld [tilespmem:s5+$0xFFFFFFA0];
	v16 =	vmul.f32 v8, v35;
	v8 =	vadd.f32 v20, v59  }
0x79: {  	v9 =	vadd.f32 v27, v6;
	v12 =	vadd.f32 v26, v12;
	v22 =	vmul.f32 v61, v44  }
0x7a: {  	v56 =	vadd.f32 v62, v5;
	v18 =	vmul.f32 v8, v18;
	v8 =	vadd.f32 v23, v19;
	v19 =	vld.idx.msk [tilespmem:v2+s17+$0x0], $0xffff  }
0x7b: {  	v2 =	vadd.f32 v15, v6;
	v15 =	vmul.f32 v12, v24;
	v24 =	vld [tilespmem:s5+$0x40];
	v22 =	vsub.f32 $1.500000000e+00, v22  }
0x7c: {  	v55 =	vcvt.s32.f32 v21;
	v25 =	vld.idx.msk [tilespmem:v34+s17+$0x0], $0xffff;
	v26 =	vadd.f32 v14, v14;
	v50 =	vadd.f32 v11, v11  }
0x7d: {  	v20 =	vld.idx.msk [tilespmem:v33+s17+$0x0], $0xffff;
	v1 =	vadd.f32 v31, v17;
	v14 =	vadd.f32 v18, v6;
	v17 =	vmul.f32 v22, v44  }
0x7e: {  	v11 =	vadd.f32 v15, v6;
	v22 =	vmul.f32 v8, v36;
	v8 =	vadd.f32 v10, v6;
	v10 =	vld.idx.msk [tilespmem:v21+s17+$0x0], $0xffff  }
0x7f: {  	v21 =	vmul.f32 v1, v42;
	v1 =	vadd.f32 v16, v6;
	v16 =	vld [tilespmem:s5+$0x50];
	[tilespmem:$0x1FF50] =	vst v14;
	v23 =	vmul.f32 v17, v45  }
0x80: {  	v29 =	vcvt.s32.f32 v33;
	v15 =	vadd.f32 v49, v24;
	v24 =	vadd.f32 v32, v5;
	v18 =	vld [tilespmem:s5+$0x60]  }
0x81: {  	v27 =	vmul.f32 v9, v9;
	v25 =	vadd.f32 v25, v25;
	v12 =	vmul.f32 v23, v17  }
0x82: {  	v20 =	vadd.f32 v20, v20;
	v19 =	vadd.f32 v19, v19;
	v59 =	vmul.f32 v24, v24;
	v45 =	vld [tilespmem:s5+$0x70]  }
0x83: {  	v44 =	vmul.f32 v2, v2;
	v23 =	vsub.f32 $1.500000000e+00, v12;
	v12 =	vadd.f32 v22, v6  }
0x84: {  	v15 =	vmul.f32 v15, v26;
	v31 =	vmul.f32 v8, v8;
	v27 =	vadd.f32 v27, v59  }
0x85: {  	v52 =	vmul.f32 v1, v1;
	v51 =	vadd.f32 v10, v10;
	v18 =	vadd.f32 v57, v18;
	[tilespmem:$0x1FF80] =	vst v12  }
0x86: {  	v57 =	vmul.f32 v14, v14;
	v10 =	vmul.f32 v23, v17;
	v23 =	vadd.f32 v29, v16;
	v22 =	vld [tilespmem:s5+$0x80];
	[tilespmem:$0x1FFB0] =	vst v11  }
0x87: {  	v26 =	vadd.f32 v58, v45;
	v16 =	vadd.f32 v30, v5;
	v53 =	vmul.f32 v18, v25;
	v17 =	vld [tilespmem:s5+$0x90]  }
0x88: {  	v29 =	vld [tilespmem:s5+$0xA0];
	v10 =	vmul.f32 v10, v38;
	v20 =	vmul.f32 v23, v20;
	v23 =	vadd.f32 v37, v5  }
0x89: {  	v19 =	vmul.f32 v26, v19;
	v26 =	vadd.f32 v15, v7;
	v15 =	vadd.f32 v53, v7  }
0x8a: {  	v58 =	vmul.f32 v12, v12;
	v30 =	vadd.f32 $9.999999930e-09, v10;
	v62 =	vmul.f32 v23, v23  }
0x8b: {  	v10 =	vadd.f32 v21, v5;
	v45 =	vmul.f32 v15, v15;
	v18 =	vadd.f32 v54, v22  }
0x8c: {  	(erf) = vrcp.f32 v30;
	v22 =	vadd.f32 v28, v5;
	v35 =	vadd.f32 v44, v62  }
0x8d: {  	v42 =	vmul.f32 v10, v10;
	v25 =	vadd.f32 v55, v17;
	v28 =	vadd.f32 v60, v29  }
0x8e: {  	v17 =	vadd.f32 v63, v5;
	v60 =	vmul.f32 v11, v11;
	v63 =	vmul.f32 v56, v56  }
0x8f: {  	v29 =	vmul.f32 v18, v50;
	v33 =	vadd.f32 v45, v35;
	v30 =	vmul.f32 v25, v51  }
0x90: {  	v28 =	vmul.f32 v28, v13;
	v25 =	vadd.f32 v20, v7;
	v13 =	vadd.f32 v19, v7  }
0x91: {  	v61 =	vmul.f32 v16, v16;
	v43 =	vadd.f32 v52, v63;
	v32 =	vadd.f32 v60, v42  }
0x92: {  	v12 =	vadd.f32 v29, v7;
	v29 =	vmul.f32 v22, v22;
	v51 =	vshra.s32 v33, $0x1  }
0x93: {  	v38 =	vmul.f32 $5.000000000e-01, v33;
	v11 =	vadd.f32 v30, v7;
	v30 =	vmul.f32 v17, v17  }
0x94: {  	[tilespmem:$0x1FFA0] =	vst v10;
	v10 =	vadd.f32 v28, v7;
	v28 =	vadd.f32 v31, v61;
	v31 =	vmul.f32 v26, v26  }
0x95: {  	v44 =	vmul.f32 v25, v25;
	v37 =	vsub.s32 $0x5F3759DF, v51;
	v29 =	vadd.f32 v57, v29  }
0x96: {  	v46 =	vmul.f32 v12, v12;
	v59 =	vmul.f32 v37, v38;
	v30 =	vadd.f32 v58, v30  }
0x97: {  	v27 =	vadd.f32 v31, v27;
	v31 =	vmul.f32 v13, v13;
	v28 =	vadd.f32 v44, v28  }
0x98: {  	v47 =	vmul.f32 v11, v11;
	v48 =	vmul.f32 v10, v10;
	v29 =	vadd.f32 v46, v29  }
0x99: {  	v49 =	vshra.s32 v27, $0x1;
	v31 =	vadd.f32 v31, v43;
	v35 =	vmul.f32 $5.000000000e-01, v27  }
0x9a: {  	v30 =	vadd.f32 v47, v30;
	v50 =	vshra.s32 v28, $0x1;
	v36 =	vmul.f32 $5.000000000e-01, v28  }
0x9b: {  	v32 =	vadd.f32 v48, v32;
	v53 =	vshra.s32 v29, $0x1;
	v43 =	vmul.f32 $5.000000000e-01, v29  }
0x9c: {  	v39 =	vsub.s32 $0x5F3759DF, v49;
	v34 =	vsub.s32 $0x5F3759DF, v50;
	v50 =	vmul.f32 v37, v59  }
0x9d: {  	v52 =	vshra.s32 v31, $0x1;
	v41 =	vmul.f32 $5.000000000e-01, v31;
	v54 =	vshra.s32 v30, $0x1  }
0x9e: {  	v45 =	vmul.f32 $5.000000000e-01, v30;
	v55 =	vshra.s32 v32, $0x1;
	v47 =	vmul.f32 $5.000000000e-01, v32  }
0x9f: {  	v42 =	vsub.s32 $0x5F3759DF, v53;
	v57 =	vmul.f32 v39, v35;
	v58 =	vmul.f32 v34, v36  }
0xa0: {  	v40 =	vsub.s32 $0x5F3759DF, v52;
	v44 =	vsub.s32 $0x5F3759DF, v54;
	v61 =	vmul.f32 v42, v43  }
0xa1: {  	v46 =	vsub.s32 $0x5F3759DF, v55;
	v60 =	vmul.f32 v40, v41;
	v62 =	vmul.f32 v44, v45  }
0xa2: {  	v50 =	vsub.f32 $1.500000000e+00, v50;
	v63 =	vmul.f32 v46, v47;
	v48 =	vmul.f32 v39, v57  }
0xa3: {  	v49 =	vmul.f32 v34, v58;
	v52 =	vmul.f32 v42, v61  }
0xa4: {  	v37 =	vmul.f32 v37, v50;
	v51 =	vmul.f32 v40, v60;
	v48 =	vsub.f32 $1.500000000e+00, v48  }
0xa5: {  	v53 =	vmul.f32 v44, v62;
	v49 =	vsub.f32 $1.500000000e+00, v49;
	v54 =	vmul.f32 v46, v63  }
0xa6: {  	v57 =	vsub.f32 $1.500000000e+00, v52;
	v62 =	vmul.f32 v37, v38;
	v39 =	vmul.f32 v39, v48  }
0xa7: {  	v55 =	vsub.f32 $1.500000000e+00, v51;
	v34 =	vmul.f32 v34, v49;
	v58 =	vsub.f32 $1.500000000e+00, v53  }
0xa8: {  	v59 =	vsub.f32 $1.500000000e+00, v54;
	v42 =	vmul.f32 v42, v57;
	v50 =	vmul.f32 v62, v37  }
0xa9: {  	v40 =	vmul.f32 v40, v55;
	v44 =	vmul.f32 v44, v58  }
0xaa: {  	v60 =	vmul.f32 v39, v35;
	v46 =	vmul.f32 v46, v59  }
0xab: {  	v61 =	vmul.f32 v34, v36;
	v57 =	vmul.f32 v42, v43  }
0xac: {  	v63 =	vmul.f32 v40, v41;
	v48 =	vmul.f32 v60, v39  }
0xad: {  	v50 =	vsub.f32 $1.500000000e+00, v50;
	v58 =	vmul.f32 v44, v45;
	v49 =	vmul.f32 v61, v34  }
0xae: {  	v59 =	vmul.f32 v46, v47;
	v52 =	vmul.f32 v57, v42;
	v48 =	vsub.f32 $1.500000000e+00, v48  }
0xaf: {  	v37 =	vmul.f32 v50, v37;
	v51 =	vmul.f32 v63, v40;
	v49 =	vsub.f32 $1.500000000e+00, v49  }
0xb0: {  	v53 =	vmul.f32 v58, v44;
	v39 =	vmul.f32 v48, v39  }
0xb1: {  	v54 =	vmul.f32 v59, v46;
	v61 =	vsub.f32 $1.500000000e+00, v52;
	v34 =	vmul.f32 v49, v34  }
0xb2: {  	v38 =	vmul.f32 v37, v38;
	v60 =	vsub.f32 $1.500000000e+00, v51;
	v35 =	vmul.f32 v39, v35  }
0xb3: {  	v62 =	vsub.f32 $1.500000000e+00, v53;
	v42 =	vmul.f32 v61, v42;
	v36 =	vmul.f32 v34, v36  }
0xb4: {  	v63 =	vsub.f32 $1.500000000e+00, v54;
	v38 =	vmul.f32 v38, v37;
	v35 =	vmul.f32 v35, v39  }
0xb5: {  	v40 =	vmul.f32 v60, v40;
	v36 =	vmul.f32 v36, v34  }
0xb6: {  	v44 =	vmul.f32 v62, v44;
	v46 =	vmul.f32 v63, v46;
	v35 =	vsub.f32 $1.500000000e+00, v35  }
0xb7: {  	v43 =	vmul.f32 v42, v43;
	v41 =	vmul.f32 v40, v41;
	v36 =	vsub.f32 $1.500000000e+00, v36  }
0xb8: {  	v45 =	vmul.f32 v44, v45;
	v35 =	vmul.f32 v35, v39  }
0xb9: {  	v47 =	vmul.f32 v46, v47;
	v34 =	vmul.f32 v36, v34  }
0xba: {  	v38 =	vsub.f32 $1.500000000e+00, v38;
	v43 =	vmul.f32 v43, v42;
	v27 =	vmul.f32 v35, v27  }
0xbb: {  	[tilespmem:$0x1FF20] =	vst v22;
	v41 =	vmul.f32 v41, v40;
	v28 =	vmul.f32 v34, v28  }
0xbc: {  	[tilespmem:$0x1FF70] =	vst v17;
	v37 =	vmul.f32 v38, v37;
	v49 =	vmul.f32 v45, v44;
	v27 =	vadd.f32 $9.999999930e-09, v27  }
0xbd: {  	[tilespmem:$0x1FF60] =	vst v12;
	v50 =	vmul.f32 v47, v46;
	v41 =	vsub.f32 $1.500000000e+00, v41;
	v28 =	vadd.f32 $9.999999930e-09, v28  }
0xbe: {  	[tilespmem:$0x1FF90] =	vst v11;
	v51 =	vsub.f32 $1.500000000e+00, v43;
	v33 =	vmul.f32 v37, v33;
	(erf) = vrcp.f32 v27  }
0xbf: {  	s6 =	simm.s32 $0x280;
	[tilespmem:$0x1FFC0] =	vst v10;
	v58 =	vpop (erf);
	v52 =	vsub.f32 $1.500000000e+00, v49;
	v53 =	vmul.f32 v41, v40;
	(erf) = vrcp.f32 v28  }
0xc0: {  	v55 =	vld [tilespmem:s6+$0x30];
	v4 =	vmul.f32 v58, v4;
	v33 =	vadd.f32 $9.999999930e-09, v33;
	v35 =	vmul.f32 v51, v42  }
0xc1: {  	v54 =	vsub.f32 $1.500000000e+00, v50;
	v36 =	vmul.f32 v52, v44;
	v31 =	vmul.f32 v53, v31  }
0xc2: {  	v29 =	vmul.f32 v35, v29;
	(erf) = vrcp.f32 v33  }
0xc3: {  	v49 =	vld [tilespmem:s6+$0xFFFFFFD0];
	v27 =	vmul.f32 v54, v46;
	v28 =	vmul.f32 v36, v30;
	v30 =	vadd.f32 $9.999999930e-09, v31  }
0xc4: {  	v0 =	vmul.f32 v58, v0;
	v50 =	vld [tilespmem:s6+$0xFFFFFFE0];
	v29 =	vadd.f32 $9.999999930e-09, v29  }
0xc5: {  	v57 =	vshrl.u32 v55, $0xE;
	v27 =	vmul.f32 v27, v32;
	(erf) = vrcp.f32 v30;
	v30 =	vld [tilespmem:s6+$0xFFFFFFF0]  }
0xc6: {  	v31 =	vshrl.u32 v55, $0x7;
	v28 =	vadd.f32 $9.999999930e-09, v28;
	(erf) = vrcp.f32 v29;
	v29 =	vld [tilespmem:s6+$0x0];
	[tilespmem:$0x1FEF0] =	vst v0  }
0xc7: {  	v3 =	vmul.f32 v58, v3;
	v59 =	vand.u32 $0x7F, v31;
	v27 =	vadd.f32 $9.999999930e-09, v27;
	v0 =	vld [tilespmem:s6+$0xFFFFFFC0];
	[tilespmem:$0x1FF30] =	vst v4;
	v4 =	vpop (erf)  }
0xc8: {  	s0 =	simm.s32 $0x1D00;
	(erf) = vrcp.f32 v28;
	v42 =	vmul.f32 v4, v9;
	v9 =	vpop (erf)  }
0xc9: {  	(erf) = vrcp.f32 v27;
	v28 =	vld [tilespmem:s0+$0xFFFFFFB0];
	[tilespmem:$0x1FF40] =	vst v3;
	v40 =	vmul.f32 v9, v16  }
0xca: {  	v3 =	vld [tilespmem:s0+$0x30];
	v38 =	vmul.f32 v9, v8;
	v9 =	vmul.f32 v9, v25  }
0xcb: {  	v27 =	vand.u32 $0x7F, v55;
	v43 =	vmul.f32 v4, v24;
	v41 =	vmul.f32 v4, v26;
	v4 =	vld.idx.msk [tilespmem:v57+s7+$0x0], $0xffff;
	v16 =	vpop (erf)  }
0xcc: {  	v24 =	vshrl.u32 v50, $0x7;
	v8 =	vld.idx.msk [tilespmem:v59+s16+$0x0], $0xffff;
	[tilespmem:$0x1FF00] =	vst v9;
	v9 =	vmul.f32 v16, v23  }
0xcd: {  	v53 =	vshrl.u32 v50, $0xE;
	v24 =	vand.u32 $0x7F, v24  }
0xce: {  	v60 =	vcvt.s32.f32 v59;
	v61 =	vshrl.u32 v30, $0x7;
	v54 =	vshrl.u32 v30, $0xE;
	[tilespmem:$0x1FF10] =	vst v9  }
0xcf: {  	v30 =	vand.u32 $0x7F, v30;
	v62 =	vshrl.u32 v29, $0x7;
	v26 =	vcvt.s32.f32 v57;
	v23 =	vld [tilespmem:s0+$0xB0]  }
0xd0: {  	v63 =	vshrl.u32 v0, $0x7;
	v33 =	vshrl.u32 v0, $0xE;
	v10 =	vand.u32 $0x7F, v0;
	v25 =	vld.idx.msk [tilespmem:v27+s17+$0x0], $0xffff  }
0xd1: {  	v35 =	vand.u32 $0x7F, v63;
	v26 =	vadd.f32 v26, v28;
	v28 =	vand.u32 $0x7F, v61;
	v51 =	vld [tilespmem:s6+$0x10]  }
0xd2: {  	v3 =	vadd.f32 v60, v3;
	v44 =	vmul.f32 v16, v15;
	v4 =	vadd.f32 v4, v4;
	v15 =	vld.idx.msk [tilespmem:v24+s16+$0x0], $0xffff  }
0xd3: {  	v46 =	vmul.f32 v16, v2;
	v9 =	vshrl.u32 v49, $0x7;
	v8 =	vadd.f32 v8, v8;
	v58 =	vld [tilespmem:s0+$0xFFFFFFC0]  }
0xd4: {  	v52 =	vcvt.s32.f32 v35;
	v9 =	vand.u32 $0x7F, v9;
	v32 =	vld [tilespmem:s0+$0xFFFFFFE0];
	v4 =	vmul.f32 v26, v4  }
0xd5: {  	v50 =	vand.u32 $0x7F, v50;
	v27 =	vcvt.s32.f32 v27;
	v57 =	vld [tilespmem:s0+$0xFFFFFF40];
	v3 =	vmul.f32 v3, v8  }
0xd6: {  	v24 =	vcvt.s32.f32 v24;
	v26 =	vand.u32 $0x7F, v62;
	v14 =	vld.idx.msk [tilespmem:v28+s16+$0x0], $0xffff;
	v37 =	vadd.f32 v4, v5  }
0xd7: {  	v0 =	vld [tilespmem:s0+$0xFFFFFFD0];
	v28 =	vcvt.s32.f32 v28;
	v36 =	vadd.f32 v3, v6;
	v23 =	vadd.f32 v27, v23  }
0xd8: {  	v8 =	vadd.f32 v25, v25;
	v25 =	vld [tilespmem:s6+$0x20];
	v27 =	vshrl.u32 v51, $0x7;
	v52 =	vadd.f32 v52, v58  }
0xd9: {  	v11 =	vld.idx.msk [tilespmem:v9+s16+$0x0], $0xffff;
	v9 =	vcvt.s32.f32 v9;
	v15 =	vadd.f32 v15, v15;
	v24 =	vadd.f32 v24, v32  }
0xda: {  	v58 =	vld.idx.msk [tilespmem:v54+s7+$0x0], $0xffff;
	v54 =	vcvt.s32.f32 v54;
	v2 =	vand.u32 $0x7F, v27;
	v16 =	vmul.f32 v36, v36  }
0xdb: {  	v62 =	vld [tilespmem:s0+$0xFFFFFF50];
	v14 =	vadd.f32 v14, v14;
	v3 =	vmul.f32 v23, v8;
	v15 =	vmul.f32 v24, v15  }
0xdc: {  	v23 =	vld.idx.msk [tilespmem:v26+s16+$0x0], $0xffff;
	v0 =	vadd.f32 v9, v0;
	v9 =	vcvt.s32.f32 v53;
	v26 =	vcvt.s32.f32 v26  }
0xdd: {  	v27 =	vld.idx.msk [tilespmem:v35+s16+$0x0], $0xffff;
	v8 =	vpop (erf);
	v39 =	vadd.f32 v3, v7;
	v3 =	vmul.f32 v37, v37;
	v15 =	vadd.f32 v15, v6  }
0xde: {  	v35 =	vld [tilespmem:s0+$0xFFFFFF60];
	v48 =	vmul.f32 v8, v56;
	v45 =	vmul.f32 v8, v1;
	v1 =	vshrl.u32 v25, $0x7  }
0xdf: {  	v53 =	vld.idx.msk [tilespmem:v53+s7+$0x0], $0xffff;
	v47 =	vmul.f32 v8, v13;
	v8 =	vshrl.u32 v49, $0xE;
	v61 =	vshrl.u32 v25, $0xE  }
0xe0: {  	v49 =	vand.u32 $0x7F, v49;
	v56 =	vld.idx.msk [tilespmem:v33+s7+$0x0], $0xffff;
	v25 =	vand.u32 $0x7F, v25;
	v11 =	vadd.f32 v11, v11  }
0xe1: {  	v58 =	vadd.f32 v58, v58;
	v3 =	vadd.f32 v16, v3;
	v16 =	vmul.f32 v39, v39;
	v55 =	vld.idx.msk [tilespmem:v2+s16+$0x0], $0xffff  }
0xe2: {  	v13 =	vand.u32 $0x7F, v1;
	v27 =	vadd.f32 v27, v27;
	v0 =	vmul.f32 v0, v11;
	v11 =	vld [tilespmem:s0+$0xFFFFFF80]  }
0xe3: {  	v34 =	vcvt.s32.f32 v8;
	v12 =	vadd.f32 v16, v3;
	v3 =	vcvt.s32.f32 v33;
	v33 =	vld [tilespmem:s0+$0xFFFFFF70]  }
0xe4: {  	v1 =	vshrl.u32 v29, $0xE;
	v27 =	vmul.f32 v52, v27;
	v52 =	vcvt.s32.f32 v50;
	v50 =	vld.idx.msk [tilespmem:v50+s17+$0x0], $0xffff  }
0xe5: {  	v9 =	vadd.f32 v9, v35;
	v2 =	vcvt.s32.f32 v2;
	v53 =	vadd.f32 v53, v53;
	v8 =	vld.idx.msk [tilespmem:v8+s7+$0x0], $0xffff  }
0xe6: {  	v16 =	vshrl.u32 v51, $0xE;
	v3 =	vadd.f32 v3, v57;
	v57 =	vadd.f32 v34, v62;
	v34 =	vld [tilespmem:s0+$0xFFFFFFF0]  }
0xe7: {  	v24 =	vcvt.s32.f32 v61;
	v23 =	vadd.f32 v23, v23;
	v18 =	vmul.f32 v9, v53;
	v61 =	vld.idx.msk [tilespmem:v61+s7+$0x0], $0xffff  }
0xe8: {  	v59 =	vshra.s32 v12, $0x1;
	v60 =	vmul.f32 $5.000000000e-01, v12;
	v56 =	vadd.f32 v56, v56;
	v63 =	vld.idx.msk [tilespmem:v13+s16+$0x0], $0xffff  }
0xe9: {  	v59 =	vsub.s32 $0x5F3759DF, v59;
	v13 =	vcvt.s32.f32 v13;
	v35 =	vld.idx.msk [tilespmem:v1+s7+$0x0], $0xffff;
	v1 =	vcvt.s32.f32 v1  }
0xea: {  	v51 =	vand.u32 $0x7F, v51;
	v4 =	vmul.f32 v59, v60;
	v56 =	vmul.f32 v3, v56;
	v3 =	vld [tilespmem:s0+$0x0]  }
0xeb: {  	v55 =	vadd.f32 v55, v55;
	v54 =	vadd.f32 v54, v33;
	v32 =	vld.idx.msk [tilespmem:v16+s7+$0x0], $0xffff;
	v16 =	vcvt.s32.f32 v16  }
0xec: {  	v33 =	vld [tilespmem:s0+$0xFFFFFF90];
	v1 =	vadd.f32 v1, v11;
	v4 =	vmul.f32 v59, v4;
	v56 =	vadd.f32 v56, v5  }
0xed: {  	v11 =	vld [tilespmem:s0+$0x10];
	v8 =	vadd.f32 v8, v8;
	v28 =	vadd.f32 v28, v34;
	v54 =	vmul.f32 v54, v58  }
0xee: {  	v58 =	vcvt.s32.f32 v49;
	v49 =	vld.idx.msk [tilespmem:v49+s17+$0x0], $0xffff;
	v61 =	vadd.f32 v61, v61;
	v4 =	vsub.f32 $1.500000000e+00, v4  }
0xef: {  	v62 =	vadd.f32 v35, v35;
	v19 =	vmul.f32 v57, v8;
	v14 =	vmul.f32 v28, v14;
	v28 =	vld [tilespmem:s0+$0xFFFFFFA0]  }
0xf0: {  	v57 =	vcvt.s32.f32 v10;
	v3 =	vadd.f32 v26, v3;
	v26 =	vld [tilespmem:s0+$0x20];
	v4 =	vmul.f32 v59, v4  }
0xf1: {  	v10 =	vld.idx.msk [tilespmem:v10+s17+$0x0], $0xffff;
	v59 =	vadd.f32 v32, v32;
	v16 =	vadd.f32 v16, v33;
	v17 =	vmul.f32 v1, v62  }
0xf2: {  	v62 =	vcvt.s32.f32 v30;
	v2 =	vadd.f32 v2, v11;
	v11 =	vcvt.s32.f32 v51;
	v30 =	vld.idx.msk [tilespmem:v30+s17+$0x0], $0xffff  }
0xf3: {  	v63 =	vadd.f32 v63, v63;
	v1 =	vcvt.s32.f32 v25;
	v25 =	vld.idx.msk [tilespmem:v25+s17+$0x0], $0xffff;
	v34 =	vmul.f32 v4, v60  }
0xf4: {  	v9 =	vmul.f32 v16, v59;
	v59 =	vadd.f32 v27, v6;
	v27 =	vld.idx.msk [tilespmem:v51+s17+$0x0], $0xffff;
	v16 =	vadd.f32 v0, v6  }
0xf5: {  	v2 =	vmul.f32 v2, v55;
	v0 =	vld [tilespmem:s0+$0x40];
	v49 =	vadd.f32 v49, v49;
	v51 =	vadd.f32 v50, v50  }
0xf6: {  	v53 =	vmul.f32 v34, v4;
	v13 =	vadd.f32 v13, v26;
	v10 =	vadd.f32 v10, v10;
	v26 =	vld [tilespmem:s0+$0x50]  }
0xf7: {  	v29 =	vand.u32 $0x7F, v29;
	v20 =	vadd.f32 v2, v6;
	v21 =	vadd.f32 v9, v5  }
0xf8: {  	v3 =	vmul.f32 v3, v23;
	v55 =	vld [tilespmem:s0+$0x60];
	v30 =	vadd.f32 v30, v30;
	v53 =	vsub.f32 $1.500000000e+00, v53  }
0xf9: {  	v32 =	vld [tilespmem:s0+$0x70];
	v23 =	vcvt.s32.f32 v29;
	v8 =	vadd.f32 v25, v25;
	v25 =	vadd.f32 v18, v5  }
0xfa: {  	v34 =	vld [tilespmem:s0+$0x80];
	v57 =	vadd.f32 v57, v0;
	v27 =	vadd.f32 v27, v27;
	v53 =	vmul.f32 v53, v4  }
0xfb: {  	v50 =	vmul.f32 v15, v15;
	v4 =	vadd.f32 v24, v28;
	v0 =	vadd.f32 v58, v26  }
0xfc: {  	v24 =	vld.idx.msk [tilespmem:v29+s17+$0x0], $0xffff;
	v10 =	vmul.f32 v57, v10;
	v26 =	vadd.f32 v19, v5;
	v28 =	vmul.f32 v53, v60  }
0xfd: {  	v19 =	vadd.f32 v52, v55;
	v29 =	vmul.f32 v4, v61;
	v60 =	vmul.f32 v16, v16  }
0xfe: {  	v61 =	vmul.f32 v56, v56;
	v49 =	vmul.f32 v0, v49;
	v0 =	vadd.f32 v62, v32  }
0xff: {  	v18 =	vmul.f32 v19, v51;
	v19 =	vadd.f32 v23, v34;
	v23 =	vadd.f32 v17, v5  }
0x100: {  	v4 =	vmul.f32 v28, v53;
	v28 =	vmul.f32 v13, v63;
	v13 =	vadd.f32 v14, v6  }
0x101: {  	v33 =	vadd.f32 v24, v24;
	v58 =	vmul.f32 v0, v30;
	v0 =	vadd.f32 v29, v5  }
0x102: {  	v14 =	vmul.f32 v59, v59;
	v30 =	vadd.f32 v10, v7;
	v29 =	vadd.f32 v49, v7  }
0x103: {  	v63 =	vmul.f32 v25, v25;
	v35 =	vsub.f32 $1.500000000e+00, v4;
	v2 =	vadd.f32 v28, v6;
	v28 =	vld [tilespmem:s0+$0xA0]  }
0x104: {  	v4 =	vadd.f32 v3, v6;
	v57 =	vmul.f32 v13, v13;
	v17 =	vmul.f32 v19, v33  }
0x105: {  	v14 =	vadd.f32 v14, v61;
	v19 =	vmul.f32 v20, v20;
	v24 =	vmul.f32 v35, v53;
	v35 =	vld [tilespmem:s0+$0x90]  }
0x106: {  	v50 =	vadd.f32 v50, v63;
	v33 =	vmul.f32 v21, v21;
	v34 =	vmul.f32 v0, v0  }
0x107: {  	v61 =	vmul.f32 v29, v29;
	v12 =	vmul.f32 v24, v12;
	v24 =	vadd.f32 v54, v5  }
0x108: {  	v62 =	vmul.f32 v2, v2;
	v10 =	vadd.f32 v17, v7;
	v28 =	vadd.f32 v1, v28  }
0x109: {  	v17 =	vmul.f32 v23, v23;
	v19 =	vadd.f32 v19, v33;
	v32 =	vmul.f32 v24, v24  }
0x10a: {  	v12 =	vadd.f32 $9.999999930e-09, v12;
	v11 =	vadd.f32 v11, v35;
	v1 =	vmul.f32 v28, v8  }
0x10b: {  	v28 =	vadd.f32 v18, v7;
	v18 =	vmul.f32 v26, v26;
	v35 =	vmul.f32 v30, v30  }
0x10c: {  	v51 =	vadd.f32 v57, v32;
	v9 =	vmul.f32 v11, v27;
	v27 =	vadd.f32 v58, v7  }
0x10d: {  	v8 =	vmovc v0;
	v11 =	vmul.f32 v4, v4;
	v0 =	vadd.f32 v1, v7;
	v18 =	vadd.f32 v60, v18  }
0x10e: {  	(erf) = vrcp.f32 v12;
	v52 =	vadd.f32 v35, v14;
	v14 =	vadd.f32 v62, v34  }
0x10f: {  	[tilespmem:$0x1FEE0] =	vst v2;
	v2 =	vadd.f32 v9, v7;
	v11 =	vadd.f32 v11, v17;
	v17 =	vmul.f32 v28, v28  }
0x110: {  	v49 =	vmul.f32 v27, v27;
	v53 =	vadd.f32 v61, v18;
	v62 =	vshra.s32 v52, $0x1  }
0x111: {  	v18 =	vmul.f32 v10, v10;
	v55 =	vmul.f32 $5.000000000e-01, v52;
	v54 =	vsub.s32 $0x5F3759DF, v62  }
0x112: {  	v63 =	vshra.s32 v53, $0x1;
	v58 =	vmul.f32 $5.000000000e-01, v53;
	v34 =	vadd.f32 v17, v50  }
0x113: {  	v35 =	vmul.f32 v54, v55;
	v60 =	vmul.f32 v2, v2;
	v50 =	vsub.s32 $0x5F3759DF, v63  }
0x114: {  	v61 =	vmul.f32 v0, v0;
	v49 =	vadd.f32 v49, v51;
	v51 =	vmul.f32 v50, v58  }
0x115: {  	v33 =	vadd.f32 v18, v11;
	v57 =	vmul.f32 v54, v35;
	v35 =	vadd.f32 v60, v19  }
0x116: {  	v60 =	vmul.f32 $5.000000000e-01, v49;
	v63 =	vshra.s32 v49, $0x1;
	v19 =	vmul.f32 v50, v51  }
0x117: {  	v51 =	vadd.f32 v61, v14;
	v12 =	vsub.f32 $1.500000000e+00, v57;
	v14 =	vshra.s32 v34, $0x1  }
0x118: {  	v57 =	vmul.f32 $5.000000000e-01, v34;
	v32 =	vshra.s32 v35, $0x1;
	v31 =	vmul.f32 $5.000000000e-01, v35  }
0x119: {  	v14 =	vsub.s32 $0x5F3759DF, v14;
	v62 =	vsub.s32 $0x5F3759DF, v32;
	v19 =	vsub.f32 $1.500000000e+00, v19  }
0x11a: {  	v22 =	vmul.f32 v54, v12;
	v54 =	vsub.s32 $0x5F3759DF, v63;
	v63 =	vmul.f32 $5.000000000e-01, v33  }
0x11b: {  	v11 =	vshra.s32 v51, $0x1;
	v32 =	vmul.f32 $5.000000000e-01, v51;
	v17 =	vmul.f32 v62, v31  }
0x11c: {  	[tilespmem:$0x1FED0] =	vst v20;
	v11 =	vsub.s32 $0x5F3759DF, v11;
	v20 =	vmul.f32 v50, v19;
	v50 =	vmul.f32 v14, v57  }
0x11d: {  	v61 =	vshra.s32 v33, $0x1;
	v12 =	vmul.f32 v54, v60;
	v18 =	vmul.f32 v11, v32  }
0x11e: {  	v61 =	vsub.s32 $0x5F3759DF, v61;
	v17 =	vmul.f32 v62, v17;
	v50 =	vmul.f32 v14, v50  }
0x11f: {  	[tilespmem:$0x1FEC0] =	vst v4;
	v4 =	vmov v21;
	v21 =	vmul.f32 v54, v12;
	v12 =	vmul.f32 v61, v63  }
0x120: {  	v18 =	vmul.f32 v11, v18;
	v50 =	vsub.f32 $1.500000000e+00, v50  }
0x121: {  	v17 =	vsub.f32 $1.500000000e+00, v17;
	v19 =	vmul.f32 v61, v12;
	v12 =	vmul.f32 v20, v58  }
0x122: {  	s6 =	simm.s32 $0x6680;
	v21 =	vsub.f32 $1.500000000e+00, v21;
	v14 =	vmul.f32 v14, v50;
	v50 =	vmul.f32 v22, v55  }
0x123: {  	v9 =	vmovc v0;
	v0 =	vld [tilespmem:$0x1FEF0];
	[tilespmem:s6+$0xFFFFFF40] =	vst v43;
	v17 =	vmul.f32 v62, v17;
	v19 =	vsub.f32 $1.500000000e+00, v19;
	v12 =	vmul.f32 v12, v20  }
0x124: {  	[tilespmem:s6+$0xFFFFFFC0] =	vst v42;
	v18 =	vsub.f32 $1.500000000e+00, v18;
	v21 =	vmul.f32 v54, v21;
	v50 =	vmul.f32 v50, v22  }
0x125: {  	[tilespmem:s6+$0x40] =	vst v41;
	v19 =	vmul.f32 v61, v19;
	v12 =	vsub.f32 $1.500000000e+00, v12;
	v61 =	vmul.f32 v14, v57  }
0x126: {  	[tilespmem:s6+$0xFFFFFF50] =	vst v40;
	v11 =	vmul.f32 v11, v18;
	v54 =	vmul.f32 v21, v60;
	v18 =	vsub.f32 $1.500000000e+00, v50  }
0x127: {  	[tilespmem:s6+$0xFFFFFFD0] =	vst v38;
	v12 =	vmul.f32 v12, v20;
	v20 =	vmul.f32 v61, v14  }
0x128: {  	[tilespmem:s6+$0xB0] =	vst v0;
	v50 =	vmul.f32 v19, v63;
	v18 =	vmul.f32 v18, v22  }
0x129: {  	v0 =	vld [tilespmem:$0x1FF00];
	v22 =	vmul.f32 v54, v21;
	v54 =	vmul.f32 v17, v31  }
0x12a: {  	v50 =	vmul.f32 v50, v19;
	v20 =	vsub.f32 $1.500000000e+00, v20  }
0x12b: {  	v54 =	vmul.f32 v54, v17  }
0x12c: {  	v14 =	vmul.f32 v20, v14;
	v20 =	vsub.f32 $1.500000000e+00, v50  }
0x12d: {  	v50 =	vsub.f32 $1.500000000e+00, v54  }
0x12e: {  	[tilespmem:s6+$0x50] =	vst v0;
	v19 =	vmul.f32 v20, v19  }
0x12f: {  	v0 =	vld [tilespmem:$0x1FF10];
	v20 =	vmul.f32 v12, v58;
	v17 =	vmul.f32 v50, v17  }
0x130: {  	[tilespmem:s6+$0xFFFFFFE0] =	vst v46  }
0x131: {  	[tilespmem:s6+$0x60] =	vst v44;
	v20 =	vmul.f32 v20, v12;
	v31 =	vmul.f32 v17, v31  }
0x132: {  	[tilespmem:s6+$0xFFFFFF70] =	vst v48  }
0x133: {  	[tilespmem:s6+$0xFFFFFFF0] =	vst v45;
	v20 =	vsub.f32 $1.500000000e+00, v20;
	v31 =	vmul.f32 v31, v17  }
0x134: {  	[tilespmem:s6+$0xFFFFFF60] =	vst v0  }
0x135: {  	v0 =	vld [tilespmem:$0x1FF20];
	v12 =	vmul.f32 v20, v12;
	v20 =	vsub.f32 $1.500000000e+00, v31;
	_ =	sdelay $0x2  }
0x136: {  	v61 =	vmul.f32 v11, v32  }
0x137: {  	v17 =	vmul.f32 v20, v17;
	v20 =	vpop (erf)  }
0x138: {  	v61 =	vmul.f32 v61, v11;
	v22 =	vsub.f32 $1.500000000e+00, v22;
	v31 =	vmul.f32 v20, v0  }
0x139: {  	[tilespmem:s6+$0x70] =	vst v47  }
0x13a: {  	v21 =	vmul.f32 v22, v21;
	v22 =	vsub.f32 $1.500000000e+00, v61;
	[tilespmem:s6+$0xFFFFFF80] =	vst v31  }
0x13b: {  	v55 =	vmul.f32 v18, v55;
	v0 =	vld [tilespmem:$0x1FF30]  }
0x13c: {  	v11 =	vmul.f32 v22, v11;
	v22 =	vmul.f32 v14, v57  }
0x13d: {  	v55 =	vmul.f32 v55, v18  }
0x13e: {  	v32 =	vmul.f32 v11, v32;
	v22 =	vmul.f32 v22, v14;
	_ =	sdelay $0x1  }
0x13f: {  	v62 =	vsub.f32 $1.500000000e+00, v55;
	v22 =	vsub.f32 $1.500000000e+00, v22;
	v32 =	vmul.f32 v32, v11;
	[tilespmem:s6+$0xFFFFFFB0] =	vst v0  }
0x140: {  	v55 =	vmul.f32 v21, v60;
	v0 =	vld [tilespmem:$0x1FF40]  }
0x141: {  	v18 =	vmul.f32 v62, v18;
	v14 =	vmul.f32 v22, v14;
	v22 =	vsub.f32 $1.500000000e+00, v32;
	_ =	sdelay $0x1  }
0x142: {  	v58 =	vmul.f32 v55, v21;
	v18 =	vmul.f32 v18, v52  }
0x143: {  	v12 =	vmul.f32 v12, v53  }
0x144: {  	v61 =	vsub.f32 $1.500000000e+00, v58;
	v18 =	vadd.f32 $9.999999930e-09, v18;
	v11 =	vmul.f32 v22, v11;
	v22 =	vpop (erf);
	[tilespmem:s6+$0x30] =	vst v0  }
0x145: {  	v57 =	vmul.f32 v19, v63;
	v12 =	vadd.f32 $9.999999930e-09, v12;
	v63 =	vpop (erf);
	v0 =	vld [tilespmem:$0x1FF50]  }
0x146: {  	v21 =	vmul.f32 v61, v21;
	(erf) = vrcp.f32 v18;
	v31 =	vpop (erf)  }
0x147: {  	(erf) = vrcp.f32 v12;
	v12 =	vmul.f32 v31, v39  }
0x148: {  	s3 =	simm.s32 $0x6800;
	v21 =	vmul.f32 v21, v49  }
0x149: {  	[tilespmem:s3+$0xB0] =	vst v12  }
0x14a: {  	v18 =	vadd.f32 $9.999999930e-09, v21;
	v21 =	vmul.f32 v20, v0;
	v0 =	vld [tilespmem:$0x1FF60];
	_ =	sdelay $0x3  }
0x14b: {  	[tilespmem:s6+$0x0] =	vst v21  }
0x14c: {  	v14 =	vmul.f32 v14, v34;
	v12 =	vmul.f32 v20, v0;
	v0 =	vld [tilespmem:$0x1FF70];
	_ =	sdelay $0x1  }
0x14d: {  	v14 =	vadd.f32 $9.999999930e-09, v14;
	_ =	sdelay $0x1  }
0x14e: {  	v60 =	vmul.f32 v57, v19;
	(erf) = vrcp.f32 v14;
	[tilespmem:s6+$0x80] =	vst v12  }
0x14f: {  	(erf) = vrcp.f32 v18;
	v18 =	vmul.f32 v22, v0;
	v0 =	vld [tilespmem:$0x1FF80];
	_ =	sdelay $0x1  }
0x150: {  	v62 =	vsub.f32 $1.500000000e+00, v60;
	_ =	sdelay $0x1  }
0x151: {  	v19 =	vmul.f32 v62, v19;
	[tilespmem:s6+$0xFFFFFF90] =	vst v18  }
0x152: {  	v12 =	vmul.f32 v22, v0;
	v0 =	vld [tilespmem:$0x1FF90]  }
0x153: {  	v19 =	vmul.f32 v19, v33;
	_ =	sdelay $0x1  }
0x154: {  	v14 =	vadd.f32 $9.999999930e-09, v19  }
0x155: {  	[tilespmem:s6+$0x10] =	vst v12  }
0x156: {  	(erf) = vrcp.f32 v14;
	v14 =	vmul.f32 v22, v0;
	v0 =	vld [tilespmem:$0x1FFA0];
	_ =	sdelay $0x3  }
0x157: {  	[tilespmem:s6+$0x90] =	vst v14  }
0x158: {  	v12 =	vmul.f32 v63, v0;
	v0 =	vld [tilespmem:$0x1FFB0];
	_ =	sdelay $0x2  }
0x159: {  	v17 =	vmul.f32 v17, v35  }
0x15a: {  	v11 =	vmul.f32 v11, v51  }
0x15b: {  	v17 =	vadd.f32 $9.999999930e-09, v17;
	v14 =	vmul.f32 v63, v0;
	v0 =	vld [tilespmem:$0x1FFC0]  }
0x15c: {  	v11 =	vadd.f32 $9.999999930e-09, v11  }
0x15d: {  	(erf) = vrcp.f32 v17  }
0x15e: {  	v17 =	vmul.f32 v31, v36;
	(erf) = vrcp.f32 v11;
	v21 =	vpop (erf)  }
0x15f: {  	v3 =	vmov v10;
	v20 =	vmul.f32 v21, v56;
	v18 =	vmul.f32 v31, v37;
	[tilespmem:s6+$0xFFFFFFA0] =	vst v12  }
0x160: {  	s4 =	simm.s32 $0x8;
	s5 =	simm.s32 $0x300;
	v10 =	vmov v2;
	v12 =	vmul.f32 v21, v59;
	[tilespmem:s6+$0x20] =	vst v14;
	v14 =	vpop (erf);
	v11 =	vmul.f32 v63, v0  }
.LBB2_3:
0x161: {  	v19 =	vld [tilespmem:s5+$0x30]  }
0x162: {  	v21 =	vmul.f32 v21, v30;
	v30 =	vld [tilespmem:s5+$0xFFFFFFD0]  }
0x163: {  	v31 =	vld [tilespmem:s5+$0xFFFFFFF0]  }
0x164: {  	s0 =	sadd.s32 $0x180, s0;
	[tilespmem:s3+$0xFFFFFF40] =	vst v20;
	v20 =	vmul.f32 v14, v29;
	v29 =	vld [tilespmem:s5+$0xFFFFFFE0]  }
0x165: {  	v22 =	vmul.f32 v14, v26;
	v26 =	vpop (erf);
	v16 =	vmul.f32 v14, v16;
	[tilespmem:s6+$0xA0] =	vst v11;
	v38 =	vld [tilespmem:s0+$0xFFFFFFB0]  }
0x166: {  	v11 =	vpop (erf);
	[tilespmem:s3+$0xFFFFFFC0] =	vst v12;
	v25 =	vmul.f32 v26, v25;
	v15 =	vmul.f32 v26, v15;
	v40 =	vld [tilespmem:s0+$0x30]  }
0x167: {  	v48 =	vld [tilespmem:s0+$0xB0];
	[tilespmem:s3+$0x40] =	vst v21;
	v21 =	vmul.f32 v26, v28;
	v24 =	vmul.f32 v11, v24  }
0x168: {  	v14 =	vpop (erf);
	v26 =	vld [tilespmem:s5+$0x0];
	[tilespmem:s3+$0xFFFFFF50] =	vst v22;
	v13 =	vmul.f32 v11, v13;
	v22 =	vmul.f32 v11, v27  }
0x169: {  	v27 =	vld [tilespmem:s5+$0x10];
	[tilespmem:s3+$0xFFFFFFD0] =	vst v16;
	v16 =	vmul.f32 v14, v23;
	v28 =	vshrl.u32 v19, $0x7;
	v32 =	vshrl.u32 v19, $0xE  }
0x16a: {  	v34 =	vld [tilespmem:s5+$0x20];
	[tilespmem:s3+$0x50] =	vst v20;
	v23 =	vshrl.u32 v30, $0x7;
	v33 =	vshrl.u32 v30, $0xE;
	v37 =	vand.u32 $0x7F, v19  }
0x16b: {  	v20 =	vld [tilespmem:s5+$0xFFFFFFC0];
	[tilespmem:s3+$0x60] =	vst v21;
	v56 =	vshrl.u32 v31, $0x7;
	v39 =	vshrl.u32 v31, $0xE;
	v28 =	vand.u32 $0x7F, v28  }
0x16c: {  	v54 =	vld [tilespmem:s0+$0xFFFFFFC0];
	[tilespmem:s3+$0xFFFFFF80] =	vst v16;
	v21 =	vand.u32 $0x7F, v30;
	v23 =	vand.u32 $0x7F, v23;
	v35 =	vshrl.u32 v29, $0x7  }
0x16d: {  	[tilespmem:s3+$0xFFFFFF60] =	vst v25;
	v36 =	vshrl.u32 v29, $0xE;
	v0 =	vld [tilespmem:s0+$0xFFFFFF80];
	v25 =	vand.u32 $0x7F, v35;
	v35 =	vand.u32 $0x7F, v56  }
0x16e: {  	[tilespmem:s3+$0xFFFFFFE0] =	vst v15;
	v15 =	vshrl.u32 v26, $0x7;
	v42 =	vshrl.u32 v26, $0xE;
	v44 =	vshrl.u32 v27, $0xE;
	v43 =	vld.idx.msk [tilespmem:v32+s7+$0x0], $0xffff  }
0x16f: {  	v49 =	vshrl.u32 v34, $0xE;
	v41 =	vand.u32 $0x7F, v15;
	v15 =	vshrl.u32 v27, $0x7;
	v50 =	vld.idx.msk [tilespmem:v37+s17+$0x0], $0xffff  }
0x170: {  	[tilespmem:s3+$0xFFFFFFF0] =	vst v13;
	v13 =	vshrl.u32 v20, $0x7;
	v46 =	vshrl.u32 v20, $0xE;
	v19 =	vand.u32 $0x7F, v20;
	v45 =	vld.idx.msk [tilespmem:v28+s16+$0x0], $0xffff  }
0x171: {  	[tilespmem:s3+$0xFFFFFF70] =	vst v24;
	v24 =	vand.u32 $0x7F, v15;
	v15 =	vshrl.u32 v34, $0x7;
	v20 =	vand.u32 $0x7F, v13;
	v30 =	vld.idx.msk [tilespmem:v23+s16+$0x0], $0xffff  }
0x172: {  	v13 =	vand.u32 $0x7F, v26;
	v47 =	vand.u32 $0x7F, v15;
	v15 =	vcvt.s32.f32 v32;
	v63 =	vld.idx.msk [tilespmem:v36+s7+$0x0], $0xffff  }
0x173: {  	[tilespmem:s3+$0x70] =	vst v22;
	v22 =	vand.u32 $0x7F, v29;
	v32 =	vcvt.s32.f32 v41;
	v1 =	vcvt.s32.f32 v13;
	v29 =	vld.idx.msk [tilespmem:v25+s16+$0x0], $0xffff  }
0x174: {  	v16 =	vand.u32 $0x7F, v31;
	v28 =	vcvt.s32.f32 v28;
	v36 =	vcvt.s32.f32 v36;
	v51 =	vld.idx.msk [tilespmem:v42+s7+$0x0], $0xffff  }
0x175: {  	[tilespmem:s3+$0x30] =	vst v17;
	v17 =	vadd.f32 v15, v38;
	v25 =	vcvt.s32.f32 v25;
	v52 =	vld.idx.msk [tilespmem:v44+s7+$0x0], $0xffff;
	v42 =	vcvt.s32.f32 v42  }
0x176: {  	v15 =	vand.u32 $0x7F, v27;
	v53 =	vld.idx.msk [tilespmem:v49+s7+$0x0], $0xffff;
	v44 =	vcvt.s32.f32 v44;
	v49 =	vcvt.s32.f32 v49  }
0x177: {  	[tilespmem:s3+$0xFFFFFFB0] =	vst v18;
	v26 =	vld.idx.msk [tilespmem:v35+s16+$0x0], $0xffff;
	v18 =	vadd.f32 v28, v40;
	v28 =	vcvt.s32.f32 v37;
	v40 =	vcvt.s32.f32 v20  }
0x178: {  	v62 =	vld.idx.msk [tilespmem:v46+s7+$0x0], $0xffff;
	v46 =	vcvt.s32.f32 v46;
	v0 =	vadd.f32 v42, v0;
	v27 =	vadd.f32 v43, v43  }
0x179: {  	v31 =	vld.idx.msk [tilespmem:v41+s16+$0x0], $0xffff;
	v2 =	vcvt.s32.f32 v15;
	v28 =	vadd.f32 v28, v48;
	v61 =	vadd.f32 v50, v50  }
0x17a: {  	v41 =	vld [tilespmem:s0+$0xFFFFFF40];
	v43 =	vcvt.s32.f32 v23;
	v40 =	vadd.f32 v40, v54;
	v57 =	vadd.f32 v45, v45  }
0x17b: {  	v58 =	vld.idx.msk [tilespmem:v20+s16+$0x0], $0xffff;
	v30 =	vadd.f32 v30, v30;
	v17 =	vmul.f32 v17, v27;
	v23 =	vmul.f32 v28, v61  }
0x17c: {  	v59 =	vld.idx.msk [tilespmem:v24+s16+$0x0], $0xffff;
	v28 =	vadd.f32 v29, v29;
	v29 =	vcvt.s32.f32 v35;
	v26 =	vadd.f32 v26, v26  }
0x17d: {  	v50 =	vld.idx.msk [tilespmem:v39+s7+$0x0], $0xffff;
	v35 =	vadd.f32 v63, v63;
	v51 =	vadd.f32 v51, v51;
	v27 =	vmul.f32 v18, v57  }
0x17e: {  	v20 =	vand.u32 $0x7F, v34;
	v54 =	vld [tilespmem:s0+$0xFFFFFF70];
	v52 =	vadd.f32 v52, v52;
	v53 =	vadd.f32 v53, v53  }
0x17f: {  	v24 =	vcvt.s32.f32 v24;
	v45 =	vld.idx.msk [tilespmem:v47+s16+$0x0], $0xffff;
	v18 =	vadd.f32 v17, v5;
	v17 =	vadd.f32 v27, v6  }
0x180: {  	v39 =	vcvt.s32.f32 v39;
	v31 =	vadd.f32 v31, v31;
	v48 =	vadd.f32 v62, v62;
	v57 =	vld [tilespmem:s0+$0xFFFFFF50]  }
0x181: {  	v62 =	vld [tilespmem:s0+$0xFFFFFFE0];
	v37 =	vadd.f32 v23, v7;
	v23 =	vmul.f32 v18, v18;
	v60 =	vmul.f32 v17, v17  }
0x182: {  	v47 =	vcvt.s32.f32 v47;
	v41 =	vadd.f32 v46, v41;
	v38 =	vadd.f32 v58, v58;
	v58 =	vld [tilespmem:s0+$0xFFFFFFD0]  }
0x183: {  	v63 =	vld [tilespmem:s0+$0xFFFFFFF0];
	v46 =	vcvt.s32.f32 v21;
	v61 =	vmul.f32 v37, v37;
	v23 =	vadd.f32 v60, v23  }
0x184: {  	v34 =	vadd.f32 v59, v59;
	v0 =	vmul.f32 v0, v51;
	v27 =	vld.idx.msk [tilespmem:v33+s7+$0x0], $0xffff;
	v33 =	vcvt.s32.f32 v33  }
0x185: {  	v39 =	vadd.f32 v39, v54;
	v41 =	vmul.f32 v41, v48;
	v54 =	vld.idx.msk [tilespmem:v16+s17+$0x0], $0xffff;
	v23 =	vadd.f32 v61, v23  }
0x186: {  	v38 =	vmul.f32 v40, v38;
	v40 =	vld [tilespmem:s0+$0xFFFFFF90];
	v33 =	vadd.f32 v33, v57;
	v25 =	vadd.f32 v25, v62  }
0x187: {  	v43 =	vadd.f32 v43, v58;
	v61 =	vld [tilespmem:s0+$0xFFFFFF60];
	v55 =	vshra.s32 v23, $0x1;
	v56 =	vmul.f32 $5.000000000e-01, v23  }
0x188: {  	v25 =	vmul.f32 v25, v28;
	v28 =	vadd.f32 v29, v63;
	v29 =	vld [tilespmem:s0+$0xFFFFFFA0];
	v55 =	vsub.s32 $0x5F3759DF, v55  }
0x189: {  	v27 =	vadd.f32 v27, v27;
	v30 =	vmul.f32 v43, v30;
	v43 =	vld [tilespmem:s0+$0x10];
	v59 =	vmul.f32 v55, v56  }
0x18a: {  	v50 =	vadd.f32 v50, v50;
	v57 =	vcvt.s32.f32 v22;
	v22 =	vld.idx.msk [tilespmem:v22+s17+$0x0], $0xffff;
	v60 =	vcvt.s32.f32 v19  }
0x18b: {  	v45 =	vadd.f32 v45, v45;
	v27 =	vmul.f32 v33, v27;
	v33 =	vld [tilespmem:s0+$0x20];
	v59 =	vmul.f32 v55, v59  }
0x18c: {  	v58 =	vcvt.s32.f32 v16;
	v16 =	vadd.f32 v30, v6;
	v36 =	vadd.f32 v36, v61;
	v61 =	vld [tilespmem:s0+$0x0]  }
0x18d: {  	v26 =	vmul.f32 v28, v26;
	v30 =	vld.idx.msk [tilespmem:v15+s17+$0x0], $0xffff;
	v15 =	vadd.f32 v25, v6;
	v59 =	vsub.f32 $1.500000000e+00, v59  }
0x18e: {  	v63 =	vld.idx.msk [tilespmem:v19+s17+$0x0], $0xffff;
	v28 =	vmul.f32 v39, v50;
	v29 =	vadd.f32 v49, v29;
	v24 =	vadd.f32 v24, v43  }
0x18f: {  	v21 =	vld.idx.msk [tilespmem:v21+s17+$0x0], $0xffff;
	v44 =	vadd.f32 v44, v40;
	v48 =	vmul.f32 v15, v15;
	v55 =	vmul.f32 v55, v59  }
0x190: {  	v39 =	vadd.f32 v54, v54;
	v29 =	vmul.f32 v29, v53;
	v24 =	vmul.f32 v24, v34  }
0x191: {  	v19 =	vadd.f32 v32, v61;
	v61 =	vld.idx.msk [tilespmem:v13+s17+$0x0], $0xffff;
	v13 =	vadd.f32 v47, v33;
	v62 =	vmul.f32 v55, v56  }
0x192: {  	v35 =	vmul.f32 v36, v35;
	v33 =	vadd.f32 v22, v22;
	v22 =	vadd.f32 v24, v6;
	v24 =	vld [tilespmem:s0+$0x80]  }
0x193: {  	v34 =	vadd.f32 v63, v63;
	v59 =	vcvt.s32.f32 v20;
	v20 =	vld.idx.msk [tilespmem:v20+s17+$0x0], $0xffff;
	v62 =	vmul.f32 v62, v55  }
0x194: {  	v32 =	vmul.f32 v44, v52;
	v52 =	vadd.f32 v21, v21;
	v31 =	vmul.f32 v19, v31  }
0x195: {  	v63 =	vld [tilespmem:s0+$0x40];
	v44 =	vmul.f32 v16, v16;
	v19 =	vadd.f32 v38, v6;
	v50 =	vsub.f32 $1.500000000e+00, v62  }
0x196: {  	v25 =	vmul.f32 v13, v45;
	v13 =	vadd.f32 v26, v6;
	v26 =	vld [tilespmem:s0+$0x50];
	v31 =	vadd.f32 v31, v6  }
0x197: {  	v53 =	vld [tilespmem:s0+$0x60];
	v38 =	vadd.f32 v61, v61;
	v1 =	vadd.f32 v1, v24;
	v36 =	vmul.f32 v50, v55  }
0x198: {  	v43 =	vmul.f32 v19, v19;
	v61 =	vadd.f32 v20, v20;
	v20 =	vadd.f32 v41, v5  }
0x199: {  	v24 =	vadd.f32 v28, v5;
	v1 =	vmul.f32 v1, v38;
	v55 =	vld [tilespmem:s0+$0x70];
	v62 =	vmul.f32 v36, v56  }
0x19a: {  	v40 =	vmul.f32 v13, v13;
	v56 =	vadd.f32 v30, v30;
	v30 =	vadd.f32 v60, v63  }
0x19b: {  	v38 =	vadd.f32 v1, v7;
	v60 =	vld [tilespmem:s0+$0x90];
	v21 =	vmul.f32 v62, v36;
	v62 =	vadd.f32 v46, v26  }
0x19c: {  	v30 =	vmul.f32 v30, v34;
	v26 =	vadd.f32 v27, v5;
	v27 =	vadd.f32 v57, v53  }
0x19d: {  	v54 =	vsub.f32 $1.500000000e+00, v21;
	v21 =	vadd.f32 v25, v6;
	v51 =	vmul.f32 v62, v52  }
0x19e: {  	v52 =	vadd.f32 v58, v55;
	v27 =	vmul.f32 v27, v33;
	v33 =	vadd.f32 v32, v5  }
0x19f: {  	v32 =	vadd.f32 v29, v5;
	v55 =	vmul.f32 v22, v22;
	v58 =	vmul.f32 v26, v26  }
0x1a0: {  	v2 =	vadd.f32 v2, v60;
	v60 =	vmul.f32 v24, v24;
	v25 =	vmul.f32 v54, v36  }
0x1a1: {  	v63 =	vld [tilespmem:s0+$0xA0];
	v30 =	vadd.f32 v30, v7;
	v53 =	vmul.f32 v52, v39;
	v54 =	vmul.f32 v31, v31  }
0x1a2: {  	v29 =	vadd.f32 v51, v7;
	v57 =	vmul.f32 v21, v21;
	v23 =	vmul.f32 v25, v23  }
0x1a3: {  	v28 =	vadd.f32 v27, v7;
	v62 =	vmul.f32 v30, v30;
	v2 =	vmul.f32 v2, v56  }
0x1a4: {  	v56 =	vmul.f32 v20, v20;
	v40 =	vadd.f32 v40, v60;
	v23 =	vadd.f32 $9.999999930e-09, v23  }
0x1a5: {  	v12 =	vpop (erf);
	v25 =	vadd.f32 v35, v5;
	v27 =	vadd.f32 v53, v7;
	v51 =	vmul.f32 v29, v29  }
0x1a6: {  	v11 =	vpop (erf);
	(erf) = vrcp.f32 v23;
	v23 =	vadd.f32 v0, v5;
	v0 =	vadd.f32 v59, v63  }
0x1a7: {  	v36 =	vadd.f32 v2, v7;
	v2 =	vmul.f32 v33, v33;
	v59 =	vmul.f32 v25, v25  }
0x1a8: {  	v52 =	vmul.f32 v28, v28;
	v43 =	vadd.f32 v43, v56;
	v0 =	vmul.f32 v0, v61  }
0x1a9: {  	v2 =	vadd.f32 v55, v2;
	v1 =	vmul.f32 v23, v23;
	v63 =	vadd.f32 v48, v59  }
0x1aa: {  	v55 =	vmul.f32 v38, v38;
	v35 =	vadd.f32 v0, v7;
	v0 =	vadd.f32 v44, v58  }
0x1ab: {  	v61 =	vmul.f32 v32, v32;
	v1 =	vadd.f32 v54, v1;
	v54 =	vmul.f32 v27, v27  }
0x1ac: {  	v42 =	vadd.f32 v52, v63;
	v39 =	vadd.f32 v51, v0;
	v0 =	vmul.f32 v36, v36  }
0x1ad: {  	v53 =	vadd.f32 v57, v61;
	v56 =	vmul.f32 v35, v35;
	v40 =	vadd.f32 v54, v40  }
0x1ae: {  	v45 =	vmul.f32 $5.000000000e-01, v42;
	v41 =	vadd.f32 v0, v2;
	v0 =	vshra.s32 v39, $0x1  }
0x1af: {  	v44 =	vadd.f32 v56, v53;
	v2 =	vshra.s32 v42, $0x1;
	v58 =	vshra.s32 v40, $0x1  }
0x1b0: {  	v49 =	vmul.f32 $5.000000000e-01, v40;
	v34 =	vpop (erf);
	v0 =	vsub.s32 $0x5F3759DF, v0;
	v2 =	vsub.s32 $0x5F3759DF, v2  }
0x1b1: {  	v47 =	vsub.s32 $0x5F3759DF, v58;
	v37 =	vmul.f32 v34, v37;
	v60 =	vshra.s32 v41, $0x1  }
0x1b2: {  	s6 =	smov.u32 s3;
	s3 =	sadd.s32 $0x180, s3;
	v53 =	vmul.f32 $5.000000000e-01, v41;
	v61 =	vshra.s32 v44, $0x1;
	v58 =	vmul.f32 v2, v45  }
0x1b3: {  	v52 =	vsub.s32 $0x5F3759DF, v60;
	v54 =	vsub.s32 $0x5F3759DF, v61;
	[tilespmem:s3+$0xB0] =	vst v37;
	v37 =	vadd.f32 v62, v43  }
0x1b4: {  	v43 =	vadd.f32 v55, v1;
	v1 =	vmul.f32 $5.000000000e-01, v39;
	v55 =	vmul.f32 $5.000000000e-01, v44  }
0x1b5: {  	v61 =	vmul.f32 v52, v53;
	v58 =	vmul.f32 v2, v58;
	v57 =	vshra.s32 v37, $0x1  }
0x1b6: {  	v46 =	vmul.f32 $5.000000000e-01, v37;
	v59 =	vshra.s32 v43, $0x1;
	v51 =	vmul.f32 $5.000000000e-01, v43  }
0x1b7: {  	v62 =	vmul.f32 v54, v55;
	v48 =	vsub.s32 $0x5F3759DF, v57;
	v57 =	vmul.f32 v0, v1  }
0x1b8: {  	v61 =	vmul.f32 v52, v61;
	v58 =	vsub.f32 $1.500000000e+00, v58;
	v56 =	vmul.f32 v48, v46  }
0x1b9: {  	v50 =	vsub.s32 $0x5F3759DF, v59;
	v59 =	vmul.f32 v47, v49;
	v57 =	vmul.f32 v0, v57  }
0x1ba: {  	v2 =	vmul.f32 v2, v58;
	v56 =	vmul.f32 v48, v56  }
0x1bb: {  	v60 =	vmul.f32 v50, v51;
	v62 =	vmul.f32 v54, v62;
	v57 =	vsub.f32 $1.500000000e+00, v57  }
0x1bc: {  	v59 =	vmul.f32 v47, v59;
	v58 =	vmul.f32 v2, v45;
	v56 =	vsub.f32 $1.500000000e+00, v56  }
0x1bd: {  	v60 =	vmul.f32 v50, v60;
	v0 =	vmul.f32 v0, v57;
	v57 =	vsub.f32 $1.500000000e+00, v61  }
0x1be: {  	v58 =	vmul.f32 v58, v2;
	v48 =	vmul.f32 v48, v56;
	v56 =	vsub.f32 $1.500000000e+00, v59  }
0x1bf: {  	v59 =	vsub.f32 $1.500000000e+00, v60;
	v60 =	vsub.f32 $1.500000000e+00, v62;
	v52 =	vmul.f32 v52, v57  }
0x1c0: {  	v58 =	vsub.f32 $1.500000000e+00, v58;
	v57 =	vmul.f32 v0, v1;
	v47 =	vmul.f32 v47, v56  }
0x1c1: {  	v50 =	vmul.f32 v50, v59;
	v56 =	vmul.f32 v48, v46  }
0x1c2: {  	v54 =	vmul.f32 v54, v60;
	v2 =	vmul.f32 v58, v2  }
0x1c3: {  	v61 =	vmul.f32 v52, v53;
	v57 =	vmul.f32 v57, v0  }
0x1c4: {  	v59 =	vmul.f32 v47, v49;
	v60 =	vmul.f32 v50, v51  }
0x1c5: {  	v62 =	vmul.f32 v54, v55;
	v56 =	vmul.f32 v56, v48  }
0x1c6: {  	v45 =	vmul.f32 v2, v45;
	v61 =	vmul.f32 v61, v52;
	v57 =	vsub.f32 $1.500000000e+00, v57  }
0x1c7: {  	v59 =	vmul.f32 v59, v47;
	v56 =	vsub.f32 $1.500000000e+00, v56;
	v60 =	vmul.f32 v60, v50  }
0x1c8: {  	v62 =	vmul.f32 v62, v54;
	v0 =	vmul.f32 v57, v0;
	v57 =	vsub.f32 $1.500000000e+00, v61  }
0x1c9: {  	v45 =	vmul.f32 v45, v2;
	v48 =	vmul.f32 v56, v48  }
0x1ca: {  	v56 =	vsub.f32 $1.500000000e+00, v59;
	v59 =	vsub.f32 $1.500000000e+00, v60;
	v52 =	vmul.f32 v57, v52  }
0x1cb: {  	v60 =	vsub.f32 $1.500000000e+00, v62;
	v1 =	vmul.f32 v0, v1;
	v46 =	vmul.f32 v48, v46  }
0x1cc: {  	v45 =	vsub.f32 $1.500000000e+00, v45;
	v47 =	vmul.f32 v56, v47;
	v50 =	vmul.f32 v59, v50  }
0x1cd: {  	v54 =	vmul.f32 v60, v54;
	v46 =	vmul.f32 v46, v48  }
0x1ce: {  	v2 =	vmul.f32 v45, v2;
	v1 =	vmul.f32 v1, v0  }
0x1cf: {  	v53 =	vmul.f32 v52, v53;
	v49 =	vmul.f32 v47, v49;
	v46 =	vsub.f32 $1.500000000e+00, v46  }
0x1d0: {  	v51 =	vmul.f32 v50, v51;
	v55 =	vmul.f32 v54, v55;
	v1 =	vsub.f32 $1.500000000e+00, v1  }
0x1d1: {  	v2 =	vmul.f32 v2, v42;
	v46 =	vmul.f32 v46, v48  }
0x1d2: {  	v53 =	vmul.f32 v53, v52;
	v0 =	vmul.f32 v1, v0  }
0x1d3: {  	v49 =	vmul.f32 v49, v47;
	v37 =	vmul.f32 v46, v37  }
0x1d4: {  	v51 =	vmul.f32 v51, v50;
	v1 =	vsub.f32 $1.500000000e+00, v53;
	v0 =	vmul.f32 v0, v39  }
0x1d5: {  	v55 =	vmul.f32 v55, v54;
	v62 =	vsub.f32 $1.500000000e+00, v49;
	v37 =	vadd.f32 $9.999999930e-09, v37  }
0x1d6: {  	v63 =	vsub.f32 $1.500000000e+00, v51;
	v1 =	vmul.f32 v1, v52;
	v0 =	vadd.f32 $9.999999930e-09, v0  }
0x1d7: {  	v2 =	vadd.f32 $9.999999930e-09, v2;
	v56 =	vmul.f32 v62, v47;
	(erf) = vrcp.f32 v37  }
0x1d8: {  	v57 =	vmul.f32 v63, v50;
	(erf) = vrcp.f32 v0  }
0x1d9: {  	v55 =	vsub.f32 $1.500000000e+00, v55;
	v59 =	vmul.f32 v56, v40;
	(erf) = vrcp.f32 v2;
	v2 =	vld [tilespmem:$0x1FEC0]  }
0x1da: {  	v60 =	vmul.f32 v57, v43  }
0x1db: {  	v58 =	vmul.f32 v55, v54;
	v1 =	vmul.f32 v1, v41;
	v39 =	vadd.f32 $9.999999930e-09, v59  }
0x1dc: {  	v62 =	vadd.f32 $9.999999930e-09, v60  }
0x1dd: {  	v61 =	vmul.f32 v58, v44;
	v1 =	vadd.f32 $9.999999930e-09, v1;
	(erf) = vrcp.f32 v39  }
0x1de: {  	(erf) = vrcp.f32 v62;
	v2 =	vmul.f32 v14, v2  }
0x1df: {  	v0 =	vadd.f32 $9.999999930e-09, v61;
	(erf) = vrcp.f32 v1;
	v1 =	vld [tilespmem:$0x1FED0]  }
0x1e0: {  	v63 =	vmov v31;
	[tilespmem:s6+$0x0] =	vst v2;
	v2 =	vmul.f32 v12, v4  }
0x1e1: {  	[tilespmem:$0x1FEC0] =	vst v63;
	(erf) = vrcp.f32 v0;
	v0 =	vmul.f32 v12, v10  }
0x1e2: {  	v14 =	vmul.f32 v14, v3;
	[tilespmem:s6+$0xFFFFFF90] =	vst v2;
	v2 =	vld [tilespmem:$0x1FEE0]  }
0x1e3: {  	s4 =	sadd.s32 $0x8, s4;
	[tilespmem:s6+$0x90] =	vst v0  }
0x1e4: {  	p2 =	slt.u32 s4, $0xC0;
	[tilespmem:s6+$0x80] =	vst v14;
	v1 =	vmul.f32 v12, v1;
	v12 =	vmov v21  }
.Ltmp4:
0x1e5: {  	[tilespmem:$0x1FEE0] =	vst v12;
	(pc) =	sbr.rel @p2 .LBB2_3-.Ltmp4, $4  }
0x1e6: {  	v18 =	vmul.f32 v34, v18;
	v14 =	vmov v22;
	[tilespmem:s6+$0x10] =	vst v1;
	v1 =	vmul.f32 v11, v8  }
0x1e7: {  	v17 =	vmul.f32 v34, v17;
	v10 =	vmov v36;
	v21 =	vpop (erf);
	[tilespmem:$0x1FED0] =	vst v14;
	v2 =	vmul.f32 v11, v2  }
0x1e8: {  	v3 =	vmovc v38;
	v4 =	vmov v33;
	v20 =	vmul.f32 v21, v20;
	v12 =	vmul.f32 v21, v19;
	[tilespmem:s6+$0xFFFFFFA0] =	vst v1  }
0x1e9: {  	s5 =	sadd.s32 $0x80, s5;
	v8 =	vmov v32;
	v14 =	vpop (erf);
	v11 =	vmul.f32 v11, v9;
	v9 =	vmov v35;
	[tilespmem:s6+$0x20] =	vst v2  }
0x1ea: {  	[tilespmem:s3+$0xFFFFFF40] =	vst v20  }
0x1eb: {  	[tilespmem:s3+$0xFFFFFFC0] =	vst v12  }
0x1ec: {  	v0 =	vmul.f32 v21, v30;
	[tilespmem:s3+$0xFFFFFFB0] =	vst v18  }
0x1ed: {  	v1 =	vmul.f32 v14, v26;
	[tilespmem:s6+$0xA0] =	vst v11  }
0x1ee: {  	v2 =	vmul.f32 v14, v16;
	[tilespmem:s3+$0x40] =	vst v0  }
0x1ef: {  	v48 =	vpop (erf);
	v49 =	vmul.f32 v14, v29;
	[tilespmem:s3+$0xFFFFFF50] =	vst v1  }
0x1f0: {  	v50 =	vmul.f32 v48, v25;
	[tilespmem:s3+$0xFFFFFFD0] =	vst v2  }
0x1f1: {  	v51 =	vmul.f32 v48, v15;
	[tilespmem:s3+$0x50] =	vst v49  }
0x1f2: {  	v52 =	vpop (erf);
	v0 =	vmul.f32 v48, v28;
	[tilespmem:s3+$0xFFFFFF60] =	vst v50  }
0x1f3: {  	v53 =	vmul.f32 v52, v24;
	[tilespmem:s3+$0xFFFFFFE0] =	vst v51  }
0x1f4: {  	v54 =	vmul.f32 v52, v13;
	[tilespmem:s3+$0x60] =	vst v0  }
0x1f5: {  	v55 =	vpop (erf);
	v11 =	vmul.f32 v52, v27;
	[tilespmem:s3+$0xFFFFFF70] =	vst v53  }
0x1f6: {  	v56 =	vmul.f32 v55, v23;
	[tilespmem:s3+$0xFFFFFFF0] =	vst v54  }
0x1f7: {  	[tilespmem:s3+$0x70] =	vst v11  }
0x1f8: {  	[tilespmem:s3+$0xFFFFFF80] =	vst v56  }
0x1f9: {  	v1 =	vld [tilespmem:$0x1FEC0];
	_ =	sdelay $0x3  }
0x1fa: {  	v0 =	vmul.f32 v55, v3  }
0x1fb: {  	[tilespmem:s3+$0x30] =	vst v17;
	v1 =	vmul.f32 v55, v1  }
0x1fc: {  	[tilespmem:s3+$0x80] =	vst v0  }
0x1fd: {  	[tilespmem:s3+$0x0] =	vst v1  }
0x1fe: {  	v0 =	vld [tilespmem:$0x1FED0];
	_ =	sdelay $0x2  }
0x1ff: {  	v57 =	vpop (erf)  }
0x200: {  	v58 =	vmul.f32 v57, v4  }
0x201: {  	v0 =	vmul.f32 v57, v0  }
0x202: {  	[tilespmem:s3+$0xFFFFFF90] =	vst v58  }
0x203: {  	[tilespmem:s3+$0x10] =	vst v0  }
0x204: {  	v62 =	vld [tilespmem:$0x1FEE0];
	_ =	sdelay $0x1  }
0x205: {  	v59 =	vpop (erf);
	v60 =	vmul.f32 v57, v10  }
0x206: {  	s0 =	sshll.u32 s29, $0x6;
	s4 =	sadd.s32 $0x2, s31;
	v61 =	vmul.f32 v59, v8  }
0x207: {  	s0 =	sor.u32 s9, s0;
	p2 =	sgt.u32 s4, s11;
	v63 =	vmul.f32 v59, v9;
	[tilespmem:s3+$0x90] =	vst v60  }
0x208: {  	s0 =	smul.u32 $0x4B0, s0;
	s4 =	sshll.u32 @!p2 s4, $0x5;
	[tilespmem:s3+$0xFFFFFFA0] =	vst v61;
	v2 =	vmul.f32 v59, v62  }
0x209: {  	s4 =	sor.u32 @!p2 s9, s4;
	[tilespmem:s3+$0xA0] =	vst v63  }
0x20a: {  	s0 =	sadd.s32 s10, s0;
	[tilespmem:s3+$0x20] =	vst v2;
	s3 =	smul.u32 @!p2 $0x190, s4  }
0x20b: {  	[hbm4b:s0+s7] =	stream.linear.scatter [tilespmem:s22], [sflag:$0x3], $0x2580, $0x38;
	[tilespmem:$0xB0C0] =	vst v63  }
.Ltmp5:
0x20c: {  	s5 =	simm.s32 @!p2 $0x1C0;
	(pc) =	sbr.rel @p0 .LBB2_8-.Ltmp5, $4  }
0x20d: {  	s4 =	smul.u32 @!p2 $0x4B0, s4;
	s0 =	sadd.s32 @!p2 s2, s3;
	s3 =	simm.s32 @!p2 $0x0  }
0x20e: {  	[tilespmem:s5], [sflag:$0x1] =	stream.linear.gather @!p2 [hbm4b:s0+s3], $0xC80, $0x38;
	[tilespmem:$0xB0C0] =	vst v63  }
0x20f: {  	s0 =	sadd.s32 @!p2 s1, s4;
	s4 =	simm.s32 @!p2 $0x1AC0  }
0x210: {  	[tilespmem:s4], [sflag:$0x1] =	stream.linear.gather @!p2 [hbm4b:s0+s3], $0x2580, $0x38;
	[tilespmem:$0xB0C0] =	vst v63  }
0x211: {  	_ =	swait.ge [sflag:s23], $0xC80  }
0x212: {  	[sflag:s23] =	ssyncset.done $0x0  }
0x213: {  	[sflag:s23] =	ssyncadd.s32 $0xFFFFF380  }
0x214: {  	_ =	swait.ge [sflag:s23], $0x2580  }
0x215: {  	[sflag:s23] =	ssyncset.done $0x0  }
0x216: {  	s0 =	simm.s32 @!p1 $0x4;
	[sflag:s23] =	ssyncadd.s32 $0xFFFFDA80  }
0x217: {  	_ =	swait.ge @!p1 [sflag:s0], $0x2580  }
0x218: {  	[sflag:s0] =	ssyncset.done @!p1 $0x0  }
0x219: {  	s3 =	simm.s32 $0xE80;
	[sflag:s0] =	ssyncadd.s32 @!p1 $0xFFFFDA80  }
0x21a: {  	v0 =	vld [tilespmem:s3+$0x30];
	_ =	sdelay $0x4  }
0x21b: {  	v3 =	vld [tilespmem:s3+$0xFFFFFFF0];
	v6 =	vshrl.u32 v0, $0x7;
	v7 =	vshrl.u32 v0, $0xE  }
0x21c: {  	v4 =	vld [tilespmem:s3+$0x0];
	v6 =	vand.u32 $0x7F, v6  }
0x21d: {  	s6 =	simm.s32 $0x4100;
	v5 =	vld [tilespmem:s3+$0x10]  }
0x21e: {  	v15 =	vld [tilespmem:s6+$0xFFFFFFB0]  }
0x21f: {  	v18 =	vld [tilespmem:s6+$0x30]  }
0x220: {  	v21 =	vld.idx.msk [tilespmem:v7+s7+$0x0], $0xffff  }
0x221: {  	v24 =	vld.idx.msk [tilespmem:v6+s16+$0x0], $0xffff  }
0x222: {  	v1 =	vld [tilespmem:s3+$0xFFFFFFD0];
	v14 =	vshrl.u32 v3, $0x7;
	v16 =	vshrl.u32 v3, $0xE;
	v17 =	vshrl.u32 v4, $0x7  }
0x223: {  	v2 =	vld [tilespmem:s3+$0xFFFFFFE0];
	v19 =	vshrl.u32 v4, $0xE;
	v7 =	vcvt.s32.f32 v7;
	v6 =	vcvt.s32.f32 v6  }
0x224: {  	v10 =	vld [tilespmem:s3+$0x20];
	v20 =	vshrl.u32 v5, $0x7;
	v22 =	vshrl.u32 v5, $0xE;
	v32 =	vand.u32 $0x7F, v3  }
0x225: {  	v11 =	vld [tilespmem:s3+$0xFFFFFFC0];
	v33 =	vand.u32 $0x7F, v4;
	v3 =	vadd.f32 v7, v15;
	v4 =	vadd.f32 v6, v18  }
0x226: {  	v27 =	vld [tilespmem:s6+$0xB0];
	v7 =	vand.u32 $0x7F, v5;
	v5 =	vadd.f32 v21, v21;
	v15 =	vadd.f32 v24, v24  }
0x227: {  	v60 =	vld [tilespmem:s6+$0xFFFFFF40]  }
0x228: {  	v3 =	vmul.f32 v3, v5;
	v5 =	vmul.f32 v4, v15;
	v4 =	vld [tilespmem:$0x1FFD0]  }
0x229: {  	v44 =	vld [tilespmem:s6+$0xFFFFFFD0];
	v0 =	vand.u32 $0x7F, v0  }
0x22a: {  	v48 =	vld [tilespmem:s6+$0xFFFFFFE0]  }
0x22b: {  	v61 =	vld [tilespmem:s6+$0xFFFFFF70]  }
0x22c: {  	v49 =	vld [tilespmem:s6+$0xFFFFFFF0];
	v8 =	vshrl.u32 v1, $0x7;
	v9 =	vshrl.u32 v1, $0xE;
	v12 =	vshrl.u32 v2, $0x7  }
0x22d: {  	v13 =	vshrl.u32 v2, $0xE;
	v23 =	vshrl.u32 v10, $0x7;
	v53 =	vadd.f32 v3, v4;
	v3 =	vld [tilespmem:$0x1FFE0]  }
0x22e: {  	v25 =	vshrl.u32 v11, $0x7;
	v26 =	vshrl.u32 v11, $0xE;
	v11 =	vand.u32 $0x7F, v11;
	v29 =	vld.idx.msk [tilespmem:v0+s17+$0x0], $0xffff  }
0x22f: {  	v62 =	vld [tilespmem:s6+$0x0];
	v28 =	vshrl.u32 v10, $0xE;
	v1 =	vand.u32 $0x7F, v1;
	v10 =	vand.u32 $0x7F, v10  }
0x230: {  	v8 =	vand.u32 $0x7F, v8;
	v12 =	vand.u32 $0x7F, v12;
	v14 =	vand.u32 $0x7F, v14;
	v36 =	vld.idx.msk [tilespmem:v16+s7+$0x0], $0xffff  }
0x231: {  	v23 =	vand.u32 $0x7F, v23;
	v46 =	vcvt.s32.f32 v11;
	v0 =	vcvt.s32.f32 v0;
	v37 =	vld.idx.msk [tilespmem:v19+s7+$0x0], $0xffff  }
0x232: {  	v51 =	vcvt.s32.f32 v33;
	v63 =	vcvt.s32.f32 v10;
	v54 =	vadd.f32 v5, v3;
	v5 =	vld [tilespmem:$0x1FFF0]  }
0x233: {  	v38 =	vld.idx.msk [tilespmem:v22+s7+$0x0], $0xffff;
	v16 =	vcvt.s32.f32 v16;
	v0 =	vadd.f32 v0, v27;
	v15 =	vadd.f32 v29, v29  }
0x234: {  	v2 =	vand.u32 $0x7F, v2;
	v19 =	vcvt.s32.f32 v19;
	v39 =	vld.idx.msk [tilespmem:v28+s7+$0x0], $0xffff;
	v22 =	vcvt.s32.f32 v22  }
0x235: {  	v17 =	vand.u32 $0x7F, v17;
	v28 =	vcvt.s32.f32 v28;
	v30 =	vld.idx.msk [tilespmem:v8+s16+$0x0], $0xffff;
	v0 =	vmul.f32 v0, v15  }
0x236: {  	v20 =	vand.u32 $0x7F, v20;
	v31 =	vld.idx.msk [tilespmem:v12+s16+$0x0], $0xffff;
	v8 =	vcvt.s32.f32 v8;
	v12 =	vcvt.s32.f32 v12  }
0x237: {  	v34 =	vld.idx.msk [tilespmem:v14+s16+$0x0], $0xffff;
	v35 =	vmul.f32 v54, v54;
	v55 =	vadd.f32 v0, v5;
	v0 =	vmul.f32 v53, v53  }
0x238: {  	v25 =	vand.u32 $0x7F, v25;
	v14 =	vcvt.s32.f32 v14;
	v27 =	vld.idx.msk [tilespmem:v23+s16+$0x0], $0xffff;
	v23 =	vcvt.s32.f32 v23  }
0x239: {  	v10 =	vld.idx.msk [tilespmem:v10+s17+$0x0], $0xffff;
	v16 =	vadd.f32 v16, v61;
	v0 =	vadd.f32 v35, v0;
	v59 =	vmul.f32 v55, v55  }
0x23a: {  	v6 =	vld.idx.msk [tilespmem:v17+s16+$0x0], $0xffff;
	v17 =	vcvt.s32.f32 v17;
	v8 =	vadd.f32 v8, v44;
	v12 =	vadd.f32 v12, v48  }
0x23b: {  	v40 =	vld [tilespmem:s6+$0xFFFFFFC0];
	v52 =	vcvt.s32.f32 v7;
	v14 =	vadd.f32 v14, v49;
	v0 =	vadd.f32 v59, v0  }
0x23c: {  	v43 =	vld [tilespmem:s6+$0xFFFFFF50];
	v21 =	vcvt.s32.f32 v25;
	v36 =	vadd.f32 v36, v36;
	v37 =	vadd.f32 v37, v37  }
0x23d: {  	v18 =	vld.idx.msk [tilespmem:v25+s16+$0x0], $0xffff;
	v38 =	vadd.f32 v38, v38;
	v41 =	vshra.s32 v0, $0x1;
	v42 =	vmul.f32 $5.000000000e-01, v0  }
0x23e: {  	v47 =	vld [tilespmem:s6+$0xFFFFFF60];
	v39 =	vadd.f32 v39, v39;
	v17 =	vadd.f32 v17, v62;
	v41 =	vsub.s32 $0x5F3759DF, v41  }
0x23f: {  	v62 =	vadd.f32 v10, v10;
	v24 =	vld.idx.msk [tilespmem:v20+s16+$0x0], $0xffff;
	v25 =	vadd.f32 v30, v30;
	v45 =	vmul.f32 v41, v42  }
0x240: {  	v30 =	vadd.f32 v31, v31;
	v31 =	vld.idx.msk [tilespmem:v13+s7+$0x0], $0xffff;
	v20 =	vcvt.s32.f32 v20;
	v13 =	vcvt.s32.f32 v13  }
0x241: {  	v34 =	vadd.f32 v34, v34;
	v21 =	vadd.f32 v21, v40;
	v29 =	vld.idx.msk [tilespmem:v26+s7+$0x0], $0xffff;
	v45 =	vmul.f32 v41, v45  }
0x242: {  	v18 =	vadd.f32 v18, v18;
	v26 =	vcvt.s32.f32 v26;
	v6 =	vadd.f32 v6, v6;
	v15 =	vld.idx.msk [tilespmem:v9+s7+$0x0], $0xffff  }
0x243: {  	v50 =	vld [tilespmem:s6+$0xFFFFFF80];
	v13 =	vadd.f32 v13, v47;
	v8 =	vmul.f32 v8, v25;
	v45 =	vsub.f32 $1.500000000e+00, v45  }
0x244: {  	v25 =	vld [tilespmem:s6+$0x10];
	v12 =	vmul.f32 v12, v30;
	v9 =	vcvt.s32.f32 v9;
	v26 =	vadd.f32 v26, v60  }
0x245: {  	v18 =	vmul.f32 v21, v18;
	v21 =	vld [tilespmem:s6+$0xFFFFFF90];
	v31 =	vadd.f32 v31, v31;
	v41 =	vmul.f32 v41, v45  }
0x246: {  	v17 =	vmul.f32 v17, v6;
	v9 =	vadd.f32 v9, v43;
	v29 =	vadd.f32 v29, v29  }
0x247: {  	v43 =	vcvt.s32.f32 v2;
	v2 =	vld.idx.msk [tilespmem:v2+s17+$0x0], $0xffff;
	v15 =	vadd.f32 v15, v15;
	v48 =	vmul.f32 v41, v42  }
0x248: {  	v24 =	vadd.f32 v24, v24;
	v13 =	vmul.f32 v13, v31;
	v26 =	vmul.f32 v26, v29;
	v29 =	vld [tilespmem:s6+$0xFFFFFFA0]  }
0x249: {  	v15 =	vmul.f32 v9, v15;
	v9 =	vadd.f32 v19, v50;
	v19 =	vld [tilespmem:s6+$0x20];
	v30 =	vmul.f32 v48, v41  }
0x24a: {  	v11 =	vld.idx.msk [tilespmem:v11+s17+$0x0], $0xffff;
	v31 =	vmul.f32 v16, v36;
	v6 =	vadd.f32 v20, v25;
	v16 =	vadd.f32 v22, v21  }
0x24b: {  	v27 =	vadd.f32 v27, v27;
	v14 =	vmul.f32 v14, v34;
	v21 =	vsub.f32 $1.500000000e+00, v30  }
0x24c: {  	v24 =	vmul.f32 v6, v24;
	v25 =	vmul.f32 v16, v38;
	v2 =	vadd.f32 v2, v2  }
0x24d: {  	v20 =	vld.idx.msk [tilespmem:v32+s17+$0x0], $0xffff;
	v8 =	vadd.f32 v8, v3;
	v16 =	vadd.f32 v28, v29;
	v21 =	vmul.f32 v21, v41  }
0x24e: {  	v22 =	vmul.f32 v9, v37;
	v9 =	vadd.f32 v18, v3;
	v18 =	vld.idx.msk [tilespmem:v33+s17+$0x0], $0xffff;
	v6 =	vadd.f32 v23, v19  }
0x24f: {  	v19 =	vld.idx.msk [tilespmem:v7+s17+$0x0], $0xffff;
	v28 =	vmul.f32 v16, v39;
	v23 =	vadd.f32 v11, v11;
	v16 =	vmul.f32 v21, v42  }
0x250: {  	v11 =	vmul.f32 v6, v27;
	v27 =	vld [tilespmem:s6+$0x40];
	v6 =	vadd.f32 v14, v3;
	v14 =	vadd.f32 v17, v3  }
0x251: {  	v7 =	vadd.f32 v12, v3;
	v35 =	vcvt.s32.f32 v1;
	v1 =	vld.idx.msk [tilespmem:v1+s17+$0x0], $0xffff;
	v12 =	vmul.f32 v16, v21  }
0x252: {  	v44 =	vcvt.s32.f32 v32;
	v20 =	vadd.f32 v20, v20;
	v22 =	vadd.f32 v22, v4;
	v16 =	vld [tilespmem:s6+$0x50];
	[tilespmem:$0x1FE40] =	vst v14  }
0x253: {  	v29 =	vmul.f32 v9, v9;
	v17 =	vld [tilespmem:s6+$0x60];
	v56 =	vsub.f32 $1.500000000e+00, v12;
	v12 =	vadd.f32 v24, v3  }
0x254: {  	v57 =	vmul.f32 v7, v7;
	v18 =	vadd.f32 v18, v18;
	v11 =	vadd.f32 v11, v3;
	v58 =	vld [tilespmem:s6+$0x70]  }
0x255: {  	v60 =	vmul.f32 v6, v6;
	v19 =	vadd.f32 v19, v19;
	v27 =	vadd.f32 v46, v27;
	[tilespmem:$0x1FE70] =	vst v12  }
0x256: {  	v1 =	vadd.f32 v1, v1;
	v24 =	vadd.f32 v26, v4;
	v21 =	vmul.f32 v56, v21;
	v59 =	vld [tilespmem:s6+$0x80]  }
0x257: {  	v30 =	vmul.f32 v8, v8;
	[tilespmem:$0x1FEA0] =	vst v11;
	v10 =	vadd.f32 v35, v16;
	v16 =	vadd.f32 v15, v4  }
0x258: {  	v61 =	vld [tilespmem:s6+$0x90];
	v0 =	vmul.f32 v21, v0;
	v21 =	vmul.f32 v27, v23;
	v15 =	vadd.f32 v43, v17  }
0x259: {  	v26 =	vld [tilespmem:s6+$0xA0];
	v17 =	vadd.f32 v44, v58;
	v23 =	vadd.f32 v13, v4;
	v1 =	vmul.f32 v10, v1  }
0x25a: {  	v10 =	vadd.f32 v31, v4;
	v31 =	vmul.f32 v12, v12;
	v0 =	vadd.f32 $9.999999930e-09, v0  }
0x25b: {  	v40 =	vmul.f32 v16, v16;
	v41 =	vmul.f32 v23, v23;
	v13 =	vadd.f32 v51, v59  }
0x25c: {  	(erf) = vrcp.f32 v0;
	v0 =	vmul.f32 v17, v20;
	v17 =	vadd.f32 v28, v4  }
0x25d: {  	v2 =	vmul.f32 v15, v2;
	v33 =	vadd.f32 v57, v41;
	v15 =	vadd.f32 v52, v61  }
0x25e: {  	v20 =	vadd.f32 v63, v26;
	v63 =	vmul.f32 v24, v24;
	v27 =	vmul.f32 v13, v18  }
0x25f: {  	v18 =	vadd.f32 v25, v4;
	v25 =	vadd.f32 v1, v5;
	v1 =	vmul.f32 v14, v14  }
0x260: {  	v13 =	vadd.f32 v0, v5;
	v0 =	vmul.f32 v10, v10;
	v43 =	vmul.f32 v17, v17  }
0x261: {  	v26 =	vadd.f32 v21, v5;
	v19 =	vmul.f32 v15, v19;
	v28 =	vmul.f32 v20, v62  }
0x262: {  	v15 =	vadd.f32 v2, v5;
	v2 =	vmul.f32 v11, v11;
	v29 =	vadd.f32 v29, v63  }
0x263: {  	v14 =	vadd.f32 v27, v5;
	v27 =	vmul.f32 v22, v22;
	v0 =	vadd.f32 v60, v0  }
0x264: {  	v42 =	vmul.f32 v18, v18;
	v12 =	vadd.f32 v19, v5;
	v11 =	vadd.f32 v28, v5  }
0x265: {  	v28 =	vadd.f32 v30, v40;
	v30 =	vmul.f32 v26, v26;
	v2 =	vadd.f32 v2, v43  }
0x266: {  	v44 =	vmul.f32 v25, v25;
	v1 =	vadd.f32 v1, v27;
	v27 =	vadd.f32 v31, v42  }
0x267: {  	v31 =	vmul.f32 v15, v15;
	v45 =	vmul.f32 v14, v14;
	v29 =	vadd.f32 v30, v29  }
0x268: {  	v30 =	vmul.f32 v13, v13;
	v28 =	vadd.f32 v44, v28;
	v46 =	vmul.f32 v12, v12  }
0x269: {  	v47 =	vmul.f32 v11, v11;
	v31 =	vadd.f32 v31, v33;
	v1 =	vadd.f32 v45, v1  }
0x26a: {  	v48 =	vshra.s32 v29, $0x1;
	v0 =	vadd.f32 v30, v0;
	v30 =	vmul.f32 $5.000000000e-01, v29  }
0x26b: {  	v27 =	vadd.f32 v46, v27;
	v49 =	vshra.s32 v28, $0x1;
	v33 =	vmul.f32 $5.000000000e-01, v28  }
0x26c: {  	v2 =	vadd.f32 v47, v2;
	v50 =	vshra.s32 v31, $0x1;
	v35 =	vmul.f32 $5.000000000e-01, v31  }
0x26d: {  	v52 =	vshra.s32 v1, $0x1;
	v40 =	vmul.f32 $5.000000000e-01, v1;
	v36 =	vsub.s32 $0x5F3759DF, v48  }
0x26e: {  	v32 =	vsub.s32 $0x5F3759DF, v49;
	v51 =	vshra.s32 v0, $0x1;
	v38 =	vmul.f32 $5.000000000e-01, v0  }
0x26f: {  	v56 =	vshra.s32 v27, $0x1;
	v42 =	vmul.f32 $5.000000000e-01, v27;
	v57 =	vshra.s32 v2, $0x1  }
0x270: {  	v44 =	vmul.f32 $5.000000000e-01, v2;
	v34 =	vsub.s32 $0x5F3759DF, v50;
	v39 =	vsub.s32 $0x5F3759DF, v52  }
0x271: {  	v58 =	vmul.f32 v36, v30;
	v59 =	vmul.f32 v32, v33;
	v37 =	vsub.s32 $0x5F3759DF, v51  }
0x272: {  	v41 =	vsub.s32 $0x5F3759DF, v56;
	v60 =	vmul.f32 v34, v35;
	v62 =	vmul.f32 v39, v40  }
0x273: {  	v43 =	vsub.s32 $0x5F3759DF, v57;
	v61 =	vmul.f32 v37, v38;
	v63 =	vmul.f32 v41, v42  }
0x274: {  	v56 =	vmul.f32 v43, v44;
	v45 =	vmul.f32 v36, v58  }
0x275: {  	v46 =	vmul.f32 v32, v59;
	v47 =	vmul.f32 v34, v60  }
0x276: {  	v49 =	vmul.f32 v39, v62;
	v48 =	vmul.f32 v37, v61;
	v45 =	vsub.f32 $1.500000000e+00, v45  }
0x277: {  	v50 =	vmul.f32 v41, v63;
	v46 =	vsub.f32 $1.500000000e+00, v46;
	v51 =	vmul.f32 v43, v56  }
0x278: {  	v47 =	vsub.f32 $1.500000000e+00, v47;
	v58 =	vsub.f32 $1.500000000e+00, v49;
	v36 =	vmul.f32 v36, v45  }
0x279: {  	v57 =	vsub.f32 $1.500000000e+00, v48;
	v32 =	vmul.f32 v32, v46;
	v59 =	vsub.f32 $1.500000000e+00, v50  }
0x27a: {  	v60 =	vsub.f32 $1.500000000e+00, v51;
	v34 =	vmul.f32 v34, v47;
	v39 =	vmul.f32 v39, v58  }
0x27b: {  	v37 =	vmul.f32 v37, v57;
	v41 =	vmul.f32 v41, v59  }
0x27c: {  	v61 =	vmul.f32 v36, v30;
	v43 =	vmul.f32 v43, v60  }
0x27d: {  	v62 =	vmul.f32 v32, v33;
	v63 =	vmul.f32 v34, v35  }
0x27e: {  	v57 =	vmul.f32 v39, v40;
	v56 =	vmul.f32 v37, v38  }
0x27f: {  	v58 =	vmul.f32 v41, v42;
	v59 =	vmul.f32 v43, v44  }
0x280: {  	v45 =	vmul.f32 v61, v36;
	v46 =	vmul.f32 v62, v32  }
0x281: {  	v47 =	vmul.f32 v63, v34;
	v49 =	vmul.f32 v57, v39  }
0x282: {  	v48 =	vmul.f32 v56, v37;
	v45 =	vsub.f32 $1.500000000e+00, v45;
	v50 =	vmul.f32 v58, v41  }
0x283: {  	v46 =	vsub.f32 $1.500000000e+00, v46;
	v51 =	vmul.f32 v59, v43;
	v47 =	vsub.f32 $1.500000000e+00, v47  }
0x284: {  	v61 =	vsub.f32 $1.500000000e+00, v49;
	v36 =	vmul.f32 v45, v36;
	v60 =	vsub.f32 $1.500000000e+00, v48  }
0x285: {  	v32 =	vmul.f32 v46, v32;
	v62 =	vsub.f32 $1.500000000e+00, v50;
	v34 =	vmul.f32 v47, v34  }
0x286: {  	v63 =	vsub.f32 $1.500000000e+00, v51;
	v39 =	vmul.f32 v61, v39;
	v37 =	vmul.f32 v60, v37  }
0x287: {  	v41 =	vmul.f32 v62, v41;
	v30 =	vmul.f32 v36, v30  }
0x288: {  	v43 =	vmul.f32 v63, v43;
	v33 =	vmul.f32 v32, v33  }
0x289: {  	v35 =	vmul.f32 v34, v35;
	v40 =	vmul.f32 v39, v40  }
0x28a: {  	v38 =	vmul.f32 v37, v38;
	v30 =	vmul.f32 v30, v36  }
0x28b: {  	v42 =	vmul.f32 v41, v42;
	v44 =	vmul.f32 v43, v44  }
0x28c: {  	v33 =	vmul.f32 v33, v32;
	v35 =	vmul.f32 v35, v34;
	v30 =	vsub.f32 $1.500000000e+00, v30  }
0x28d: {  	v40 =	vmul.f32 v40, v39;
	v38 =	vmul.f32 v38, v37  }
0x28e: {  	v33 =	vsub.f32 $1.500000000e+00, v33;
	v51 =	vmul.f32 v42, v41;
	v30 =	vmul.f32 v30, v36  }
0x28f: {  	v52 =	vmul.f32 v44, v43;
	v35 =	vsub.f32 $1.500000000e+00, v35;
	v38 =	vsub.f32 $1.500000000e+00, v38  }
0x290: {  	v32 =	vmul.f32 v33, v32;
	v56 =	vsub.f32 $1.500000000e+00, v51;
	v29 =	vmul.f32 v30, v29  }
0x291: {  	[tilespmem:$0x1FE10] =	vst v22;
	v34 =	vmul.f32 v35, v34;
	v30 =	vsub.f32 $1.500000000e+00, v40;
	v57 =	vmul.f32 v38, v37  }
0x292: {  	[tilespmem:$0x1FE90] =	vst v17;
	v28 =	vmul.f32 v32, v28;
	v33 =	vmul.f32 v56, v41;
	v29 =	vadd.f32 $9.999999930e-09, v29  }
0x293: {  	[tilespmem:$0x1FE60] =	vst v18;
	v58 =	vsub.f32 $1.500000000e+00, v52;
	v31 =	vmul.f32 v34, v31;
	v30 =	vmul.f32 v30, v39  }
0x294: {  	[tilespmem:$0x1FE50] =	vst v14;
	v28 =	vadd.f32 $9.999999930e-09, v28;
	v0 =	vmul.f32 v57, v0;
	(erf) = vrcp.f32 v29  }
0x295: {  	[tilespmem:$0x1FE80] =	vst v12;
	v31 =	vadd.f32 $9.999999930e-09, v31;
	v29 =	vmul.f32 v58, v43;
	v1 =	vmul.f32 v30, v1  }
0x296: {  	s31 =	simm.s32 $0xF00;
	[tilespmem:$0x1FEB0] =	vst v11;
	v27 =	vmul.f32 v33, v27;
	v0 =	vadd.f32 $9.999999930e-09, v0;
	(erf) = vrcp.f32 v28  }
0x297: {  	v17 =	vld [tilespmem:s31+$0xFFFFFFC0];
	(erf) = vrcp.f32 v31;
	v2 =	vmul.f32 v29, v2;
	v1 =	vadd.f32 $9.999999930e-09, v1  }
0x298: {  	v59 =	vld [tilespmem:s31+$0x30];
	v27 =	vadd.f32 $9.999999930e-09, v27;
	(erf) = vrcp.f32 v0  }
0x299: {  	v29 =	vld [tilespmem:s31+$0xFFFFFFE0];
	v2 =	vadd.f32 $9.999999930e-09, v2;
	(erf) = vrcp.f32 v1  }
0x29a: {  	v61 =	vpop (erf);
	v0 =	vld [tilespmem:s31+$0xFFFFFFF0];
	(erf) = vrcp.f32 v27  }
0x29b: {  	(erf) = vrcp.f32 v2;
	v2 =	vmul.f32 v61, v53  }
0x29c: {  	v18 =	vand.u32 $0x7F, v17;
	v63 =	vshrl.u32 v17, $0x7;
	v12 =	vmul.f32 v61, v54;
	v28 =	vld [tilespmem:s31+$0xFFFFFFD0]  }
0x29d: {  	s0 =	simm.s32 $0x4280;
	v60 =	vshrl.u32 v59, $0xE;
	v11 =	vand.u32 $0x7F, v59;
	v30 =	vshrl.u32 v59, $0x7;
	v1 =	vld [tilespmem:s31+$0x0];
	[tilespmem:$0x1FE20] =	vst v2  }
0x29e: {  	v36 =	vmul.f32 v61, v55;
	v30 =	vand.u32 $0x7F, v30;
	v53 =	vshrl.u32 v17, $0xE;
	v27 =	vld [tilespmem:s0+$0xFFFFFFB0];
	[tilespmem:$0x1FE30] =	vst v12  }
0x29f: {  	v50 =	vshrl.u32 v29, $0xE;
	v61 =	vcvt.s32.f32 v53;
	v62 =	vshrl.u32 v0, $0x7;
	v2 =	vpop (erf);
	v12 =	vld [tilespmem:s0+$0x30]  }
0x2a0: {  	v51 =	vshrl.u32 v0, $0xE;
	v32 =	vcvt.s32.f32 v50;
	v54 =	vld [tilespmem:s0+$0xFFFFFF40];
	v43 =	vmul.f32 v2, v24  }
0x2a1: {  	v0 =	vand.u32 $0x7F, v0;
	v59 =	vld [tilespmem:s0+$0xFFFFFF50];
	v42 =	vmul.f32 v2, v9;
	v9 =	vpop (erf);
	v41 =	vmul.f32 v2, v26  }
0x2a2: {  	v2 =	vld.idx.msk [tilespmem:v60+s7+$0x0], $0xffff;
	v24 =	vshrl.u32 v29, $0x7;
	v26 =	vcvt.s32.f32 v60;
	v40 =	vmul.f32 v9, v16  }
0x2a3: {  	v29 =	vand.u32 $0x7F, v29;
	v53 =	vld.idx.msk [tilespmem:v53+s7+$0x0], $0xffff;
	v38 =	vmul.f32 v9, v8;
	v37 =	vmul.f32 v9, v25  }
0x2a4: {  	v16 =	vpop (erf);
	v8 =	vld.idx.msk [tilespmem:v30+s16+$0x0], $0xffff;
	v9 =	vshrl.u32 v28, $0x7;
	v30 =	vcvt.s32.f32 v30;
	v24 =	vand.u32 $0x7F, v24  }
0x2a5: {  	v25 =	vld.idx.msk [tilespmem:v11+s17+$0x0], $0xffff;
	v11 =	vcvt.s32.f32 v11;
	v35 =	vmul.f32 v16, v23;
	v9 =	vand.u32 $0x7F, v9  }
0x2a6: {  	v23 =	vld [tilespmem:s0+$0xB0];
	v46 =	vmul.f32 v16, v7;
	v44 =	vmul.f32 v16, v15;
	v7 =	vpop (erf);
	v26 =	vadd.f32 v26, v27  }
0x2a7: {  	v27 =	vand.u32 $0x7F, v62;
	v48 =	vmul.f32 v7, v10;
	v45 =	vmul.f32 v7, v6  }
0x2a8: {  	v49 =	vld [tilespmem:s31+$0x10];
	v47 =	vmul.f32 v7, v13;
	v7 =	vshrl.u32 v28, $0xE;
	v12 =	vadd.f32 v30, v12  }
0x2a9: {  	v54 =	vadd.f32 v61, v54;
	v61 =	vcvt.s32.f32 v7;
	v2 =	vadd.f32 v2, v2  }
0x2aa: {  	v55 =	vld [tilespmem:s0+$0xFFFFFFC0];
	v28 =	vand.u32 $0x7F, v28;
	v53 =	vadd.f32 v53, v53;
	v8 =	vadd.f32 v8, v8  }
0x2ab: {  	v50 =	vld.idx.msk [tilespmem:v50+s7+$0x0], $0xffff;
	v30 =	vshrl.u32 v1, $0x7;
	v59 =	vadd.f32 v61, v59;
	v11 =	vadd.f32 v11, v23  }
0x2ac: {  	v61 =	vld [tilespmem:s0+$0xFFFFFFE0];
	v2 =	vmul.f32 v26, v2;
	v12 =	vmul.f32 v12, v8;
	v8 =	vadd.f32 v25, v25  }
0x2ad: {  	v23 =	vld [tilespmem:s31+$0x20];
	v26 =	vshrl.u32 v49, $0x7;
	v53 =	vmul.f32 v54, v53;
	v25 =	vand.u32 $0x7F, v30  }
0x2ae: {  	v10 =	vld.idx.msk [tilespmem:v27+s16+$0x0], $0xffff;
	v33 =	vadd.f32 v2, v4;
	v34 =	vadd.f32 v12, v3;
	v2 =	vmul.f32 v11, v8  }
0x2af: {  	v30 =	vand.u32 $0x7F, v63;
	v14 =	vand.u32 $0x7F, v26;
	v63 =	vld [tilespmem:s0+$0xFFFFFFD0];
	v27 =	vcvt.s32.f32 v27  }
0x2b0: {  	v7 =	vld.idx.msk [tilespmem:v7+s7+$0x0], $0xffff;
	v39 =	vadd.f32 v2, v5;
	v2 =	vmul.f32 v33, v33;
	v15 =	vmul.f32 v34, v34  }
0x2b1: {  	v50 =	vadd.f32 v50, v50;
	v17 =	vcvt.s32.f32 v14;
	v11 =	vld.idx.msk [tilespmem:v9+s16+$0x0], $0xffff;
	v9 =	vcvt.s32.f32 v9  }
0x2b2: {  	v8 =	vld.idx.msk [tilespmem:v24+s16+$0x0], $0xffff;
	v24 =	vcvt.s32.f32 v24;
	v2 =	vadd.f32 v15, v2;
	v15 =	vmul.f32 v39, v39  }
0x2b3: {  	v54 =	vld [tilespmem:s0+$0x0];
	v6 =	vshrl.u32 v23, $0x7;
	v58 =	vshrl.u32 v23, $0xE;
	v23 =	vand.u32 $0x7F, v23  }
0x2b4: {  	v24 =	vadd.f32 v24, v61;
	v16 =	vld.idx.msk [tilespmem:v25+s16+$0x0], $0xffff;
	v13 =	vand.u32 $0x7F, v6;
	v12 =	vadd.f32 v15, v2  }
0x2b5: {  	v26 =	vld.idx.msk [tilespmem:v30+s16+$0x0], $0xffff;
	v30 =	vcvt.s32.f32 v30;
	v9 =	vadd.f32 v9, v63;
	v25 =	vcvt.s32.f32 v25  }
0x2b6: {  	v63 =	vld.idx.msk [tilespmem:v51+s7+$0x0], $0xffff;
	v51 =	vcvt.s32.f32 v51;
	v56 =	vshra.s32 v12, $0x1;
	v57 =	vmul.f32 $5.000000000e-01, v12  }
0x2b7: {  	v52 =	vld.idx.msk [tilespmem:v14+s16+$0x0], $0xffff;
	v10 =	vadd.f32 v10, v10;
	v7 =	vadd.f32 v7, v7;
	v56 =	vsub.s32 $0x5F3759DF, v56  }
0x2b8: {  	v30 =	vadd.f32 v30, v55;
	v55 =	vld [tilespmem:s0+$0xFFFFFF60];
	v6 =	vadd.f32 v11, v11;
	v62 =	vmul.f32 v56, v57  }
0x2b9: {  	v8 =	vadd.f32 v8, v8;
	v14 =	vmul.f32 v59, v7;
	v25 =	vadd.f32 v25, v54;
	v54 =	vld [tilespmem:s0+$0x20]  }
0x2ba: {  	v59 =	vcvt.s32.f32 v18;
	v18 =	vld.idx.msk [tilespmem:v18+s17+$0x0], $0xffff;
	v2 =	vshrl.u32 v1, $0xE;
	v62 =	vmul.f32 v56, v62  }
0x2bb: {  	v8 =	vmul.f32 v24, v8;
	v24 =	vcvt.s32.f32 v58;
	v58 =	vld.idx.msk [tilespmem:v58+s7+$0x0], $0xffff;
	v26 =	vadd.f32 v26, v26  }
0x2bc: {  	v15 =	vshrl.u32 v49, $0xE;
	v1 =	vand.u32 $0x7F, v1;
	v60 =	vld.idx.msk [tilespmem:v13+s16+$0x0], $0xffff;
	v62 =	vsub.f32 $1.500000000e+00, v62  }
0x2bd: {  	v49 =	vand.u32 $0x7F, v49;
	v11 =	vmul.f32 v9, v6;
	v26 =	vmul.f32 v30, v26;
	v30 =	vld [tilespmem:s0+$0xFFFFFFF0]  }
0x2be: {  	v13 =	vcvt.s32.f32 v13;
	v16 =	vadd.f32 v16, v16;
	v56 =	vmul.f32 v56, v62;
	v62 =	vld [tilespmem:s0+$0xFFFFFF70]  }
0x2bf: {  	v9 =	vld [tilespmem:s0+$0xFFFFFF80];
	v6 =	vcvt.s32.f32 v1;
	v52 =	vadd.f32 v52, v52;
	v63 =	vadd.f32 v63, v63  }
0x2c0: {  	v55 =	vadd.f32 v32, v55;
	v25 =	vmul.f32 v25, v16;
	v13 =	vadd.f32 v13, v54;
	v61 =	vld.idx.msk [tilespmem:v2+s7+$0x0], $0xffff  }
0x2c1: {  	v16 =	vadd.f32 v11, v3;
	v54 =	vadd.f32 v18, v18;
	v2 =	vcvt.s32.f32 v2  }
0x2c2: {  	v58 =	vadd.f32 v58, v58;
	v27 =	vadd.f32 v27, v30;
	v30 =	vld [tilespmem:s0+$0xFFFFFF90];
	v32 =	vmul.f32 v56, v57  }
0x2c3: {  	v55 =	vmul.f32 v55, v50;
	v18 =	vadd.f32 v25, v3;
	v51 =	vadd.f32 v51, v62;
	v62 =	vld.idx.msk [tilespmem:v15+s7+$0x0], $0xffff  }
0x2c4: {  	v60 =	vadd.f32 v60, v60;
	v2 =	vadd.f32 v2, v9;
	v9 =	vld [tilespmem:s0+$0x10];
	v50 =	vmul.f32 v32, v56  }
0x2c5: {  	v61 =	vadd.f32 v61, v61;
	v10 =	vmul.f32 v27, v10;
	v27 =	vld [tilespmem:s0+$0xFFFFFFA0];
	v15 =	vcvt.s32.f32 v15  }
0x2c6: {  	v50 =	vsub.f32 $1.500000000e+00, v50;
	v51 =	vmul.f32 v51, v63;
	v63 =	vcvt.s32.f32 v28;
	v28 =	vld.idx.msk [tilespmem:v28+s17+$0x0], $0xffff  }
0x2c7: {  	v25 =	vld [tilespmem:s0+$0x70];
	v7 =	vmul.f32 v2, v61;
	v61 =	vcvt.s32.f32 v0;
	v15 =	vadd.f32 v15, v30  }
0x2c8: {  	v30 =	vcvt.s32.f32 v29;
	v29 =	vld.idx.msk [tilespmem:v29+s17+$0x0], $0xffff;
	v50 =	vmul.f32 v50, v56;
	v62 =	vadd.f32 v62, v62  }
0x2c9: {  	v2 =	vadd.f32 v17, v9;
	v9 =	vcvt.s32.f32 v49;
	v32 =	vadd.f32 v26, v3;
	v26 =	vld.idx.msk [tilespmem:v49+s17+$0x0], $0xffff  }
0x2ca: {  	v0 =	vld.idx.msk [tilespmem:v0+s17+$0x0], $0xffff;
	v62 =	vmul.f32 v15, v62;
	v15 =	vadd.f32 v24, v27;
	v27 =	vmul.f32 v50, v57  }
0x2cb: {  	v56 =	vcvt.s32.f32 v23;
	v24 =	vld.idx.msk [tilespmem:v1+s17+$0x0], $0xffff;
	v1 =	vmul.f32 v2, v52;
	v28 =	vadd.f32 v28, v28  }
0x2cc: {  	v23 =	vld.idx.msk [tilespmem:v23+s17+$0x0], $0xffff;
	v49 =	vmul.f32 v15, v58;
	v15 =	vadd.f32 v8, v3;
	v2 =	vmul.f32 v27, v50  }
0x2cd: {  	v27 =	vmul.f32 v13, v60;
	v13 =	vadd.f32 v10, v3;
	v10 =	vadd.f32 v29, v29  }
0x2ce: {  	v52 =	vld [tilespmem:s0+$0x40];
	v19 =	vadd.f32 v1, v3;
	v1 =	vadd.f32 v26, v26  }
0x2cf: {  	v26 =	vadd.f32 v14, v4;
	v11 =	vsub.f32 $1.500000000e+00, v2  }
0x2d0: {  	v57 =	vmul.f32 v32, v32;
	v8 =	vld [tilespmem:s0+$0x50];
	v2 =	vadd.f32 v0, v0;
	v17 =	vadd.f32 v27, v3  }
0x2d1: {  	v29 =	vld [tilespmem:s0+$0x60];
	v58 =	vmul.f32 v16, v16;
	v0 =	vadd.f32 v23, v23;
	v23 =	vadd.f32 v61, v25  }
0x2d2: {  	v25 =	vadd.f32 v55, v4;
	v20 =	vadd.f32 v49, v4;
	v49 =	vmul.f32 v19, v19  }
0x2d3: {  	v52 =	vadd.f32 v59, v52;
	v59 =	vadd.f32 v53, v4;
	v53 =	vmul.f32 v13, v13  }
0x2d4: {  	v27 =	vld [tilespmem:s0+$0xA0];
	v60 =	vadd.f32 v24, v24;
	v24 =	vmul.f32 v11, v50;
	v11 =	vmul.f32 v15, v15  }
0x2d5: {  	v2 =	vmul.f32 v23, v2;
	v23 =	vadd.f32 v7, v4;
	v55 =	vmul.f32 v20, v20  }
0x2d6: {  	v50 =	vld [tilespmem:s0+$0x80];
	v8 =	vadd.f32 v63, v8;
	v52 =	vmul.f32 v52, v54;
	v14 =	vadd.f32 v30, v29  }
0x2d7: {  	v12 =	vmul.f32 v24, v12;
	v24 =	vadd.f32 v51, v4;
	v51 =	vmul.f32 v17, v17  }
0x2d8: {  	v21 =	vadd.f32 v62, v4;
	v63 =	vld [tilespmem:s0+$0x90];
	v61 =	vmul.f32 v23, v23;
	v8 =	vmul.f32 v8, v28  }
0x2d9: {  	v10 =	vmul.f32 v14, v10;
	v14 =	vadd.f32 v56, v27;
	v30 =	vadd.f32 v52, v5  }
0x2da: {  	v27 =	vadd.f32 v2, v5;
	v2 =	vmul.f32 v24, v24;
	v12 =	vadd.f32 $9.999999930e-09, v12  }
0x2db: {  	v6 =	vadd.f32 v6, v50;
	v0 =	vmul.f32 v14, v0;
	v14 =	vmul.f32 v18, v18  }
0x2dc: {  	[tilespmem:$0x1FDE0] =	vst v18;
	v29 =	vadd.f32 v8, v5;
	v18 =	vmul.f32 v59, v59;
	v28 =	vadd.f32 v10, v5  }
0x2dd: {  	v9 =	vadd.f32 v9, v63;
	v63 =	vmul.f32 v26, v26;
	(erf) = vrcp.f32 v12  }
0x2de: {  	v2 =	vadd.f32 v53, v2;
	v50 =	vmul.f32 v6, v60;
	v60 =	vmul.f32 v25, v25  }
0x2df: {  	[tilespmem:$0x1FE00] =	vst v17;
	v62 =	vadd.f32 v57, v18;
	v17 =	vadd.f32 v0, v5;
	v0 =	vmul.f32 v30, v30  }
0x2e0: {  	v14 =	vadd.f32 v14, v61;
	v61 =	vmul.f32 v28, v28;
	v63 =	vadd.f32 v58, v63  }
0x2e1: {  	v1 =	vmul.f32 v9, v1;
	v10 =	vadd.f32 v50, v5;
	v11 =	vadd.f32 v11, v60  }
0x2e2: {  	v60 =	vmul.f32 v29, v29;
	v52 =	vadd.f32 v0, v62;
	v0 =	vadd.f32 v51, v55  }
0x2e3: {  	v62 =	vmul.f32 v27, v27;
	v9 =	vadd.f32 v1, v5;
	v1 =	vmul.f32 v21, v21  }
0x2e4: {  	v53 =	vadd.f32 v60, v63;
	v51 =	vmul.f32 v10, v10;
	v63 =	vshra.s32 v52, $0x1  }
0x2e5: {  	v55 =	vmul.f32 $5.000000000e-01, v52;
	v22 =	vadd.f32 v61, v11;
	v31 =	vadd.f32 v62, v2  }
0x2e6: {  	v1 =	vadd.f32 v49, v1;
	v54 =	vsub.s32 $0x5F3759DF, v63;
	v58 =	vmul.f32 v9, v9  }
0x2e7: {  	v60 =	vshra.s32 v53, $0x1;
	v57 =	vmul.f32 $5.000000000e-01, v53;
	v61 =	vmul.f32 v54, v55  }
0x2e8: {  	v8 =	vmovc v20;
	v20 =	vadd.f32 v51, v14;
	v12 =	vshra.s32 v22, $0x1;
	v50 =	vsub.s32 $0x5F3759DF, v60  }
0x2e9: {  	v6 =	vmovc v21;
	v60 =	vmul.f32 v17, v17;
	v21 =	vadd.f32 v58, v1;
	v58 =	vmul.f32 $5.000000000e-01, v31  }
0x2ea: {  	v62 =	vshra.s32 v31, $0x1;
	v49 =	vmul.f32 v50, v57;
	v56 =	vmul.f32 v54, v61  }
0x2eb: {  	v12 =	vsub.s32 $0x5F3759DF, v12;
	v51 =	vadd.f32 v60, v0;
	v61 =	vshra.s32 v21, $0x1  }
0x2ec: {  	v18 =	vmul.f32 $5.000000000e-01, v21;
	v49 =	vmul.f32 v50, v49;
	v0 =	vsub.f32 $1.500000000e+00, v56  }
0x2ed: {  	v56 =	vmul.f32 $5.000000000e-01, v22;
	v61 =	vsub.s32 $0x5F3759DF, v61;
	v63 =	vshra.s32 v51, $0x1  }
0x2ee: {  	[tilespmem:$0x1FDF0] =	vst v19;
	v7 =	vmovc v10;
	v19 =	vmul.f32 $5.000000000e-01, v51;
	v1 =	vmul.f32 v61, v18;
	v49 =	vsub.f32 $1.500000000e+00, v49  }
0x2ef: {  	v10 =	vmovc v9;
	v9 =	vmovc v17;
	v17 =	vmul.f32 v54, v0;
	v54 =	vsub.s32 $0x5F3759DF, v62;
	v62 =	vmul.f32 $5.000000000e-01, v20  }
0x2f0: {  	v63 =	vsub.s32 $0x5F3759DF, v63;
	v49 =	vmul.f32 v50, v49;
	v50 =	vmul.f32 v12, v56  }
0x2f1: {  	v60 =	vshra.s32 v20, $0x1;
	v0 =	vmul.f32 v54, v58;
	v2 =	vmul.f32 v63, v19  }
0x2f2: {  	v60 =	vsub.s32 $0x5F3759DF, v60;
	v1 =	vmul.f32 v61, v1;
	v50 =	vmul.f32 v12, v50  }
0x2f3: {  	v14 =	vmul.f32 v54, v0;
	v0 =	vmul.f32 v60, v62  }
0x2f4: {  	v2 =	vmul.f32 v63, v2;
	v50 =	vsub.f32 $1.500000000e+00, v50  }
0x2f5: {  	v1 =	vsub.f32 $1.500000000e+00, v1;
	v11 =	vmul.f32 v60, v0;
	v0 =	vmul.f32 v49, v57  }
0x2f6: {  	v14 =	vsub.f32 $1.500000000e+00, v14;
	v12 =	vmul.f32 v12, v50;
	v50 =	vmul.f32 v17, v55  }
0x2f7: {  	v2 =	vsub.f32 $1.500000000e+00, v2;
	v1 =	vmul.f32 v61, v1;
	v0 =	vmul.f32 v0, v49  }
0x2f8: {  	v14 =	vmul.f32 v54, v14;
	v11 =	vsub.f32 $1.500000000e+00, v11;
	v50 =	vmul.f32 v50, v17  }
0x2f9: {  	v2 =	vmul.f32 v63, v2;
	v0 =	vsub.f32 $1.500000000e+00, v0;
	v54 =	vmul.f32 v12, v56  }
0x2fa: {  	v11 =	vmul.f32 v60, v11;
	v60 =	vmul.f32 v14, v58;
	v50 =	vsub.f32 $1.500000000e+00, v50  }
0x2fb: {  	v0 =	vmul.f32 v0, v49;
	v49 =	vmul.f32 v54, v12  }
0x2fc: {  	s6 =	simm.s32 $0x8C00;
	v54 =	vmul.f32 v11, v62;
	v17 =	vmul.f32 v50, v17  }
0x2fd: {  	[tilespmem:s6+$0xB0] =	vst v36;
	v50 =	vmul.f32 v60, v14;
	v60 =	vmul.f32 v1, v18;
	v49 =	vsub.f32 $1.500000000e+00, v49  }
0x2fe: {  	[tilespmem:s6+$0xFFFFFF40] =	vst v43;
	v61 =	vmul.f32 v2, v19;
	v54 =	vmul.f32 v54, v11  }
0x2ff: {  	[tilespmem:s6+$0xFFFFFFC0] =	vst v42;
	v60 =	vmul.f32 v60, v1;
	v12 =	vmul.f32 v49, v12  }
0x300: {  	[tilespmem:s6+$0x40] =	vst v41;
	v63 =	vsub.f32 $1.500000000e+00, v54  }
0x301: {  	[tilespmem:s6+$0xFFFFFF50] =	vst v40;
	v61 =	vmul.f32 v61, v2;
	v60 =	vsub.f32 $1.500000000e+00, v60;
	v54 =	vmul.f32 v12, v56  }
0x302: {  	[tilespmem:s6+$0xFFFFFFD0] =	vst v38;
	v11 =	vmul.f32 v63, v11;
	v63 =	vmul.f32 v0, v57  }
0x303: {  	[tilespmem:s6+$0x50] =	vst v37;
	v61 =	vsub.f32 $1.500000000e+00, v61;
	v1 =	vmul.f32 v60, v1;
	v57 =	vmul.f32 v54, v12  }
0x304: {  	[tilespmem:s6+$0xFFFFFF60] =	vst v35  }
0x305: {  	[tilespmem:s6+$0xFFFFFFE0] =	vst v46;
	v2 =	vmul.f32 v61, v2;
	v18 =	vmul.f32 v1, v18;
	v61 =	vsub.f32 $1.500000000e+00, v57  }
0x306: {  	[tilespmem:s6+$0x60] =	vst v44  }
0x307: {  	[tilespmem:s6+$0xFFFFFF70] =	vst v48;
	v18 =	vmul.f32 v18, v1;
	v12 =	vmul.f32 v61, v12  }
0x308: {  	[tilespmem:s6+$0xFFFFFFF0] =	vst v45  }
0x309: {  	v18 =	vsub.f32 $1.500000000e+00, v18;
	v12 =	vmul.f32 v12, v22;
	v22 =	vld [tilespmem:$0x1FE10];
	_ =	sdelay $0x3  }
0x30a: {  	v1 =	vmul.f32 v18, v1;
	v18 =	vpop (erf)  }
0x30b: {  	v22 =	vmul.f32 v18, v22  }
0x30c: {  	[tilespmem:s6+$0x70] =	vst v47  }
0x30d: {  	[tilespmem:s6+$0xFFFFFF80] =	vst v22  }
0x30e: {  	v1 =	vmul.f32 v1, v21;
	v21 =	vld [tilespmem:$0x1FE20]  }
0x30f: {  	v55 =	vmul.f32 v17, v55;
	_ =	sdelay $0x1  }
0x310: {  	v55 =	vmul.f32 v55, v17;
	_ =	sdelay $0x1  }
0x311: {  	v19 =	vmul.f32 v2, v19;
	v55 =	vsub.f32 $1.500000000e+00, v55;
	[tilespmem:s6+$0xFFFFFFB0] =	vst v21  }
0x312: {  	v56 =	vmul.f32 v11, v62;
	v36 =	vmul.f32 v63, v0;
	v21 =	vld [tilespmem:$0x1FE30]  }
0x313: {  	v19 =	vmul.f32 v19, v2;
	v17 =	vmul.f32 v55, v17  }
0x314: {  	v60 =	vmul.f32 v56, v11;
	v36 =	vsub.f32 $1.500000000e+00, v36  }
0x315: {  	v50 =	vsub.f32 $1.500000000e+00, v50;
	v19 =	vsub.f32 $1.500000000e+00, v19;
	v17 =	vmul.f32 v17, v52  }
0x316: {  	v63 =	vsub.f32 $1.500000000e+00, v60;
	v0 =	vmul.f32 v36, v0  }
0x317: {  	v14 =	vmul.f32 v50, v14;
	v17 =	vadd.f32 $9.999999930e-09, v17;
	[tilespmem:s6+$0x30] =	vst v21  }
0x318: {  	v11 =	vmul.f32 v63, v11;
	v0 =	vmul.f32 v0, v53;
	v21 =	vld [tilespmem:$0x1FE40]  }
0x319: {  	v55 =	vmul.f32 v14, v58;
	v2 =	vmul.f32 v19, v2;
	v19 =	vpop (erf)  }
0x31a: {  	v11 =	vmul.f32 v11, v20;
	v0 =	vadd.f32 $9.999999930e-09, v0;
	v20 =	vpop (erf)  }
0x31b: {  	v58 =	vmul.f32 v55, v14;
	(erf) = vrcp.f32 v17;
	v17 =	vpop (erf)  }
0x31c: {  	(erf) = vrcp.f32 v0;
	v0 =	vmul.f32 v17, v39  }
0x31d: {  	s3 =	simm.s32 $0x8D80;
	v21 =	vmul.f32 v18, v21  }
0x31e: {  	v62 =	vsub.f32 $1.500000000e+00, v58;
	v12 =	vadd.f32 $9.999999930e-09, v12;
	[tilespmem:s3+$0xB0] =	vst v0  }
0x31f: {  	v0 =	vld [tilespmem:$0x1FE50];
	[tilespmem:s6+$0x0] =	vst v21  }
0x320: {  	v14 =	vmul.f32 v62, v14;
	(erf) = vrcp.f32 v12;
	v12 =	vld [tilespmem:$0x1FE60];
	_ =	sdelay $0x1  }
0x321: {  	v14 =	vmul.f32 v14, v31;
	_ =	sdelay $0x1  }
0x322: {  	v14 =	vadd.f32 $9.999999930e-09, v14;
	v0 =	vmul.f32 v18, v0  }
0x323: {  	v2 =	vmul.f32 v2, v51;
	v11 =	vadd.f32 $9.999999930e-09, v11;
	v12 =	vmul.f32 v19, v12  }
0x324: {  	v1 =	vadd.f32 $9.999999930e-09, v1;
	(erf) = vrcp.f32 v14;
	[tilespmem:s6+$0x80] =	vst v0  }
0x325: {  	(erf) = vrcp.f32 v11;
	v0 =	vadd.f32 $9.999999930e-09, v2;
	v2 =	vld [tilespmem:$0x1FE70];
	[tilespmem:s6+$0xFFFFFF90] =	vst v12  }
0x326: {  	(erf) = vrcp.f32 v1;
	v1 =	vld [tilespmem:$0x1FE80];
	_ =	sdelay $0x3  }
0x327: {  	v2 =	vmul.f32 v19, v2  }
0x328: {  	v1 =	vmul.f32 v19, v1  }
0x329: {  	[tilespmem:s6+$0x10] =	vst v2  }
0x32a: {  	(erf) = vrcp.f32 v0;
	v0 =	vld [tilespmem:$0x1FE90];
	[tilespmem:s6+$0x90] =	vst v1  }
0x32b: {  	v1 =	vld [tilespmem:$0x1FEA0];
	_ =	sdelay $0x1  }
0x32c: {  	v2 =	vld [tilespmem:$0x1FEB0];
	_ =	sdelay $0x1  }
0x32d: {  	v0 =	vmul.f32 v20, v0  }
0x32e: {  	v18 =	vmul.f32 v17, v33;
	v21 =	vpop (erf);
	v1 =	vmul.f32 v20, v1  }
0x32f: {  	v17 =	vmul.f32 v17, v34;
	v12 =	vmul.f32 v21, v32;
	[tilespmem:s6+$0xFFFFFFA0] =	vst v0  }
0x330: {  	s4 =	simm.s32 $0x8;
	s5 =	simm.s32 $0xF80;
	v14 =	vpop (erf);
	v11 =	vmul.f32 v20, v2;
	v20 =	vmul.f32 v21, v59;
	[tilespmem:s6+$0x20] =	vst v1  }
.LBB2_6:
0x331: {  	v0 =	vld [tilespmem:s5+$0x30]  }
0x332: {  	v1 =	vmul.f32 v21, v30;
	v21 =	vld [tilespmem:s5+$0xFFFFFFD0]  }
0x333: {  	v22 =	vld [tilespmem:s5+$0xFFFFFFE0]  }
0x334: {  	v2 =	vmul.f32 v14, v26;
	v26 =	vld [tilespmem:s5+$0xFFFFFFF0];
	s0 =	sadd.s32 $0x180, s0;
	[tilespmem:s6+$0xA0] =	vst v11  }
0x335: {  	[tilespmem:s3+$0xFFFFFF40] =	vst v20;
	v34 =	vld [tilespmem:s0+$0xFFFFFFB0]  }
0x336: {  	v19 =	vpop (erf);
	v16 =	vmul.f32 v14, v16;
	v20 =	vmul.f32 v14, v29;
	[tilespmem:s3+$0xFFFFFFC0] =	vst v12;
	v36 =	vld [tilespmem:s0+$0x30]  }
0x337: {  	v11 =	vpop (erf);
	v25 =	vmul.f32 v19, v25;
	v15 =	vmul.f32 v19, v15;
	v44 =	vld [tilespmem:s0+$0xB0];
	[tilespmem:s3+$0x40] =	vst v1  }
0x338: {  	v1 =	vmul.f32 v19, v28;
	v19 =	vmul.f32 v11, v24;
	v24 =	vld [tilespmem:s5+$0x0];
	[tilespmem:s3+$0xFFFFFF50] =	vst v2  }
0x339: {  	v14 =	vpop (erf);
	v2 =	vmul.f32 v11, v13;
	v13 =	vmul.f32 v11, v27;
	v27 =	vld [tilespmem:s5+$0x10];
	[tilespmem:s3+$0xFFFFFFD0] =	vst v16  }
0x33a: {  	v31 =	vld [tilespmem:s5+$0x20];
	v16 =	vmul.f32 v14, v23;
	[tilespmem:s3+$0x50] =	vst v20;
	v29 =	vshrl.u32 v0, $0xE  }
0x33b: {  	v20 =	vld [tilespmem:s5+$0xFFFFFFC0];
	[tilespmem:s3+$0xFFFFFF60] =	vst v25;
	v28 =	vshrl.u32 v0, $0x7;
	v23 =	vshrl.u32 v21, $0x7;
	v0 =	vand.u32 $0x7F, v0  }
0x33c: {  	[tilespmem:s3+$0xFFFFFFE0] =	vst v15;
	v51 =	vld [tilespmem:s0+$0xFFFFFFC0];
	v30 =	vshrl.u32 v21, $0xE;
	v32 =	vshrl.u32 v22, $0x7;
	v33 =	vshrl.u32 v22, $0xE  }
0x33d: {  	[tilespmem:s3+$0x60] =	vst v1;
	v55 =	vld [tilespmem:s0+$0xFFFFFFD0];
	v58 =	vshrl.u32 v26, $0x7;
	v35 =	vshrl.u32 v26, $0xE;
	v21 =	vand.u32 $0x7F, v21  }
0x33e: {  	[tilespmem:s3+$0xFFFFFF70] =	vst v19;
	v28 =	vand.u32 $0x7F, v28;
	v25 =	vand.u32 $0x7F, v32;
	v32 =	vand.u32 $0x7F, v58;
	v58 =	vld [tilespmem:s0+$0xFFFFFF60]  }
0x33f: {  	[tilespmem:s3+$0xFFFFFF80] =	vst v16;
	v22 =	vand.u32 $0x7F, v22;
	v16 =	vand.u32 $0x7F, v26;
	v23 =	vand.u32 $0x7F, v23;
	v37 =	vld.idx.msk [tilespmem:v29+s7+$0x0], $0xffff  }
0x340: {  	[tilespmem:s3+$0xFFFFFFF0] =	vst v2;
	v15 =	vshrl.u32 v24, $0x7;
	v38 =	vshrl.u32 v24, $0xE;
	v40 =	vshrl.u32 v27, $0xE;
	v46 =	vld.idx.msk [tilespmem:v0+s17+$0x0], $0xffff  }
0x341: {  	[tilespmem:s3+$0x70] =	vst v13;
	v45 =	vshrl.u32 v31, $0xE;
	v13 =	vand.u32 $0x7F, v24;
	v1 =	vand.u32 $0x7F, v15;
	v62 =	vld.idx.msk [tilespmem:v33+s7+$0x0], $0xffff  }
0x342: {  	v15 =	vshrl.u32 v27, $0x7;
	v2 =	vshrl.u32 v20, $0x7;
	v42 =	vshrl.u32 v20, $0xE;
	v63 =	vld.idx.msk [tilespmem:v35+s7+$0x0], $0xffff  }
0x343: {  	v19 =	vand.u32 $0x7F, v20;
	v20 =	vcvt.s32.f32 v28;
	v39 =	vand.u32 $0x7F, v15;
	v41 =	vld.idx.msk [tilespmem:v28+s16+$0x0], $0xffff  }
0x344: {  	v15 =	vshrl.u32 v31, $0x7;
	v2 =	vand.u32 $0x7F, v2;
	v57 =	vcvt.s32.f32 v19;
	v47 =	vld.idx.msk [tilespmem:v23+s16+$0x0], $0xffff  }
0x345: {  	v43 =	vand.u32 $0x7F, v15;
	v15 =	vcvt.s32.f32 v29;
	v0 =	vcvt.s32.f32 v0;
	v28 =	vld.idx.msk [tilespmem:v25+s16+$0x0], $0xffff  }
0x346: {  	v33 =	vcvt.s32.f32 v33;
	v35 =	vcvt.s32.f32 v35;
	[tilespmem:s3+$0xFFFFFFB0] =	vst v18;
	v24 =	vld.idx.msk [tilespmem:v32+s16+$0x0], $0xffff;
	v18 =	vadd.f32 v20, v36  }
0x347: {  	v20 =	vand.u32 $0x7F, v31;
	v36 =	vcvt.s32.f32 v23;
	v25 =	vcvt.s32.f32 v25;
	v48 =	vld.idx.msk [tilespmem:v38+s7+$0x0], $0xffff  }
0x348: {  	[tilespmem:s3+$0x30] =	vst v17;
	v17 =	vadd.f32 v15, v34;
	v15 =	vand.u32 $0x7F, v27;
	v0 =	vadd.f32 v0, v44;
	v49 =	vld.idx.msk [tilespmem:v40+s7+$0x0], $0xffff  }
0x349: {  	v38 =	vcvt.s32.f32 v38;
	v50 =	vld.idx.msk [tilespmem:v45+s7+$0x0], $0xffff;
	v40 =	vcvt.s32.f32 v40;
	v33 =	vadd.f32 v33, v58  }
0x34a: {  	v45 =	vcvt.s32.f32 v45;
	v58 =	vld [tilespmem:s0+$0x0];
	v36 =	vadd.f32 v36, v55;
	v27 =	vadd.f32 v37, v37  }
0x34b: {  	v26 =	vld.idx.msk [tilespmem:v1+s16+$0x0], $0xffff;
	v1 =	vcvt.s32.f32 v1;
	v29 =	vadd.f32 v41, v41;
	v41 =	vadd.f32 v47, v47  }
0x34c: {  	v59 =	vld.idx.msk [tilespmem:v2+s16+$0x0], $0xffff;
	v2 =	vcvt.s32.f32 v2;
	v28 =	vadd.f32 v28, v28;
	v24 =	vadd.f32 v24, v24  }
0x34d: {  	v54 =	vld [tilespmem:s0+$0xFFFFFF50];
	v17 =	vmul.f32 v17, v27;
	v27 =	vmul.f32 v18, v29;
	v29 =	vadd.f32 v46, v46  }
0x34e: {  	v61 =	vld.idx.msk [tilespmem:v42+s7+$0x0], $0xffff;
	v42 =	vcvt.s32.f32 v42;
	v47 =	vadd.f32 v63, v63;
	v2 =	vadd.f32 v2, v51  }
0x34f: {  	v31 =	vld.idx.msk [tilespmem:v39+s16+$0x0], $0xffff;
	v18 =	vadd.f32 v17, v4;
	v17 =	vadd.f32 v27, v3;
	v0 =	vmul.f32 v0, v29  }
0x350: {  	v39 =	vcvt.s32.f32 v39;
	v60 =	vld.idx.msk [tilespmem:v43+s16+$0x0], $0xffff;
	v49 =	vadd.f32 v49, v49;
	v1 =	vadd.f32 v1, v58  }
0x351: {  	v27 =	vld.idx.msk [tilespmem:v30+s7+$0x0], $0xffff;
	v37 =	vadd.f32 v0, v5;
	v0 =	vmul.f32 v18, v18;
	v23 =	vmul.f32 v17, v17  }
0x352: {  	v43 =	vcvt.s32.f32 v43;
	v26 =	vadd.f32 v26, v26;
	v34 =	vadd.f32 v59, v59;
	v59 =	vld [tilespmem:s0+$0xFFFFFFE0]  }
0x353: {  	v46 =	vadd.f32 v61, v61;
	v61 =	vld [tilespmem:s0+$0xFFFFFF80];
	v0 =	vadd.f32 v23, v0;
	v23 =	vmul.f32 v37, v37  }
0x354: {  	v51 =	vld [tilespmem:s0+$0xFFFFFF70];
	v36 =	vmul.f32 v36, v41;
	v31 =	vadd.f32 v31, v31;
	v30 =	vcvt.s32.f32 v30  }
0x355: {  	v29 =	vcvt.s32.f32 v32;
	v44 =	vadd.f32 v60, v60;
	v60 =	vld [tilespmem:s0+$0xFFFFFFF0];
	v23 =	vadd.f32 v23, v0  }
0x356: {  	v2 =	vmul.f32 v2, v34;
	v34 =	vld [tilespmem:s0+$0xFFFFFF90];
	v30 =	vadd.f32 v30, v54;
	v27 =	vadd.f32 v27, v27  }
0x357: {  	v41 =	vld [tilespmem:s0+$0x10];
	v25 =	vadd.f32 v25, v59;
	v52 =	vshra.s32 v23, $0x1;
	v53 =	vmul.f32 $5.000000000e-01, v23  }
0x358: {  	v27 =	vmul.f32 v30, v27;
	v30 =	vadd.f32 v38, v61;
	v38 =	vld [tilespmem:s0+$0x20];
	v52 =	vsub.s32 $0x5F3759DF, v52  }
0x359: {  	v32 =	vadd.f32 v62, v62;
	v1 =	vmul.f32 v1, v26;
	v61 =	vld.idx.msk [tilespmem:v19+s17+$0x0], $0xffff;
	v56 =	vmul.f32 v52, v53  }
0x35a: {  	v35 =	vadd.f32 v35, v51;
	v25 =	vmul.f32 v25, v28;
	v28 =	vadd.f32 v29, v60  }
0x35b: {  	v54 =	vcvt.s32.f32 v22;
	v22 =	vld.idx.msk [tilespmem:v22+s17+$0x0], $0xffff;
	v19 =	vadd.f32 v40, v34;
	v56 =	vmul.f32 v52, v56  }
0x35c: {  	v26 =	vadd.f32 v39, v41;
	v0 =	vld [tilespmem:s0+$0xFFFFFF40];
	v24 =	vmul.f32 v28, v24;
	v28 =	vmul.f32 v35, v47  }
0x35d: {  	v35 =	vmul.f32 v19, v49;
	v19 =	vadd.f32 v2, v3;
	v2 =	vld.idx.msk [tilespmem:v13+s17+$0x0], $0xffff;
	v56 =	vsub.f32 $1.500000000e+00, v56  }
0x35e: {  	v62 =	vcvt.s32.f32 v13;
	v13 =	vadd.f32 v43, v38;
	v38 =	vadd.f32 v61, v61;
	v61 =	vld [tilespmem:s0+$0x40]  }
0x35f: {  	v55 =	vcvt.s32.f32 v16;
	v29 =	vld [tilespmem:s0+$0xFFFFFFA0];
	v52 =	vmul.f32 v52, v56  }
0x360: {  	v63 =	vcvt.s32.f32 v15;
	v48 =	vadd.f32 v48, v48;
	v26 =	vmul.f32 v26, v31  }
0x361: {  	v0 =	vadd.f32 v42, v0;
	v42 =	vcvt.s32.f32 v21;
	v21 =	vld.idx.msk [tilespmem:v21+s17+$0x0], $0xffff;
	v59 =	vmul.f32 v52, v53  }
0x362: {  	v50 =	vadd.f32 v50, v50;
	v43 =	vadd.f32 v22, v22;
	v56 =	vcvt.s32.f32 v20;
	v20 =	vld.idx.msk [tilespmem:v20+s17+$0x0], $0xffff  }
0x363: {  	v22 =	vadd.f32 v26, v3;
	v26 =	vadd.f32 v57, v61;
	v61 =	vld [tilespmem:s0+$0xA0];
	v60 =	vmul.f32 v59, v52  }
0x364: {  	v32 =	vmul.f32 v33, v32;
	v30 =	vmul.f32 v30, v48;
	v29 =	vadd.f32 v45, v29;
	v59 =	vld.idx.msk [tilespmem:v16+s17+$0x0], $0xffff  }
0x365: {  	v41 =	vmul.f32 v19, v19;
	v0 =	vmul.f32 v0, v46;
	v58 =	vsub.f32 $1.500000000e+00, v60;
	v60 =	vld.idx.msk [tilespmem:v15+s17+$0x0], $0xffff  }
0x366: {  	v15 =	vadd.f32 v25, v3;
	v25 =	vmul.f32 v13, v44;
	v13 =	vadd.f32 v24, v3;
	v24 =	vld [tilespmem:s0+$0x50]  }
0x367: {  	v29 =	vmul.f32 v29, v50;
	v2 =	vadd.f32 v2, v2;
	v40 =	vadd.f32 v21, v21;
	v44 =	vld [tilespmem:s0+$0x60]  }
0x368: {  	v38 =	vmul.f32 v26, v38;
	v26 =	vadd.f32 v27, v4;
	v33 =	vmul.f32 v58, v52;
	v58 =	vld [tilespmem:s0+$0x80]  }
0x369: {  	v16 =	vadd.f32 v36, v3;
	v50 =	vadd.f32 v56, v61;
	v46 =	vmul.f32 v15, v15  }
0x36a: {  	v34 =	vadd.f32 v59, v59;
	v59 =	vld [tilespmem:s0+$0x90];
	v31 =	vmul.f32 v33, v53;
	v36 =	vadd.f32 v60, v60  }
0x36b: {  	v39 =	vmul.f32 v13, v13;
	v53 =	vld [tilespmem:s0+$0x70];
	v60 =	vadd.f32 v20, v20;
	v20 =	vadd.f32 v0, v4  }
0x36c: {  	v0 =	vadd.f32 v42, v24;
	v24 =	vadd.f32 v54, v44;
	v21 =	vmul.f32 v31, v33  }
0x36d: {  	v31 =	vadd.f32 v1, v3;
	v1 =	vmul.f32 v16, v16;
	v49 =	vadd.f32 v62, v58  }
0x36e: {  	v0 =	vmul.f32 v0, v40;
	v47 =	vmul.f32 v24, v43;
	v24 =	vadd.f32 v28, v4  }
0x36f: {  	v52 =	vsub.f32 $1.500000000e+00, v21;
	v28 =	vadd.f32 v63, v59;
	v2 =	vmul.f32 v49, v2  }
0x370: {  	v27 =	vadd.f32 v55, v53;
	v53 =	vmul.f32 v20, v20;
	v55 =	vmul.f32 v26, v26  }
0x371: {  	v21 =	vadd.f32 v25, v3;
	v57 =	vmul.f32 v24, v24;
	v25 =	vmul.f32 v52, v33  }
0x372: {  	v33 =	vadd.f32 v35, v4;
	v51 =	vmul.f32 v28, v36;
	v52 =	vmul.f32 v22, v22  }
0x373: {  	v28 =	vadd.f32 v47, v5;
	v54 =	vmul.f32 v21, v21;
	v27 =	vmul.f32 v27, v34  }
0x374: {  	v34 =	vmul.f32 v50, v60;
	v41 =	vadd.f32 v41, v53;
	v1 =	vadd.f32 v1, v55  }
0x375: {  	v63 =	vadd.f32 v39, v57;
	v23 =	vmul.f32 v25, v23;
	v25 =	vadd.f32 v32, v4  }
0x376: {  	v32 =	vadd.f32 v29, v4;
	v29 =	vadd.f32 v0, v5;
	v0 =	vmul.f32 v31, v31  }
0x377: {  	v36 =	vadd.f32 v51, v5;
	v58 =	vmul.f32 v33, v33;
	v23 =	vadd.f32 $9.999999930e-09, v23  }
0x378: {  	v12 =	vpop (erf);
	v27 =	vadd.f32 v27, v5;
	v35 =	vadd.f32 v34, v5;
	v56 =	vmul.f32 v25, v25  }
0x379: {  	v11 =	vpop (erf);
	v59 =	vmul.f32 v32, v32;
	v52 =	vadd.f32 v52, v58;
	(erf) = vrcp.f32 v23  }
0x37a: {  	v62 =	vmul.f32 v29, v29;
	v23 =	vadd.f32 v30, v4;
	v30 =	vadd.f32 v38, v5  }
0x37b: {  	v38 =	vadd.f32 v2, v5;
	v53 =	vadd.f32 v54, v59;
	v54 =	vmul.f32 v27, v27  }
0x37c: {  	v61 =	vadd.f32 v46, v56;
	v56 =	vmul.f32 v35, v35;
	v2 =	vmul.f32 v23, v23  }
0x37d: {  	v39 =	vadd.f32 v62, v1;
	v1 =	vmul.f32 v36, v36;
	v40 =	vadd.f32 v54, v63  }
0x37e: {  	v44 =	vadd.f32 v56, v53;
	v0 =	vadd.f32 v0, v2;
	v2 =	vmul.f32 v28, v28  }
0x37f: {  	v60 =	vmul.f32 v30, v30;
	v55 =	vmul.f32 v38, v38;
	v59 =	vshra.s32 v40, $0x1  }
0x380: {  	v48 =	vmul.f32 $5.000000000e-01, v40;
	v62 =	vshra.s32 v44, $0x1;
	v42 =	vadd.f32 v2, v61  }
0x381: {  	v47 =	vsub.s32 $0x5F3759DF, v59;
	v54 =	vsub.s32 $0x5F3759DF, v62;
	v43 =	vadd.f32 v55, v0  }
0x382: {  	v0 =	vshra.s32 v39, $0x1;
	v58 =	vshra.s32 v42, $0x1;
	v46 =	vmul.f32 $5.000000000e-01, v42;
	v34 =	vpop (erf)  }
0x383: {  	v55 =	vmul.f32 $5.000000000e-01, v44;
	v45 =	vsub.s32 $0x5F3759DF, v58;
	v37 =	vmul.f32 v34, v37  }
0x384: {  	s6 =	smov.u32 s3;
	s3 =	sadd.s32 $0x180, s3;
	v59 =	vmul.f32 v47, v48;
	v0 =	vsub.s32 $0x5F3759DF, v0;
	v58 =	vmul.f32 v45, v46  }
0x385: {  	v51 =	vmul.f32 $5.000000000e-01, v43;
	v62 =	vmul.f32 v54, v55;
	[tilespmem:s3+$0xB0] =	vst v37;
	v37 =	vadd.f32 v60, v41  }
0x386: {  	v59 =	vmul.f32 v47, v59;
	v41 =	vadd.f32 v1, v52;
	v58 =	vmul.f32 v45, v58  }
0x387: {  	v1 =	vmul.f32 $5.000000000e-01, v39;
	v57 =	vshra.s32 v37, $0x1;
	v2 =	vmul.f32 $5.000000000e-01, v37  }
0x388: {  	v61 =	vshra.s32 v41, $0x1;
	v53 =	vmul.f32 $5.000000000e-01, v41;
	v58 =	vsub.f32 $1.500000000e+00, v58  }
0x389: {  	v49 =	vsub.s32 $0x5F3759DF, v57;
	v52 =	vsub.s32 $0x5F3759DF, v61;
	v57 =	vmul.f32 v0, v1  }
0x38a: {  	v60 =	vshra.s32 v43, $0x1;
	v56 =	vmul.f32 v49, v2;
	v61 =	vmul.f32 v52, v53  }
0x38b: {  	v50 =	vsub.s32 $0x5F3759DF, v60;
	v45 =	vmul.f32 v45, v58;
	v57 =	vmul.f32 v0, v57  }
0x38c: {  	v60 =	vmul.f32 v50, v51;
	v56 =	vmul.f32 v49, v56  }
0x38d: {  	v61 =	vmul.f32 v52, v61;
	v58 =	vmul.f32 v45, v46;
	v57 =	vsub.f32 $1.500000000e+00, v57  }
0x38e: {  	v62 =	vmul.f32 v54, v62;
	v60 =	vmul.f32 v50, v60;
	v56 =	vsub.f32 $1.500000000e+00, v56  }
0x38f: {  	v58 =	vmul.f32 v58, v45;
	v0 =	vmul.f32 v0, v57;
	v57 =	vsub.f32 $1.500000000e+00, v61  }
0x390: {  	v49 =	vmul.f32 v49, v56;
	v56 =	vsub.f32 $1.500000000e+00, v59;
	v59 =	vsub.f32 $1.500000000e+00, v60  }
0x391: {  	v60 =	vsub.f32 $1.500000000e+00, v62;
	v52 =	vmul.f32 v52, v57;
	v57 =	vmul.f32 v0, v1  }
0x392: {  	v58 =	vsub.f32 $1.500000000e+00, v58;
	v47 =	vmul.f32 v47, v56;
	v50 =	vmul.f32 v50, v59  }
0x393: {  	v56 =	vmul.f32 v49, v2;
	v54 =	vmul.f32 v54, v60  }
0x394: {  	v45 =	vmul.f32 v58, v45;
	v61 =	vmul.f32 v52, v53  }
0x395: {  	v57 =	vmul.f32 v57, v0;
	v59 =	vmul.f32 v47, v48  }
0x396: {  	v60 =	vmul.f32 v50, v51;
	v62 =	vmul.f32 v54, v55  }
0x397: {  	v56 =	vmul.f32 v56, v49;
	v46 =	vmul.f32 v45, v46  }
0x398: {  	v61 =	vmul.f32 v61, v52;
	v57 =	vsub.f32 $1.500000000e+00, v57;
	v59 =	vmul.f32 v59, v47  }
0x399: {  	v56 =	vsub.f32 $1.500000000e+00, v56;
	v60 =	vmul.f32 v60, v50;
	v62 =	vmul.f32 v62, v54  }
0x39a: {  	v46 =	vmul.f32 v46, v45;
	v0 =	vmul.f32 v57, v0;
	v57 =	vsub.f32 $1.500000000e+00, v61  }
0x39b: {  	v49 =	vmul.f32 v56, v49;
	v56 =	vsub.f32 $1.500000000e+00, v59;
	v59 =	vsub.f32 $1.500000000e+00, v60  }
0x39c: {  	v60 =	vsub.f32 $1.500000000e+00, v62;
	v52 =	vmul.f32 v57, v52;
	v1 =	vmul.f32 v0, v1  }
0x39d: {  	v46 =	vsub.f32 $1.500000000e+00, v46;
	v47 =	vmul.f32 v56, v47;
	v50 =	vmul.f32 v59, v50  }
0x39e: {  	v2 =	vmul.f32 v49, v2;
	v54 =	vmul.f32 v60, v54  }
0x39f: {  	v45 =	vmul.f32 v46, v45;
	v53 =	vmul.f32 v52, v53  }
0x3a0: {  	v1 =	vmul.f32 v1, v0;
	v48 =	vmul.f32 v47, v48  }
0x3a1: {  	v51 =	vmul.f32 v50, v51;
	v2 =	vmul.f32 v2, v49  }
0x3a2: {  	v55 =	vmul.f32 v54, v55;
	v53 =	vmul.f32 v53, v52;
	v1 =	vsub.f32 $1.500000000e+00, v1  }
0x3a3: {  	v59 =	vmul.f32 v45, v42;
	v48 =	vmul.f32 v48, v47;
	v2 =	vsub.f32 $1.500000000e+00, v2  }
0x3a4: {  	v51 =	vmul.f32 v51, v50;
	v0 =	vmul.f32 v1, v0;
	v1 =	vsub.f32 $1.500000000e+00, v53  }
0x3a5: {  	v55 =	vmul.f32 v55, v54;
	v2 =	vmul.f32 v2, v49  }
0x3a6: {  	v48 =	vsub.f32 $1.500000000e+00, v48;
	v63 =	vsub.f32 $1.500000000e+00, v51;
	v1 =	vmul.f32 v1, v52  }
0x3a7: {  	v55 =	vsub.f32 $1.500000000e+00, v55;
	v0 =	vmul.f32 v0, v39;
	v2 =	vmul.f32 v2, v37  }
0x3a8: {  	v62 =	vld [tilespmem:$0x1FDE0];
	v56 =	vmul.f32 v48, v47;
	v57 =	vmul.f32 v63, v50  }
0x3a9: {  	v58 =	vmul.f32 v55, v54;
	v1 =	vmul.f32 v1, v41;
	v2 =	vadd.f32 $9.999999930e-09, v2  }
0x3aa: {  	v0 =	vadd.f32 $9.999999930e-09, v0;
	v40 =	vmul.f32 v56, v40;
	v60 =	vmul.f32 v57, v43  }
0x3ab: {  	v61 =	vadd.f32 $9.999999930e-09, v59;
	v37 =	vmul.f32 v58, v44;
	(erf) = vrcp.f32 v2  }
0x3ac: {  	v40 =	vadd.f32 $9.999999930e-09, v40;
	v2 =	vadd.f32 $9.999999930e-09, v60;
	(erf) = vrcp.f32 v0  }
0x3ad: {  	v0 =	vadd.f32 $9.999999930e-09, v37;
	v37 =	vmul.f32 v14, v62;
	(erf) = vrcp.f32 v61  }
0x3ae: {  	v1 =	vadd.f32 $9.999999930e-09, v1;
	v14 =	vmul.f32 v14, v7;
	(erf) = vrcp.f32 v40  }
0x3af: {  	v63 =	vmov v31;
	(erf) = vrcp.f32 v2;
	v2 =	vmul.f32 v12, v6  }
0x3b0: {  	[tilespmem:$0x1FDE0] =	vst v63;
	(erf) = vrcp.f32 v1;
	v1 =	vld [tilespmem:$0x1FDF0]  }
0x3b1: {  	[tilespmem:s6+$0xFFFFFF90] =	vst v2;
	v2 =	vld [tilespmem:$0x1FE00]  }
0x3b2: {  	[tilespmem:s6+$0x0] =	vst v37  }
0x3b3: {  	s4 =	sadd.s32 $0x8, s4;
	[tilespmem:s6+$0x80] =	vst v14;
	v14 =	vmov v22;
	(erf) = vrcp.f32 v0;
	v0 =	vmul.f32 v12, v10  }
0x3b4: {  	p0 =	slt.u32 s4, $0xC0;
	[tilespmem:$0x1FDF0] =	vst v14  }
.Ltmp6:
0x3b5: {  	[tilespmem:s6+$0x90] =	vst v0;
	v1 =	vmul.f32 v12, v1;
	v12 =	vmov v21;
	(pc) =	sbr.rel @p0 .LBB2_6-.Ltmp6, $4  }
0x3b6: {  	v18 =	vmul.f32 v34, v18;
	v2 =	vmul.f32 v11, v2;
	[tilespmem:$0x1FE00] =	vst v12  }
0x3b7: {  	v17 =	vmul.f32 v34, v17;
	v7 =	vmov v38;
	v21 =	vpop (erf);
	[tilespmem:s6+$0x10] =	vst v1;
	v1 =	vmul.f32 v11, v8  }
0x3b8: {  	v6 =	vmovc v33;
	v10 =	vmov v36;
	v20 =	vmul.f32 v21, v20;
	v12 =	vmul.f32 v21, v19;
	[tilespmem:s6+$0x20] =	vst v2  }
0x3b9: {  	s5 =	sadd.s32 $0x80, s5;
	v14 =	vpop (erf);
	v8 =	vmov v32;
	v11 =	vmul.f32 v11, v9;
	v9 =	vmov v35;
	[tilespmem:s6+$0xFFFFFFA0] =	vst v1  }
0x3ba: {  	[tilespmem:s3+$0xFFFFFF40] =	vst v20  }
0x3bb: {  	[tilespmem:s3+$0xFFFFFFC0] =	vst v12  }
0x3bc: {  	v0 =	vmul.f32 v21, v30;
	[tilespmem:s3+$0xFFFFFFB0] =	vst v18  }
0x3bd: {  	v1 =	vmul.f32 v14, v26;
	[tilespmem:s6+$0xA0] =	vst v11  }
0x3be: {  	v2 =	vmul.f32 v14, v16;
	[tilespmem:s3+$0x40] =	vst v0  }
0x3bf: {  	v49 =	vpop (erf);
	v50 =	vmul.f32 v14, v29;
	[tilespmem:s3+$0xFFFFFF50] =	vst v1  }
0x3c0: {  	v51 =	vmul.f32 v49, v25;
	[tilespmem:s3+$0xFFFFFFD0] =	vst v2  }
0x3c1: {  	v52 =	vmul.f32 v49, v15;
	[tilespmem:s3+$0x50] =	vst v50  }
0x3c2: {  	v53 =	vpop (erf);
	v0 =	vmul.f32 v49, v28;
	[tilespmem:s3+$0xFFFFFF60] =	vst v51  }
0x3c3: {  	v54 =	vmul.f32 v53, v24;
	[tilespmem:s3+$0xFFFFFFE0] =	vst v52  }
0x3c4: {  	v55 =	vmul.f32 v53, v13;
	[tilespmem:s3+$0x60] =	vst v0  }
0x3c5: {  	v56 =	vpop (erf);
	v11 =	vmul.f32 v53, v27;
	[tilespmem:s3+$0xFFFFFF70] =	vst v54  }
0x3c6: {  	v57 =	vmul.f32 v56, v23;
	[tilespmem:s3+$0xFFFFFFF0] =	vst v55  }
0x3c7: {  	[tilespmem:s3+$0x70] =	vst v11  }
0x3c8: {  	[tilespmem:s3+$0xFFFFFF80] =	vst v57  }
0x3c9: {  	v1 =	vld [tilespmem:$0x1FDE0];
	_ =	sdelay $0x3  }
0x3ca: {  	v0 =	vmul.f32 v56, v7  }
0x3cb: {  	[tilespmem:s3+$0x30] =	vst v17;
	v1 =	vmul.f32 v56, v1  }
0x3cc: {  	[tilespmem:s3+$0x80] =	vst v0  }
0x3cd: {  	[tilespmem:s3+$0x0] =	vst v1  }
0x3ce: {  	v0 =	vld [tilespmem:$0x1FDF0];
	_ =	sdelay $0x2  }
0x3cf: {  	v58 =	vpop (erf)  }
0x3d0: {  	v59 =	vmul.f32 v58, v6  }
0x3d1: {  	v0 =	vmul.f32 v58, v0  }
0x3d2: {  	[tilespmem:s3+$0xFFFFFF90] =	vst v59  }
0x3d3: {  	[tilespmem:s3+$0x10] =	vst v0  }
0x3d4: {  	v62 =	vld [tilespmem:$0x1FE00];
	_ =	sdelay $0x1  }
0x3d5: {  	v4 =	vpop (erf);
	v60 =	vmul.f32 v58, v10  }
0x3d6: {  	s0 =	sshll.u32 s30, $0x5;
	v61 =	vmul.f32 v4, v8  }
.Ltmp7:
0x3d7: {  	s0 =	sor.u32 s9, s0;
	v63 =	vmul.f32 v4, v9;
	[tilespmem:s3+$0x90] =	vst v60;
	(pc) =	sbr.rel .LBB2_8-.Ltmp7, $4  }
0x3d8: {  	s0 =	smul.u32 $0x4B0, s0;
	[tilespmem:s3+$0xFFFFFFA0] =	vst v61;
	v2 =	vmul.f32 v4, v62  }
0x3d9: {  	[tilespmem:s3+$0xA0] =	vst v63  }
0x3da: {  	s0 =	sadd.s32 s10, s0;
	[tilespmem:s3+$0x20] =	vst v2  }
0x3db: {  	[hbm4b:s0+s7] =	stream.linear.scatter [tilespmem:s24], [sflag:$0x4], $0x2580, $0x38;
	[tilespmem:$0xB0C0] =	vst v63  }
.LBB2_10:
0x3dc: {  	_ =	sfence.sel $0x180000  }
0x3dd: {  	[bflag:$0x0] =	sbarrier.arrive $0xFFFF  }
0x3de: {  	_ =	strace $0x90000047  }
0x3df: {  	s0 =	stileid.u32;
	[bflag:$0x2] =	sbarrier.arrive $0xFFFF  }
0x3e0: {  	p0 =	sne.s32 s0, $0x0;
	s0 =	rddreg [dreg:$0x6]  }
0x3e1: {  	s0 =	sadd.s32 @!p0 $0x100000, s0  }
0x3e2: {  	[sflag:s0] =	ssyncadd.tile.s32 @!p0 $0x1;
	_ =	shalt  }
.Lfunc_end2:
_tile_overlayer_lowered:
.L_overlay_start_2:
0x3e3: {  	(tag) =	ssettag $0x2  }
0x3e4: {  	s0 =	rddreg [dreg:$0x0];
	s2 =	stileid.u32  }
0x3e5: {  	s1 =	rddreg [dreg:$0x1];
	p0 =	sne.s32 s2, $0x0  }
0x3e6: {  	s3 =	rddreg [dreg:$0x2];
	[bflag:$0x3] =	sbarrier.arrive $0xFFFF;
	s2 =	simm.s32 @!p0 $0x1C05  }
0x3e7: {  	[timem:s3], [sflag:s2] =	dma.local @!p0 [hbm:s0], s1  }
0x3e8: {  	s0 =	simm.s32 @!p0 $0x5  }
0x3e9: {  	_ =	swait.ge @!p0 [sflag:s0], s1  }
0x3ea: {  	s1 =	ssub.s32 @!p0 $0x0, s1;
	[sflag:s0] =	ssyncset.done @!p0 $0x0  }
0x3eb: {  	[sflag:s0] =	ssyncadd.s32 @!p0 s1  }
0x3ec: {  	[bflag:$0x3] =	sbarrier.arrive $0xFFFF  }
0x3ed: {  	_ =	shalt  }

</sc_bundles>
